<compile_context>
chip_gen: v7x
topology: tpu7x:2x2x1
jax: 0.10.2.dev20260603
libtpu: 0.0.44.dev20260713+nightly
codegen_flags: <defaults>
</compile_context>

<pallas_src>
import functools

import numpy as np
import jax
import jax.numpy as jnp
from jax import lax
from jax.experimental import pallas as pl
from jax.experimental.pallas import tpu as pltpu
from jax.experimental.pallas import tpu_sc as plsc

ALPHA = 0.4
THETA = 0.9

BN = 2000

_NC, _NS = 2, 16
_NW = _NC * _NS
_CH = 128
_KD = 16


def _n_acc(n):
    return (n // 128 + 1) * 128


_NB = 2


def _sc_prop(n, h2, k):
    n_acc = _n_acc(n)
    rpt = n_acc // _NS
    h = h2 // 2
    mesh = plsc.VectorSubcoreMesh(core_axis_name="c", subcore_axis_name="s")

    @functools.partial(
        pl.kernel,
        out_type=[jax.ShapeDtypeStruct((_NC, n_acc, h), jnp.float32),
                  jax.ShapeDtypeStruct((_NC, n_acc, h), jnp.float32)],
        mesh=mesh,
        compiler_params=pltpu.CompilerParams(use_tc_tiling_on_sc=False),
        scratch_types=[
            pltpu.VMEM((k, _CH), jnp.int32),
            pltpu.VMEM((k, _CH), jnp.int32),
            pltpu.VMEM((_CH, h), jnp.float32),
            pltpu.VMEM((_CH, h), jnp.float32),
            pltpu.VMEM_SHARED((n_acc, h), jnp.float32),
            pltpu.VMEM_SHARED((n_acc, h), jnp.float32),
        ] + [pltpu.SemaphoreType.DMA] * 4,
    )
    def prop2(hs_hbm, gs_hbm, rowp_hbm, colp_hbm, zeros_hbm, outh, outg,
              row_v, col_v, rbh, rbg, acch, accg, gh, gg, sh, sg):
        cid = lax.axis_index("c")
        sid = lax.axis_index("s")
        wid = cid * _NS + sid
        pltpu.sync_copy(rowp_hbm.at[wid], row_v)
        pltpu.sync_copy(colp_hbm.at[wid], col_v)
        zb = sid * rpt
        pltpu.sync_copy(zeros_hbm.at[pl.ds(zb, rpt)], acch.at[pl.ds(zb, rpt)])
        pltpu.sync_copy(zeros_hbm.at[pl.ds(zb, rpt)], accg.at[pl.ds(zb, rpt)])
        plsc.subcore_barrier()

        def body(j, carry):
            dh = pltpu.async_copy(hs_hbm.at[row_v.at[j]], rbh, gh)
            dg = pltpu.async_copy(gs_hbm.at[row_v.at[j]], rbg, gg)
            dh.wait()
            s1 = pltpu.async_copy(rbh, acch.at[col_v.at[j]], sh, add=True)
            dg.wait()
            s2 = pltpu.async_copy(rbg, accg.at[col_v.at[j]], sg, add=True)
            s1.wait()
            s2.wait()
            return carry

        lax.fori_loop(0, k, body, 0)
        plsc.subcore_barrier()
        pltpu.sync_copy(acch.at[pl.ds(zb, rpt)], outh.at[cid, pl.ds(zb, rpt)])
        pltpu.sync_copy(accg.at[pl.ds(zb, rpt)], outg.at[cid, pl.ds(zb, rpt)])

    return prop2


def _sc_deg(n, k):
    n_acc = _n_acc(n)
    rpt = n_acc // _NS
    mesh = plsc.VectorSubcoreMesh(core_axis_name="c", subcore_axis_name="s")

    @functools.partial(
        pl.kernel,
        out_type=jax.ShapeDtypeStruct((_NC, n_acc, _KD), jnp.float32),
        mesh=mesh,
        compiler_params=pltpu.CompilerParams(use_tc_tiling_on_sc=False),
        scratch_types=[
            pltpu.VMEM((k, _CH), jnp.int32),
            pltpu.VMEM((_CH, _KD), jnp.float32),
            pltpu.VMEM_SHARED((n_acc, _KD), jnp.float32),
            pltpu.SemaphoreType.DMA,
        ],
    )
    def degk(colp_hbm, ones_hbm, zeros_hbm, outd, col_v, ones_v, accd, sem):
        cid = lax.axis_index("c")
        sid = lax.axis_index("s")
        wid = cid * _NS + sid
        pltpu.sync_copy(colp_hbm.at[wid], col_v)
        pltpu.sync_copy(ones_hbm, ones_v)
        zb = sid * rpt
        pltpu.sync_copy(zeros_hbm.at[pl.ds(zb, rpt)], accd.at[pl.ds(zb, rpt)])
        plsc.subcore_barrier()

        def body(j, carry):
            pltpu.async_copy(
                ones_v, accd.at[col_v.at[j]], sem, add=True).wait()
            return carry

        lax.fori_loop(0, k, body, 0)
        plsc.subcore_barrier()
        pltpu.sync_copy(accd.at[pl.ds(zb, rpt)], outd.at[cid, pl.ds(zb, rpt)])

    return degk


def _init_body(x_ref, xs_ref, degp_ref, w0_ref, b0_ref, w11_ref, b11_ref,
               h0_ref, g0_ref, hs_ref, gs_ref, dinv_ref, *, h):
    deg = jnp.sum(degp_ref[:, :, 0], axis=0)
    dinv = jnp.where(deg > 0, lax.rsqrt(deg), 0.0)[:, None]
    h0 = jnp.maximum(
        jnp.dot(x_ref[...], w0_ref[...], preferred_element_type=jnp.float32)
        + b0_ref[...], 0.0)
    g0 = jnp.maximum(
        jnp.dot(xs_ref[...], w11_ref[...], preferred_element_type=jnp.float32)
        + b11_ref[...], 0.0)
    h0_ref[...] = h0
    g0_ref[...] = g0
    hs_ref[...] = dinv * h0
    gs_ref[...] = dinv * g0
    dinv_ref[...] = dinv


def _mk_init(n, c, k, f_in, f_str_p, h):
    grid = (n + BN - 1) // BN
    return pl.pallas_call(
        functools.partial(_init_body, h=h),
        grid=(grid,),
        in_specs=[
            pl.BlockSpec((BN, f_in), lambda i: (i, 0)),
            pl.BlockSpec((BN, f_str_p), lambda i: (i, 0)),
            pl.BlockSpec((c, BN, k), lambda i: (0, i, 0)),
            pl.BlockSpec((f_in, h), lambda i: (0, 0)),
            pl.BlockSpec((1, h), lambda i: (0, 0)),
            pl.BlockSpec((f_str_p, h), lambda i: (0, 0)),
            pl.BlockSpec((1, h), lambda i: (0, 0)),
        ],
        out_specs=[
            pl.BlockSpec((BN, h), lambda i: (i, 0)),
            pl.BlockSpec((BN, h), lambda i: (i, 0)),
            pl.BlockSpec((BN, h), lambda i: (i, 0)),
            pl.BlockSpec((BN, h), lambda i: (i, 0)),
            pl.BlockSpec((BN, 1), lambda i: (i, 0)),
        ],
        out_shape=[
            jax.ShapeDtypeStruct((n, h), jnp.float32),
            jax.ShapeDtypeStruct((n, h), jnp.float32),
            jax.ShapeDtypeStruct((n, h), jnp.float32),
            jax.ShapeDtypeStruct((n, h), jnp.float32),
            jax.ShapeDtypeStruct((n, 1), jnp.float32),
        ],
    )


def _branch_out(p, dinv, z0_ref, w1_ref, w2_ref, beta):
    hp = (1.0 - ALPHA) * dinv * p
    z0a = ALPHA * z0_ref[...]
    out = ((1.0 - beta) * hp
           + beta * jnp.dot(hp, w1_ref[0], preferred_element_type=jnp.float32)
           + (1.0 - beta) * z0a
           + beta * jnp.dot(z0a, w2_ref[0], preferred_element_type=jnp.float32))
    return jnp.maximum(out, 0.0)


def _combine_body(php_ref, pgp_ref, dinv_ref, h0_ref, g0_ref,
                  w1h_ref, w2h_ref, w1g_ref, w2g_ref,
                  hs_ref, gs_ref, *, beta, h):
    dinv = dinv_ref[...]
    ph = jnp.sum(php_ref[...], axis=0)
    pg = jnp.sum(pgp_ref[...], axis=0)
    hh = _branch_out(ph, dinv, h0_ref, w1h_ref, w2h_ref, beta)
    gg = _branch_out(pg, dinv, g0_ref, w1g_ref, w2g_ref, beta)
    hs_ref[...] = dinv * hh
    gs_ref[...] = dinv * gg


def _final_body(php_ref, pgp_ref, dinv_ref, h0_ref, g0_ref,
                w1h_ref, w2h_ref, w1g_ref, w2g_ref,
                wzh_ref, bzh_ref, wzg_ref, bzg_ref,
                z_ref, z1_ref, *, beta, h):
    dinv = dinv_ref[...]
    ph = jnp.sum(php_ref[...], axis=0)
    pg = jnp.sum(pgp_ref[...], axis=0)
    hh = _branch_out(ph, dinv, h0_ref, w1h_ref, w2h_ref, beta)
    gg = _branch_out(pg, dinv, g0_ref, w1g_ref, w2g_ref, beta)
    z_ref[...] = jnp.dot(hh, wzh_ref[...], preferred_element_type=jnp.float32) + bzh_ref[...]
    z1_ref[...] = jnp.dot(gg, wzg_ref[...], preferred_element_type=jnp.float32) + bzg_ref[...]


def _layer_specs(n_acc, c, h, layer):
    return [
        pl.BlockSpec((c, BN, h), lambda i: (0, i, 0)),
        pl.BlockSpec((c, BN, h), lambda i: (0, i, 0)),
        pl.BlockSpec((BN, 1), lambda i: (i, 0)),
        pl.BlockSpec((BN, h), lambda i: (i, 0)),
        pl.BlockSpec((BN, h), lambda i: (i, 0)),
        pl.BlockSpec((1, h, h), lambda i, l=layer: (l, 0, 0)),
        pl.BlockSpec((1, h, h), lambda i, l=layer: (l, 0, 0)),
        pl.BlockSpec((1, h, h), lambda i, l=layer: (l, 0, 0)),
        pl.BlockSpec((1, h, h), lambda i, l=layer: (l, 0, 0)),
    ]


def _mk_combine(n, c, h, layer, beta):
    grid = (n + BN - 1) // BN
    return pl.pallas_call(
        functools.partial(_combine_body, beta=beta, h=h),
        grid=(grid,),
        in_specs=_layer_specs(_n_acc(n), c, h, layer),
        out_specs=[pl.BlockSpec((BN, h), lambda i: (i, 0))] * 2,
        out_shape=[jax.ShapeDtypeStruct((n, h), jnp.float32)] * 2,
    )


def _mk_final(n, c, h, layer, beta):
    grid = (n + BN - 1) // BN
    return pl.pallas_call(
        functools.partial(_final_body, beta=beta, h=h),
        grid=(grid,),
        in_specs=_layer_specs(_n_acc(n), c, h, layer) + [
            pl.BlockSpec((h, 1), lambda i: (0, 0)),
            pl.BlockSpec((1, 1), lambda i: (0, 0)),
            pl.BlockSpec((h, 1), lambda i: (0, 0)),
            pl.BlockSpec((1, 1), lambda i: (0, 0)),
        ],
        out_specs=[pl.BlockSpec((BN, 1), lambda i: (i, 0))] * 2,
        out_shape=[jax.ShapeDtypeStruct((n, 1), jnp.float32)] * 2,
    )


def kernel(x, x_str, edge_index, lin0_w, lin0_b, lin11_w, lin11_b,
           conv_w1, conv_w2, conv1_w1, conv1_w2, lins1_w, lins1_b,
           lin3_w, lin3_b):
    n, f_in = x.shape
    f_str = x_str.shape[1]
    h = lin0_w.shape[1]
    num_layers = conv_w1.shape[0]
    e = edge_index.shape[1]

    row = edge_index[0].astype(jnp.int32)
    col = edge_index[1].astype(jnp.int32)

    f_str_p = ((f_str + 7) // 8) * 8
    xs = jnp.pad(x_str, ((0, 0), (0, f_str_p - f_str)))
    w11 = jnp.pad(lin11_w, ((0, f_str_p - f_str), (0, 0)))

    k_ch = -(-e // (_NW * _CH))
    k_ch = -(-k_ch // _NB) * _NB
    e_pad = _NW * k_ch * _CH
    rowp = jnp.concatenate(
        [row, jnp.zeros((e_pad - e,), jnp.int32)]).reshape(_NW, k_ch, _CH)
    colp = jnp.concatenate(
        [col, jnp.full((e_pad - e,), n, jnp.int32)]).reshape(_NW, k_ch, _CH)
    zeros_nh = jnp.zeros((_n_acc(n), h), jnp.float32)
    zeros_nd = jnp.zeros((_n_acc(n), _KD), jnp.float32)
    ones_d = jnp.ones((_CH, _KD), jnp.float32)

    degp = _sc_deg(n, k_ch)(colp, ones_d, zeros_nd)
    prop2 = _sc_prop(n, 2 * h, k_ch)

    c = degp.shape[0]
    init = _mk_init(n, c, degp.shape[2], f_in, f_str_p, h)
    h0, g0, hs, gs, dinv = init(x, xs, degp, lin0_w, lin0_b.reshape(1, h),
                                w11, lin11_b.reshape(1, h))

    for i in range(num_layers):
        beta = float(np.log(THETA / (i + 1) + 1.0))
        php, pgp = prop2(hs, gs, rowp, colp, zeros_nh)
        if i < num_layers - 1:
            comb = _mk_combine(n, _NC, h, i, beta)
            hs, gs = comb(php, pgp, dinv, h0, g0,
                          conv_w1, conv_w2, conv1_w1, conv1_w2)
        else:
            fin = _mk_final(n, _NC, h, i, beta)
            z, z1 = fin(php, pgp, dinv, h0, g0,
                        conv_w1, conv_w2, conv1_w1, conv1_w2,
                        lins1_w, lins1_b.reshape(1, 1),
                        lin3_w, lin3_b.reshape(1, 1))
    return (z, z1)

# --- scband reference (transcript-rebuilt; emitter-appended) ---
"""Pipeline reference for scband-net-76665166234219 (READ-ONLY COPY).

The authoritative reference and input builder live on the scoring server;
editing this copy changes nothing except your own understanding.
"""

import jax, jax.numpy as jnp
import numpy as np

N = 10000
E = 320000
F_IN = 128
F_STR = 58
H = 64
L = 4
ALPHA = 0.4
THETA = 0.9


def setup_inputs(seed: int = 0):
    key = jax.random.key(seed)
    ks = jax.random.split(key, 16)
    inp = {}
    inp["x"] = jax.random.normal(ks[0], (N, F_IN), dtype=jnp.float32)
    inp["x_str"] = jax.random.normal(ks[1], (N, F_STR), dtype=jnp.float32)
    inp["edge_index"] = jax.random.randint(ks[2], (2, E), 0, N)
    inp["lin0_w"] = jax.random.normal(ks[3], (F_IN, H), dtype=jnp.float32) * (1.0 / np.sqrt(F_IN))
    inp["lin0_b"] = jnp.zeros((H,), dtype=jnp.float32)
    inp["lin11_w"] = jax.random.normal(ks[4], (F_STR, H), dtype=jnp.float32) * (1.0 / np.sqrt(F_STR))
    inp["lin11_b"] = jnp.zeros((H,), dtype=jnp.float32)
    inp["conv_w1"] = jax.random.normal(ks[5], (L, H, H), dtype=jnp.float32) * (1.0 / np.sqrt(H))
    inp["conv_w2"] = jax.random.normal(ks[6], (L, H, H), dtype=jnp.float32) * (1.0 / np.sqrt(H))
    inp["conv1_w1"] = jax.random.normal(ks[7], (L, H, H), dtype=jnp.float32) * (1.0 / np.sqrt(H))
    inp["conv1_w2"] = jax.random.normal(ks[8], (L, H, H), dtype=jnp.float32) * (1.0 / np.sqrt(H))
    inp["lins1_w"] = jax.random.normal(ks[9], (H, 1), dtype=jnp.float32) * (1.0 / np.sqrt(H))
    inp["lins1_b"] = jnp.zeros((1,), dtype=jnp.float32)
    inp["lin3_w"] = jax.random.normal(ks[10], (H, 1), dtype=jnp.float32) * (1.0 / np.sqrt(H))
    inp["lin3_b"] = jnp.zeros((1,), dtype=jnp.float32)
    return inp


def reference(x, x_str, edge_index, lin0_w, lin0_b, lin11_w, lin11_b, conv_w1, conv_w2, conv1_w1, conv1_w2, lins1_w, lins1_b, lin3_w, lin3_b):
    # Dropout layers act as identity in eval mode (training=False).
    row = edge_index[0]
    col = edge_index[1]
    # gcn_norm with add_self_loops=False
    deg = jax.ops.segment_sum(jnp.ones((E,), dtype=jnp.float32), col, num_segments=N)
    dinv = jnp.where(deg > 0, deg ** -0.5, 0.0)
    norm = dinv[row] * dinv[col]

    def prop(h):
        msg = h[row] * norm[:, None]
        return jax.ops.segment_sum(msg, col, num_segments=N)

    def gcn2(h, h0, w1, w2, layer):
        # GCN2Conv with shared_weights=False
        beta = float(np.log(THETA / layer + 1.0))
        hp = (1.0 - ALPHA) * prop(h)
        h0a = ALPHA * h0
        out = (1.0 - beta) * hp + beta * (hp @ w1)
        out = out + (1.0 - beta) * h0a + beta * (h0a @ w2)
        return out

    h = jax.nn.relu(x @ lin0_w + lin0_b)
    h0 = h
    g = jax.nn.relu(x_str @ lin11_w + lin11_b)
    g0 = g
    for i in range(L):
        h = jax.nn.relu(gcn2(h, h0, conv_w1[i], conv_w2[i], i + 1))
        g = jax.nn.relu(gcn2(g, g0, conv1_w1[i], conv1_w2[i], i + 1))
    z = h @ lins1_w + lins1_b
    z1 = g @ lin3_w + lin3_b
    return (z, z1)

if __name__ == "__main__":
    import jax
    _d = setup_inputs()
    print(jax.jit(kernel)(*tuple(_d.values())))

</pallas_src>

<mosaic_0001>
#map = affine_map<(d0, d1) -> (0, 0, 0)>
#map1 = affine_map<(d0, d1) -> (0, 0)>
module attributes {stable_mosaic.version = 14 : i64} {
  func.func @degk(%arg0: i32, %arg1: i32, %arg2: memref<32x80x128xi32, #tpu.memory_space<hbm>>, %arg3: memref<128x16xf32, #tpu.memory_space<hbm>>, %arg4: memref<10112x16xf32, #tpu.memory_space<hbm>>, %arg5: memref<2x10112x16xf32, #tpu.memory_space<hbm>>, %arg6: memref<80x128xi32, #tpu.memory_space<vmem>>, %arg7: memref<128x16xf32, #tpu.memory_space<vmem>>, %arg8: memref<10112x16xf32, #tpu.memory_space<vmem_shared>>, %arg9: memref<!tpu.dma_semaphore, #tpu.memory_space<semaphore_mem>>) attributes {dimension_semantics = [#tpu.dimension_semantics<core_parallel>, #tpu.dimension_semantics<subcore_parallel>], iteration_bounds = array<i64: 2, 16>, scalar_prefetch = 0 : i64, scratch_operands = 4 : i64, tpu.core_type = #tpu.core_type<sc_vector_subcore>, window_params = [{transform_indices = #map}, {transform_indices = #map1}, {transform_indices = #map1}, {transform_indices = #map}]} {
    %mul3A = arith.constant 16 : i32
    %mul3A_0 = arith.muli %arg0, %mul3A : i32
    %add3A = arith.addi %mul3A_0, %arg1 : i32
    "tpu.region"() ({
      %run_scoped3A = tpu.sem_alloc : memref<!tpu.dma_semaphore, #tpu.memory_space<semaphore_mem>>
      %dma_start3A = arith.constant 0 : i32
      %dma_start3A_9 = arith.constant 0 : i32
      %dma_start3A_10 = tpu.memref_slice %arg2[%add3A, %dma_start3A, %dma_start3A_9] : memref<32x80x128xi32, #tpu.memory_space<hbm>> -> memref<1x80x128xi32, #tpu.memory_space<hbm>>
      %dma_start3A_11 = tpu.memref_squeeze %dma_start3A_10 : memref<1x80x128xi32, #tpu.memory_space<hbm>> -> memref<80x128xi32, #tpu.memory_space<hbm>>
      %dma_start3A_12 = arith.constant 0 : i32
      %dma_start3A_13 = arith.constant 0 : i32
      %dma_start3A_14 = tpu.memref_slice %arg2[%add3A, %dma_start3A_12, %dma_start3A_13] : memref<32x80x128xi32, #tpu.memory_space<hbm>> -> memref<1x80x128xi32, #tpu.memory_space<hbm>>
      %dma_start3A_15 = tpu.memref_squeeze %dma_start3A_14 : memref<1x80x128xi32, #tpu.memory_space<hbm>> -> memref<80x128xi32, #tpu.memory_space<hbm>>
      tpu.enqueue_dma source(%dma_start3A_15 : memref<80x128xi32, #tpu.memory_space<hbm>>) target(%arg6 : memref<80x128xi32, #tpu.memory_space<vmem>>) target_semaphore(%run_scoped3A : memref<!tpu.dma_semaphore, #tpu.memory_space<semaphore_mem>>)
      %dma_wait3A = arith.constant 0 : i32
      %dma_wait3A_16 = arith.constant 0 : i32
      %dma_wait3A_17 = tpu.memref_slice %arg2[%add3A, %dma_wait3A, %dma_wait3A_16] : memref<32x80x128xi32, #tpu.memory_space<hbm>> -> memref<1x80x128xi32, #tpu.memory_space<hbm>>
      %dma_wait3A_18 = tpu.memref_squeeze %dma_wait3A_17 : memref<1x80x128xi32, #tpu.memory_space<hbm>> -> memref<80x128xi32, #tpu.memory_space<hbm>>
      %dma_wait3A_19 = arith.constant 0 : i32
      %dma_wait3A_20 = arith.constant 0 : i32
      %dma_wait3A_21 = tpu.memref_slice %arg2[%add3A, %dma_wait3A_19, %dma_wait3A_20] : memref<32x80x128xi32, #tpu.memory_space<hbm>> -> memref<1x80x128xi32, #tpu.memory_space<hbm>>
      %dma_wait3A_22 = tpu.memref_squeeze %dma_wait3A_21 : memref<1x80x128xi32, #tpu.memory_space<hbm>> -> memref<80x128xi32, #tpu.memory_space<hbm>>
      tpu.wait_dma2 semaphore(%run_scoped3A : memref<!tpu.dma_semaphore, #tpu.memory_space<semaphore_mem>>) src(%dma_wait3A_22 : memref<80x128xi32, #tpu.memory_space<hbm>>) dst(%arg6 : memref<80x128xi32, #tpu.memory_space<vmem>>)
      tpu.yield
    }) : () -> ()
    "tpu.region"() ({
      %run_scoped3A = tpu.sem_alloc : memref<!tpu.dma_semaphore, #tpu.memory_space<semaphore_mem>>
      tpu.enqueue_dma source(%arg3 : memref<128x16xf32, #tpu.memory_space<hbm>>) target(%arg7 : memref<128x16xf32, #tpu.memory_space<vmem>>) target_semaphore(%run_scoped3A : memref<!tpu.dma_semaphore, #tpu.memory_space<semaphore_mem>>)
      tpu.wait_dma2 semaphore(%run_scoped3A : memref<!tpu.dma_semaphore, #tpu.memory_space<semaphore_mem>>) src(%arg3 : memref<128x16xf32, #tpu.memory_space<hbm>>) dst(%arg7 : memref<128x16xf32, #tpu.memory_space<vmem>>)
      tpu.yield
    }) : () -> ()
    %mul3A_1 = arith.constant 632 : i32
    %mul3A_2 = arith.muli %arg1, %mul3A_1 : i32
    "tpu.region"() ({
      %run_scoped3A = tpu.sem_alloc : memref<!tpu.dma_semaphore, #tpu.memory_space<semaphore_mem>>
      %dma_start3A = arith.constant 0 : i32
      %dma_start3A_9 = tpu.memref_slice %arg8[%mul3A_2, %dma_start3A] : memref<10112x16xf32, #tpu.memory_space<vmem_shared>> -> memref<632x16xf32, #tpu.memory_space<vmem_shared>>
      %dma_start3A_10 = arith.constant 0 : i32
      %dma_start3A_11 = tpu.memref_slice %arg4[%mul3A_2, %dma_start3A_10] : memref<10112x16xf32, #tpu.memory_space<hbm>> -> memref<632x16xf32, #tpu.memory_space<hbm>>
      tpu.enqueue_dma source(%dma_start3A_11 : memref<632x16xf32, #tpu.memory_space<hbm>>) target(%dma_start3A_9 : memref<632x16xf32, #tpu.memory_space<vmem_shared>>) target_semaphore(%run_scoped3A : memref<!tpu.dma_semaphore, #tpu.memory_space<semaphore_mem>>)
      %dma_wait3A = arith.constant 0 : i32
      %dma_wait3A_12 = tpu.memref_slice %arg8[%mul3A_2, %dma_wait3A] : memref<10112x16xf32, #tpu.memory_space<vmem_shared>> -> memref<632x16xf32, #tpu.memory_space<vmem_shared>>
      %dma_wait3A_13 = arith.constant 0 : i32
      %dma_wait3A_14 = tpu.memref_slice %arg4[%mul3A_2, %dma_wait3A_13] : memref<10112x16xf32, #tpu.memory_space<hbm>> -> memref<632x16xf32, #tpu.memory_space<hbm>>
      tpu.wait_dma2 semaphore(%run_scoped3A : memref<!tpu.dma_semaphore, #tpu.memory_space<semaphore_mem>>) src(%dma_wait3A_14 : memref<632x16xf32, #tpu.memory_space<hbm>>) dst(%dma_wait3A_12 : memref<632x16xf32, #tpu.memory_space<vmem_shared>>)
      tpu.yield
    }) : () -> ()
    %barrier3A = arith.constant 0 : index
    tpu.barrier barrier_id(%barrier3A)
    %scan3A = arith.constant 0 : i32
    %scan3A_3 = arith.constant 0 : i32
    %scan3A_4 = arith.constant 80 : i32
    %scan3A_5 = arith.addi %scan3A_3, %scan3A_4 : i32
    %scan3A_6 = arith.constant 1 : i32
    scf.for %scan3A_9 = %scan3A_3 to %scan3A_5 step %scan3A_6  : i32 {
      %dma_start3A = arith.constant 0 : i32
      %dma_start3A_10 = tpu.memref_slice %arg6[%scan3A_9, %dma_start3A] : memref<80x128xi32, #tpu.memory_space<vmem>> -> memref<1x128xi32, #tpu.memory_space<vmem>>
      %dma_start3A_11 = tpu.memref_squeeze %dma_start3A_10 : memref<1x128xi32, #tpu.memory_space<vmem>> -> memref<128xi32, #tpu.memory_space<vmem>>
      %dma_start3A_12 = arith.constant 0 : i32
      %dma_start3A_13 = arith.constant 0 : i32
      %dma_start3A_14 = tpu.memref_slice %arg8[%dma_start3A_12, %dma_start3A_13] : memref<10112x16xf32, #tpu.memory_space<vmem_shared>> -> memref<10112x16xf32, #tpu.memory_space<vmem_shared>>
      tpu.enqueue_indirect_dma source(%arg7 : memref<128x16xf32, #tpu.memory_space<vmem>>) target(%dma_start3A_14 : memref<10112x16xf32, #tpu.memory_space<vmem_shared>>) offsets(%dma_start3A_11 : memref<128xi32, #tpu.memory_space<vmem>>) semaphore(%arg9 : memref<!tpu.dma_semaphore, #tpu.memory_space<semaphore_mem>>) {add = true}
      %dma_wait3A = arith.constant 0 : i32
      %dma_wait3A_15 = tpu.memref_slice %arg6[%scan3A_9, %dma_wait3A] : memref<80x128xi32, #tpu.memory_space<vmem>> -> memref<1x128xi32, #tpu.memory_space<vmem>>
      %dma_wait3A_16 = tpu.memref_squeeze %dma_wait3A_15 : memref<1x128xi32, #tpu.memory_space<vmem>> -> memref<128xi32, #tpu.memory_space<vmem>>
      %dma_wait3A_17 = arith.constant 0 : i32
      %dma_wait3A_18 = arith.constant 0 : i32
      %dma_wait3A_19 = tpu.memref_slice %arg8[%dma_wait3A_17, %dma_wait3A_18] : memref<10112x16xf32, #tpu.memory_space<vmem_shared>> -> memref<10112x16xf32, #tpu.memory_space<vmem_shared>>
      tpu.wait_indirect_dma semaphore(%arg9 : memref<!tpu.dma_semaphore, #tpu.memory_space<semaphore_mem>>) src(%arg7 : memref<128x16xf32, #tpu.memory_space<vmem>>) dst(%dma_wait3A_19 : memref<10112x16xf32, #tpu.memory_space<vmem_shared>>)
    }
    %scan3A_7 = arith.constant 80 : i32
    %barrier3A_8 = arith.constant 0 : index
    tpu.barrier barrier_id(%barrier3A_8)
    "tpu.region"() ({
      %run_scoped3A = tpu.sem_alloc : memref<!tpu.dma_semaphore, #tpu.memory_space<semaphore_mem>>
      %dma_start3A = arith.constant 0 : i32
      %dma_start3A_9 = tpu.memref_slice %arg5[%arg0, %mul3A_2, %dma_start3A] : memref<2x10112x16xf32, #tpu.memory_space<hbm>> -> memref<1x632x16xf32, #tpu.memory_space<hbm>>
      %dma_start3A_10 = tpu.memref_squeeze %dma_start3A_9 : memref<1x632x16xf32, #tpu.memory_space<hbm>> -> memref<632x16xf32, #tpu.memory_space<hbm>>
      %dma_start3A_11 = arith.constant 0 : i32
      %dma_start3A_12 = tpu.memref_slice %arg8[%mul3A_2, %dma_start3A_11] : memref<10112x16xf32, #tpu.memory_space<vmem_shared>> -> memref<632x16xf32, #tpu.memory_space<vmem_shared>>
      tpu.enqueue_dma source(%dma_start3A_12 : memref<632x16xf32, #tpu.memory_space<vmem_shared>>) target(%dma_start3A_10 : memref<632x16xf32, #tpu.memory_space<hbm>>) target_semaphore(%run_scoped3A : memref<!tpu.dma_semaphore, #tpu.memory_space<semaphore_mem>>)
      %dma_wait3A = arith.constant 0 : i32
      %dma_wait3A_13 = tpu.memref_slice %arg5[%arg0, %mul3A_2, %dma_wait3A] : memref<2x10112x16xf32, #tpu.memory_space<hbm>> -> memref<1x632x16xf32, #tpu.memory_space<hbm>>
      %dma_wait3A_14 = tpu.memref_squeeze %dma_wait3A_13 : memref<1x632x16xf32, #tpu.memory_space<hbm>> -> memref<632x16xf32, #tpu.memory_space<hbm>>
      %dma_wait3A_15 = arith.constant 0 : i32
      %dma_wait3A_16 = tpu.memref_slice %arg8[%mul3A_2, %dma_wait3A_15] : memref<10112x16xf32, #tpu.memory_space<vmem_shared>> -> memref<632x16xf32, #tpu.memory_space<vmem_shared>>
      tpu.wait_dma2 semaphore(%run_scoped3A : memref<!tpu.dma_semaphore, #tpu.memory_space<semaphore_mem>>) src(%dma_wait3A_16 : memref<632x16xf32, #tpu.memory_space<vmem_shared>>) dst(%dma_wait3A_14 : memref<632x16xf32, #tpu.memory_space<hbm>>)
      tpu.yield
    }) : () -> ()
    return
  }
}

#map = affine_map<(d0, d1) -> (0, 0)>
#map1 = affine_map<(d0, d1) -> (0, 0, 0)>
module attributes {stable_mosaic.version = 14 : i64} {
  func.func @prop2(%arg0: i32, %arg1: i32, %arg2: memref<10000x64xf32, #tpu.memory_space<hbm>>, %arg3: memref<10000x64xf32, #tpu.memory_space<hbm>>, %arg4: memref<32x80x128xi32, #tpu.memory_space<hbm>>, %arg5: memref<32x80x128xi32, #tpu.memory_space<hbm>>, %arg6: memref<10112x64xf32, #tpu.memory_space<hbm>>, %arg7: memref<2x10112x64xf32, #tpu.memory_space<hbm>>, %arg8: memref<2x10112x64xf32, #tpu.memory_space<hbm>>, %arg9: memref<80x128xi32, #tpu.memory_space<vmem>>, %arg10: memref<80x128xi32, #tpu.memory_space<vmem>>, %arg11: memref<128x64xf32, #tpu.memory_space<vmem>>, %arg12: memref<128x64xf32, #tpu.memory_space<vmem>>, %arg13: memref<10112x64xf32, #tpu.memory_space<vmem_shared>>, %arg14: memref<10112x64xf32, #tpu.memory_space<vmem_shared>>, %arg15: memref<!tpu.dma_semaphore, #tpu.memory_space<semaphore_mem>>, %arg16: memref<!tpu.dma_semaphore, #tpu.memory_space<semaphore_mem>>, %arg17: memref<!tpu.dma_semaphore, #tpu.memory_space<semaphore_mem>>, %arg18: memref<!tpu.dma_semaphore, #tpu.memory_space<semaphore_mem>>) attributes {dimension_semantics = [#tpu.dimension_semantics<core_parallel>, #tpu.dimension_semantics<subcore_parallel>], iteration_bounds = array<i64: 2, 16>, scalar_prefetch = 0 : i64, scratch_operands = 10 : i64, tpu.core_type = #tpu.core_type<sc_vector_subcore>, window_params = [{transform_indices = #map}, {transform_indices = #map}, {transform_indices = #map1}, {transform_indices = #map1}, {transform_indices = #map}, {transform_indices = #map1}, {transform_indices = #map1}]} {
    %mul3A = arith.constant 16 : i32
    %mul3A_0 = arith.muli %arg0, %mul3A : i32
    %add3A = arith.addi %mul3A_0, %arg1 : i32
    "tpu.region"() ({
      %run_scoped3A = tpu.sem_alloc : memref<!tpu.dma_semaphore, #tpu.memory_space<semaphore_mem>>
      %dma_start3A = arith.constant 0 : i32
      %dma_start3A_9 = arith.constant 0 : i32
      %dma_start3A_10 = tpu.memref_slice %arg4[%add3A, %dma_start3A, %dma_start3A_9] : memref<32x80x128xi32, #tpu.memory_space<hbm>> -> memref<1x80x128xi32, #tpu.memory_space<hbm>>
      %dma_start3A_11 = tpu.memref_squeeze %dma_start3A_10 : memref<1x80x128xi32, #tpu.memory_space<hbm>> -> memref<80x128xi32, #tpu.memory_space<hbm>>
      %dma_start3A_12 = arith.constant 0 : i32
      %dma_start3A_13 = arith.constant 0 : i32
      %dma_start3A_14 = tpu.memref_slice %arg4[%add3A, %dma_start3A_12, %dma_start3A_13] : memref<32x80x128xi32, #tpu.memory_space<hbm>> -> memref<1x80x128xi32, #tpu.memory_space<hbm>>
      %dma_start3A_15 = tpu.memref_squeeze %dma_start3A_14 : memref<1x80x128xi32, #tpu.memory_space<hbm>> -> memref<80x128xi32, #tpu.memory_space<hbm>>
      tpu.enqueue_dma source(%dma_start3A_15 : memref<80x128xi32, #tpu.memory_space<hbm>>) target(%arg9 : memref<80x128xi32, #tpu.memory_space<vmem>>) target_semaphore(%run_scoped3A : memref<!tpu.dma_semaphore, #tpu.memory_space<semaphore_mem>>)
      %dma_wait3A = arith.constant 0 : i32
      %dma_wait3A_16 = arith.constant 0 : i32
      %dma_wait3A_17 = tpu.memref_slice %arg4[%add3A, %dma_wait3A, %dma_wait3A_16] : memref<32x80x128xi32, #tpu.memory_space<hbm>> -> memref<1x80x128xi32, #tpu.memory_space<hbm>>
      %dma_wait3A_18 = tpu.memref_squeeze %dma_wait3A_17 : memref<1x80x128xi32, #tpu.memory_space<hbm>> -> memref<80x128xi32, #tpu.memory_space<hbm>>
      %dma_wait3A_19 = arith.constant 0 : i32
      %dma_wait3A_20 = arith.constant 0 : i32
      %dma_wait3A_21 = tpu.memref_slice %arg4[%add3A, %dma_wait3A_19, %dma_wait3A_20] : memref<32x80x128xi32, #tpu.memory_space<hbm>> -> memref<1x80x128xi32, #tpu.memory_space<hbm>>
      %dma_wait3A_22 = tpu.memref_squeeze %dma_wait3A_21 : memref<1x80x128xi32, #tpu.memory_space<hbm>> -> memref<80x128xi32, #tpu.memory_space<hbm>>
      tpu.wait_dma2 semaphore(%run_scoped3A : memref<!tpu.dma_semaphore, #tpu.memory_space<semaphore_mem>>) src(%dma_wait3A_22 : memref<80x128xi32, #tpu.memory_space<hbm>>) dst(%arg9 : memref<80x128xi32, #tpu.memory_space<vmem>>)
      tpu.yield
    }) : () -> ()
    "tpu.region"() ({
      %run_scoped3A = tpu.sem_alloc : memref<!tpu.dma_semaphore, #tpu.memory_space<semaphore_mem>>
      %dma_start3A = arith.constant 0 : i32
      %dma_start3A_9 = arith.constant 0 : i32
      %dma_start3A_10 = tpu.memref_slice %arg5[%add3A, %dma_start3A, %dma_start3A_9] : memref<32x80x128xi32, #tpu.memory_space<hbm>> -> memref<1x80x128xi32, #tpu.memory_space<hbm>>
      %dma_start3A_11 = tpu.memref_squeeze %dma_start3A_10 : memref<1x80x128xi32, #tpu.memory_space<hbm>> -> memref<80x128xi32, #tpu.memory_space<hbm>>
      %dma_start3A_12 = arith.constant 0 : i32
      %dma_start3A_13 = arith.constant 0 : i32
      %dma_start3A_14 = tpu.memref_slice %arg5[%add3A, %dma_start3A_12, %dma_start3A_13] : memref<32x80x128xi32, #tpu.memory_space<hbm>> -> memref<1x80x128xi32, #tpu.memory_space<hbm>>
      %dma_start3A_15 = tpu.memref_squeeze %dma_start3A_14 : memref<1x80x128xi32, #tpu.memory_space<hbm>> -> memref<80x128xi32, #tpu.memory_space<hbm>>
      tpu.enqueue_dma source(%dma_start3A_15 : memref<80x128xi32, #tpu.memory_space<hbm>>) target(%arg10 : memref<80x128xi32, #tpu.memory_space<vmem>>) target_semaphore(%run_scoped3A : memref<!tpu.dma_semaphore, #tpu.memory_space<semaphore_mem>>)
      %dma_wait3A = arith.constant 0 : i32
      %dma_wait3A_16 = arith.constant 0 : i32
      %dma_wait3A_17 = tpu.memref_slice %arg5[%add3A, %dma_wait3A, %dma_wait3A_16] : memref<32x80x128xi32, #tpu.memory_space<hbm>> -> memref<1x80x128xi32, #tpu.memory_space<hbm>>
      %dma_wait3A_18 = tpu.memref_squeeze %dma_wait3A_17 : memref<1x80x128xi32, #tpu.memory_space<hbm>> -> memref<80x128xi32, #tpu.memory_space<hbm>>
      %dma_wait3A_19 = arith.constant 0 : i32
      %dma_wait3A_20 = arith.constant 0 : i32
      %dma_wait3A_21 = tpu.memref_slice %arg5[%add3A, %dma_wait3A_19, %dma_wait3A_20] : memref<32x80x128xi32, #tpu.memory_space<hbm>> -> memref<1x80x128xi32, #tpu.memory_space<hbm>>
      %dma_wait3A_22 = tpu.memref_squeeze %dma_wait3A_21 : memref<1x80x128xi32, #tpu.memory_space<hbm>> -> memref<80x128xi32, #tpu.memory_space<hbm>>
      tpu.wait_dma2 semaphore(%run_scoped3A : memref<!tpu.dma_semaphore, #tpu.memory_space<semaphore_mem>>) src(%dma_wait3A_22 : memref<80x128xi32, #tpu.memory_space<hbm>>) dst(%arg10 : memref<80x128xi32, #tpu.memory_space<vmem>>)
      tpu.yield
    }) : () -> ()
    %mul3A_1 = arith.constant 632 : i32
    %mul3A_2 = arith.muli %arg1, %mul3A_1 : i32
    "tpu.region"() ({
      %run_scoped3A = tpu.sem_alloc : memref<!tpu.dma_semaphore, #tpu.memory_space<semaphore_mem>>
      %dma_start3A = arith.constant 0 : i32
      %dma_start3A_9 = tpu.memref_slice %arg13[%mul3A_2, %dma_start3A] : memref<10112x64xf32, #tpu.memory_space<vmem_shared>> -> memref<632x64xf32, #tpu.memory_space<vmem_shared>>
      %dma_start3A_10 = arith.constant 0 : i32
      %dma_start3A_11 = tpu.memref_slice %arg6[%mul3A_2, %dma_start3A_10] : memref<10112x64xf32, #tpu.memory_space<hbm>> -> memref<632x64xf32, #tpu.memory_space<hbm>>
      tpu.enqueue_dma source(%dma_start3A_11 : memref<632x64xf32, #tpu.memory_space<hbm>>) target(%dma_start3A_9 : memref<632x64xf32, #tpu.memory_space<vmem_shared>>) target_semaphore(%run_scoped3A : memref<!tpu.dma_semaphore, #tpu.memory_space<semaphore_mem>>)
      %dma_wait3A = arith.constant 0 : i32
      %dma_wait3A_12 = tpu.memref_slice %arg13[%mul3A_2, %dma_wait3A] : memref<10112x64xf32, #tpu.memory_space<vmem_shared>> -> memref<632x64xf32, #tpu.memory_space<vmem_shared>>
      %dma_wait3A_13 = arith.constant 0 : i32
      %dma_wait3A_14 = tpu.memref_slice %arg6[%mul3A_2, %dma_wait3A_13] : memref<10112x64xf32, #tpu.memory_space<hbm>> -> memref<632x64xf32, #tpu.memory_space<hbm>>
      tpu.wait_dma2 semaphore(%run_scoped3A : memref<!tpu.dma_semaphore, #tpu.memory_space<semaphore_mem>>) src(%dma_wait3A_14 : memref<632x64xf32, #tpu.memory_space<hbm>>) dst(%dma_wait3A_12 : memref<632x64xf32, #tpu.memory_space<vmem_shared>>)
      tpu.yield
    }) : () -> ()
    "tpu.region"() ({
      %run_scoped3A = tpu.sem_alloc : memref<!tpu.dma_semaphore, #tpu.memory_space<semaphore_mem>>
      %dma_start3A = arith.constant 0 : i32
      %dma_start3A_9 = tpu.memref_slice %arg14[%mul3A_2, %dma_start3A] : memref<10112x64xf32, #tpu.memory_space<vmem_shared>> -> memref<632x64xf32, #tpu.memory_space<vmem_shared>>
      %dma_start3A_10 = arith.constant 0 : i32
      %dma_start3A_11 = tpu.memref_slice %arg6[%mul3A_2, %dma_start3A_10] : memref<10112x64xf32, #tpu.memory_space<hbm>> -> memref<632x64xf32, #tpu.memory_space<hbm>>
      tpu.enqueue_dma source(%dma_start3A_11 : memref<632x64xf32, #tpu.memory_space<hbm>>) target(%dma_start3A_9 : memref<632x64xf32, #tpu.memory_space<vmem_shared>>) target_semaphore(%run_scoped3A : memref<!tpu.dma_semaphore, #tpu.memory_space<semaphore_mem>>)
      %dma_wait3A = arith.constant 0 : i32
      %dma_wait3A_12 = tpu.memref_slice %arg14[%mul3A_2, %dma_wait3A] : memref<10112x64xf32, #tpu.memory_space<vmem_shared>> -> memref<632x64xf32, #tpu.memory_space<vmem_shared>>
      %dma_wait3A_13 = arith.constant 0 : i32
      %dma_wait3A_14 = tpu.memref_slice %arg6[%mul3A_2, %dma_wait3A_13] : memref<10112x64xf32, #tpu.memory_space<hbm>> -> memref<632x64xf32, #tpu.memory_space<hbm>>
      tpu.wait_dma2 semaphore(%run_scoped3A : memref<!tpu.dma_semaphore, #tpu.memory_space<semaphore_mem>>) src(%dma_wait3A_14 : memref<632x64xf32, #tpu.memory_space<hbm>>) dst(%dma_wait3A_12 : memref<632x64xf32, #tpu.memory_space<vmem_shared>>)
      tpu.yield
    }) : () -> ()
    %barrier3A = arith.constant 0 : index
    tpu.barrier barrier_id(%barrier3A)
    %scan3A = arith.constant 0 : i32
    %scan3A_3 = arith.constant 0 : i32
    %scan3A_4 = arith.constant 80 : i32
    %scan3A_5 = arith.addi %scan3A_3, %scan3A_4 : i32
    %scan3A_6 = arith.constant 1 : i32
    scf.for %scan3A_9 = %scan3A_3 to %scan3A_5 step %scan3A_6  : i32 {
      %dma_start3A = arith.constant 0 : i32
      %dma_start3A_10 = tpu.memref_slice %arg9[%scan3A_9, %dma_start3A] : memref<80x128xi32, #tpu.memory_space<vmem>> -> memref<1x128xi32, #tpu.memory_space<vmem>>
      %dma_start3A_11 = tpu.memref_squeeze %dma_start3A_10 : memref<1x128xi32, #tpu.memory_space<vmem>> -> memref<128xi32, #tpu.memory_space<vmem>>
      %dma_start3A_12 = arith.constant 0 : i32
      %dma_start3A_13 = arith.constant 0 : i32
      %dma_start3A_14 = tpu.memref_slice %arg2[%dma_start3A_12, %dma_start3A_13] : memref<10000x64xf32, #tpu.memory_space<hbm>> -> memref<10000x64xf32, #tpu.memory_space<hbm>>
      tpu.enqueue_indirect_dma source(%dma_start3A_14 : memref<10000x64xf32, #tpu.memory_space<hbm>>) target(%arg11 : memref<128x64xf32, #tpu.memory_space<vmem>>) offsets(%dma_start3A_11 : memref<128xi32, #tpu.memory_space<vmem>>) semaphore(%arg15 : memref<!tpu.dma_semaphore, #tpu.memory_space<semaphore_mem>>)
      %dma_start3A_15 = arith.constant 0 : i32
      %dma_start3A_16 = tpu.memref_slice %arg9[%scan3A_9, %dma_start3A_15] : memref<80x128xi32, #tpu.memory_space<vmem>> -> memref<1x128xi32, #tpu.memory_space<vmem>>
      %dma_start3A_17 = tpu.memref_squeeze %dma_start3A_16 : memref<1x128xi32, #tpu.memory_space<vmem>> -> memref<128xi32, #tpu.memory_space<vmem>>
      %dma_start3A_18 = arith.constant 0 : i32
      %dma_start3A_19 = arith.constant 0 : i32
      %dma_start3A_20 = tpu.memref_slice %arg3[%dma_start3A_18, %dma_start3A_19] : memref<10000x64xf32, #tpu.memory_space<hbm>> -> memref<10000x64xf32, #tpu.memory_space<hbm>>
      tpu.enqueue_indirect_dma source(%dma_start3A_20 : memref<10000x64xf32, #tpu.memory_space<hbm>>) target(%arg12 : memref<128x64xf32, #tpu.memory_space<vmem>>) offsets(%dma_start3A_17 : memref<128xi32, #tpu.memory_space<vmem>>) semaphore(%arg16 : memref<!tpu.dma_semaphore, #tpu.memory_space<semaphore_mem>>)
      %dma_wait3A = arith.constant 0 : i32
      %dma_wait3A_21 = tpu.memref_slice %arg9[%scan3A_9, %dma_wait3A] : memref<80x128xi32, #tpu.memory_space<vmem>> -> memref<1x128xi32, #tpu.memory_space<vmem>>
      %dma_wait3A_22 = tpu.memref_squeeze %dma_wait3A_21 : memref<1x128xi32, #tpu.memory_space<vmem>> -> memref<128xi32, #tpu.memory_space<vmem>>
      %dma_wait3A_23 = arith.constant 0 : i32
      %dma_wait3A_24 = arith.constant 0 : i32
      %dma_wait3A_25 = tpu.memref_slice %arg2[%dma_wait3A_23, %dma_wait3A_24] : memref<10000x64xf32, #tpu.memory_space<hbm>> -> memref<10000x64xf32, #tpu.memory_space<hbm>>
      tpu.wait_indirect_dma semaphore(%arg15 : memref<!tpu.dma_semaphore, #tpu.memory_space<semaphore_mem>>) src(%dma_wait3A_25 : memref<10000x64xf32, #tpu.memory_space<hbm>>) dst(%arg11 : memref<128x64xf32, #tpu.memory_space<vmem>>)
      %dma_start3A_26 = arith.constant 0 : i32
      %dma_start3A_27 = tpu.memref_slice %arg10[%scan3A_9, %dma_start3A_26] : memref<80x128xi32, #tpu.memory_space<vmem>> -> memref<1x128xi32, #tpu.memory_space<vmem>>
      %dma_start3A_28 = tpu.memref_squeeze %dma_start3A_27 : memref<1x128xi32, #tpu.memory_space<vmem>> -> memref<128xi32, #tpu.memory_space<vmem>>
      %dma_start3A_29 = arith.constant 0 : i32
      %dma_start3A_30 = arith.constant 0 : i32
      %dma_start3A_31 = tpu.memref_slice %arg13[%dma_start3A_29, %dma_start3A_30] : memref<10112x64xf32, #tpu.memory_space<vmem_shared>> -> memref<10112x64xf32, #tpu.memory_space<vmem_shared>>
      tpu.enqueue_indirect_dma source(%arg11 : memref<128x64xf32, #tpu.memory_space<vmem>>) target(%dma_start3A_31 : memref<10112x64xf32, #tpu.memory_space<vmem_shared>>) offsets(%dma_start3A_28 : memref<128xi32, #tpu.memory_space<vmem>>) semaphore(%arg17 : memref<!tpu.dma_semaphore, #tpu.memory_space<semaphore_mem>>) {add = true}
      %dma_wait3A_32 = arith.constant 0 : i32
      %dma_wait3A_33 = tpu.memref_slice %arg9[%scan3A_9, %dma_wait3A_32] : memref<80x128xi32, #tpu.memory_space<vmem>> -> memref<1x128xi32, #tpu.memory_space<vmem>>
      %dma_wait3A_34 = tpu.memref_squeeze %dma_wait3A_33 : memref<1x128xi32, #tpu.memory_space<vmem>> -> memref<128xi32, #tpu.memory_space<vmem>>
      %dma_wait3A_35 = arith.constant 0 : i32
      %dma_wait3A_36 = arith.constant 0 : i32
      %dma_wait3A_37 = tpu.memref_slice %arg3[%dma_wait3A_35, %dma_wait3A_36] : memref<10000x64xf32, #tpu.memory_space<hbm>> -> memref<10000x64xf32, #tpu.memory_space<hbm>>
      tpu.wait_indirect_dma semaphore(%arg16 : memref<!tpu.dma_semaphore, #tpu.memory_space<semaphore_mem>>) src(%dma_wait3A_37 : memref<10000x64xf32, #tpu.memory_space<hbm>>) dst(%arg12 : memref<128x64xf32, #tpu.memory_space<vmem>>)
      %dma_start3A_38 = arith.constant 0 : i32
      %dma_start3A_39 = tpu.memref_slice %arg10[%scan3A_9, %dma_start3A_38] : memref<80x128xi32, #tpu.memory_space<vmem>> -> memref<1x128xi32, #tpu.memory_space<vmem>>
      %dma_start3A_40 = tpu.memref_squeeze %dma_start3A_39 : memref<1x128xi32, #tpu.memory_space<vmem>> -> memref<128xi32, #tpu.memory_space<vmem>>
      %dma_start3A_41 = arith.constant 0 : i32
      %dma_start3A_42 = arith.constant 0 : i32
      %dma_start3A_43 = tpu.memref_slice %arg14[%dma_start3A_41, %dma_start3A_42] : memref<10112x64xf32, #tpu.memory_space<vmem_shared>> -> memref<10112x64xf32, #tpu.memory_space<vmem_shared>>
      tpu.enqueue_indirect_dma source(%arg12 : memref<128x64xf32, #tpu.memory_space<vmem>>) target(%dma_start3A_43 : memref<10112x64xf32, #tpu.memory_space<vmem_shared>>) offsets(%dma_start3A_40 : memref<128xi32, #tpu.memory_space<vmem>>) semaphore(%arg18 : memref<!tpu.dma_semaphore, #tpu.memory_space<semaphore_mem>>) {add = true}
      %dma_wait3A_44 = arith.constant 0 : i32
      %dma_wait3A_45 = tpu.memref_slice %arg10[%scan3A_9, %dma_wait3A_44] : memref<80x128xi32, #tpu.memory_space<vmem>> -> memref<1x128xi32, #tpu.memory_space<vmem>>
      %dma_wait3A_46 = tpu.memref_squeeze %dma_wait3A_45 : memref<1x128xi32, #tpu.memory_space<vmem>> -> memref<128xi32, #tpu.memory_space<vmem>>
      %dma_wait3A_47 = arith.constant 0 : i32
      %dma_wait3A_48 = arith.constant 0 : i32
      %dma_wait3A_49 = tpu.memref_slice %arg13[%dma_wait3A_47, %dma_wait3A_48] : memref<10112x64xf32, #tpu.memory_space<vmem_shared>> -> memref<10112x64xf32, #tpu.memory_space<vmem_shared>>
      tpu.wait_indirect_dma semaphore(%arg17 : memref<!tpu.dma_semaphore, #tpu.memory_space<semaphore_mem>>) src(%arg11 : memref<128x64xf32, #tpu.memory_space<vmem>>) dst(%dma_wait3A_49 : memref<10112x64xf32, #tpu.memory_space<vmem_shared>>)
      %dma_wait3A_50 = arith.constant 0 : i32
      %dma_wait3A_51 = tpu.memref_slice %arg10[%scan3A_9, %dma_wait3A_50] : memref<80x128xi32, #tpu.memory_space<vmem>> -> memref<1x128xi32, #tpu.memory_space<vmem>>
      %dma_wait3A_52 = tpu.memref_squeeze %dma_wait3A_51 : memref<1x128xi32, #tpu.memory_space<vmem>> -> memref<128xi32, #tpu.memory_space<vmem>>
      %dma_wait3A_53 = arith.constant 0 : i32
      %dma_wait3A_54 = arith.constant 0 : i32
      %dma_wait3A_55 = tpu.memref_slice %arg14[%dma_wait3A_53, %dma_wait3A_54] : memref<10112x64xf32, #tpu.memory_space<vmem_shared>> -> memref<10112x64xf32, #tpu.memory_space<vmem_shared>>
      tpu.wait_indirect_dma semaphore(%arg18 : memref<!tpu.dma_semaphore, #tpu.memory_space<semaphore_mem>>) src(%arg12 : memref<128x64xf32, #tpu.memory_space<vmem>>) dst(%dma_wait3A_55 : memref<10112x64xf32, #tpu.memory_space<vmem_shared>>)
    }
    %scan3A_7 = arith.constant 80 : i32
    %barrier3A_8 = arith.constant 0 : index
    tpu.barrier barrier_id(%barrier3A_8)
    "tpu.region"() ({
      %run_scoped3A = tpu.sem_alloc : memref<!tpu.dma_semaphore, #tpu.memory_space<semaphore_mem>>
      %dma_start3A = arith.constant 0 : i32
      %dma_start3A_9 = tpu.memref_slice %arg7[%arg0, %mul3A_2, %dma_start3A] : memref<2x10112x64xf32, #tpu.memory_space<hbm>> -> memref<1x632x64xf32, #tpu.memory_space<hbm>>
      %dma_start3A_10 = tpu.memref_squeeze %dma_start3A_9 : memref<1x632x64xf32, #tpu.memory_space<hbm>> -> memref<632x64xf32, #tpu.memory_space<hbm>>
      %dma_start3A_11 = arith.constant 0 : i32
      %dma_start3A_12 = tpu.memref_slice %arg13[%mul3A_2, %dma_start3A_11] : memref<10112x64xf32, #tpu.memory_space<vmem_shared>> -> memref<632x64xf32, #tpu.memory_space<vmem_shared>>
      tpu.enqueue_dma source(%dma_start3A_12 : memref<632x64xf32, #tpu.memory_space<vmem_shared>>) target(%dma_start3A_10 : memref<632x64xf32, #tpu.memory_space<hbm>>) target_semaphore(%run_scoped3A : memref<!tpu.dma_semaphore, #tpu.memory_space<semaphore_mem>>)
      %dma_wait3A = arith.constant 0 : i32
      %dma_wait3A_13 = tpu.memref_slice %arg7[%arg0, %mul3A_2, %dma_wait3A] : memref<2x10112x64xf32, #tpu.memory_space<hbm>> -> memref<1x632x64xf32, #tpu.memory_space<hbm>>
      %dma_wait3A_14 = tpu.memref_squeeze %dma_wait3A_13 : memref<1x632x64xf32, #tpu.memory_space<hbm>> -> memref<632x64xf32, #tpu.memory_space<hbm>>
      %dma_wait3A_15 = arith.constant 0 : i32
      %dma_wait3A_16 = tpu.memref_slice %arg13[%mul3A_2, %dma_wait3A_15] : memref<10112x64xf32, #tpu.memory_space<vmem_shared>> -> memref<632x64xf32, #tpu.memory_space<vmem_shared>>
      tpu.wait_dma2 semaphore(%run_scoped3A : memref<!tpu.dma_semaphore, #tpu.memory_space<semaphore_mem>>) src(%dma_wait3A_16 : memref<632x64xf32, #tpu.memory_space<vmem_shared>>) dst(%dma_wait3A_14 : memref<632x64xf32, #tpu.memory_space<hbm>>)
      tpu.yield
    }) : () -> ()
    "tpu.region"() ({
      %run_scoped3A = tpu.sem_alloc : memref<!tpu.dma_semaphore, #tpu.memory_space<semaphore_mem>>
      %dma_start3A = arith.constant 0 : i32
      %dma_start3A_9 = tpu.memref_slice %arg8[%arg0, %mul3A_2, %dma_start3A] : memref<2x10112x64xf32, #tpu.memory_space<hbm>> -> memref<1x632x64xf32, #tpu.memory_space<hbm>>
      %dma_start3A_10 = tpu.memref_squeeze %dma_start3A_9 : memref<1x632x64xf32, #tpu.memory_space<hbm>> -> memref<632x64xf32, #tpu.memory_space<hbm>>
      %dma_start3A_11 = arith.constant 0 : i32
      %dma_start3A_12 = tpu.memref_slice %arg14[%mul3A_2, %dma_start3A_11] : memref<10112x64xf32, #tpu.memory_space<vmem_shared>> -> memref<632x64xf32, #tpu.memory_space<vmem_shared>>
      tpu.enqueue_dma source(%dma_start3A_12 : memref<632x64xf32, #tpu.memory_space<vmem_shared>>) target(%dma_start3A_10 : memref<632x64xf32, #tpu.memory_space<hbm>>) target_semaphore(%run_scoped3A : memref<!tpu.dma_semaphore, #tpu.memory_space<semaphore_mem>>)
      %dma_wait3A = arith.constant 0 : i32
      %dma_wait3A_13 = tpu.memref_slice %arg8[%arg0, %mul3A_2, %dma_wait3A] : memref<2x10112x64xf32, #tpu.memory_space<hbm>> -> memref<1x632x64xf32, #tpu.memory_space<hbm>>
      %dma_wait3A_14 = tpu.memref_squeeze %dma_wait3A_13 : memref<1x632x64xf32, #tpu.memory_space<hbm>> -> memref<632x64xf32, #tpu.memory_space<hbm>>
      %dma_wait3A_15 = arith.constant 0 : i32
      %dma_wait3A_16 = tpu.memref_slice %arg14[%mul3A_2, %dma_wait3A_15] : memref<10112x64xf32, #tpu.memory_space<vmem_shared>> -> memref<632x64xf32, #tpu.memory_space<vmem_shared>>
      tpu.wait_dma2 semaphore(%run_scoped3A : memref<!tpu.dma_semaphore, #tpu.memory_space<semaphore_mem>>) src(%dma_wait3A_16 : memref<632x64xf32, #tpu.memory_space<vmem_shared>>) dst(%dma_wait3A_14 : memref<632x64xf32, #tpu.memory_space<hbm>>)
      tpu.yield
    }) : () -> ()
    return
  }
}

#map = affine_map<(d0, d1) -> (0, 0)>
#map1 = affine_map<(d0, d1) -> (0, 0, 0)>
module attributes {stable_mosaic.version = 14 : i64} {
  func.func @prop2(%arg0: i32, %arg1: i32, %arg2: memref<10000x64xf32, #tpu.memory_space<hbm>>, %arg3: memref<10000x64xf32, #tpu.memory_space<hbm>>, %arg4: memref<32x80x128xi32, #tpu.memory_space<hbm>>, %arg5: memref<32x80x128xi32, #tpu.memory_space<hbm>>, %arg6: memref<10112x64xf32, #tpu.memory_space<hbm>>, %arg7: memref<2x10112x64xf32, #tpu.memory_space<hbm>>, %arg8: memref<2x10112x64xf32, #tpu.memory_space<hbm>>, %arg9: memref<80x128xi32, #tpu.memory_space<vmem>>, %arg10: memref<80x128xi32, #tpu.memory_space<vmem>>, %arg11: memref<128x64xf32, #tpu.memory_space<vmem>>, %arg12: memref<128x64xf32, #tpu.memory_space<vmem>>, %arg13: memref<10112x64xf32, #tpu.memory_space<vmem_shared>>, %arg14: memref<10112x64xf32, #tpu.memory_space<vmem_shared>>, %arg15: memref<!tpu.dma_semaphore, #tpu.memory_space<semaphore_mem>>, %arg16: memref<!tpu.dma_semaphore, #tpu.memory_space<semaphore_mem>>, %arg17: memref<!tpu.dma_semaphore, #tpu.memory_space<semaphore_mem>>, %arg18: memref<!tpu.dma_semaphore, #tpu.memory_space<semaphore_mem>>) attributes {dimension_semantics = [#tpu.dimension_semantics<core_parallel>, #tpu.dimension_semantics<subcore_parallel>], iteration_bounds = array<i64: 2, 16>, scalar_prefetch = 0 : i64, scratch_operands = 10 : i64, tpu.core_type = #tpu.core_type<sc_vector_subcore>, window_params = [{transform_indices = #map}, {transform_indices = #map}, {transform_indices = #map1}, {transform_indices = #map1}, {transform_indices = #map}, {transform_indices = #map1}, {transform_indices = #map1}]} {
    %mul3A = arith.constant 16 : i32
    %mul3A_0 = arith.muli %arg0, %mul3A : i32
    %add3A = arith.addi %mul3A_0, %arg1 : i32
    "tpu.region"() ({
      %run_scoped3A = tpu.sem_alloc : memref<!tpu.dma_semaphore, #tpu.memory_space<semaphore_mem>>
      %dma_start3A = arith.constant 0 : i32
      %dma_start3A_9 = arith.constant 0 : i32
      %dma_start3A_10 = tpu.memref_slice %arg4[%add3A, %dma_start3A, %dma_start3A_9] : memref<32x80x128xi32, #tpu.memory_space<hbm>> -> memref<1x80x128xi32, #tpu.memory_space<hbm>>
      %dma_start3A_11 = tpu.memref_squeeze %dma_start3A_10 : memref<1x80x128xi32, #tpu.memory_space<hbm>> -> memref<80x128xi32, #tpu.memory_space<hbm>>
      %dma_start3A_12 = arith.constant 0 : i32
      %dma_start3A_13 = arith.constant 0 : i32
      %dma_start3A_14 = tpu.memref_slice %arg4[%add3A, %dma_start3A_12, %dma_start3A_13] : memref<32x80x128xi32, #tpu.memory_space<hbm>> -> memref<1x80x128xi32, #tpu.memory_space<hbm>>
      %dma_start3A_15 = tpu.memref_squeeze %dma_start3A_14 : memref<1x80x128xi32, #tpu.memory_space<hbm>> -> memref<80x128xi32, #tpu.memory_space<hbm>>
      tpu.enqueue_dma source(%dma_start3A_15 : memref<80x128xi32, #tpu.memory_space<hbm>>) target(%arg9 : memref<80x128xi32, #tpu.memory_space<vmem>>) target_semaphore(%run_scoped3A : memref<!tpu.dma_semaphore, #tpu.memory_space<semaphore_mem>>)
      %dma_wait3A = arith.constant 0 : i32
      %dma_wait3A_16 = arith.constant 0 : i32
      %dma_wait3A_17 = tpu.memref_slice %arg4[%add3A, %dma_wait3A, %dma_wait3A_16] : memref<32x80x128xi32, #tpu.memory_space<hbm>> -> memref<1x80x128xi32, #tpu.memory_space<hbm>>
      %dma_wait3A_18 = tpu.memref_squeeze %dma_wait3A_17 : memref<1x80x128xi32, #tpu.memory_space<hbm>> -> memref<80x128xi32, #tpu.memory_space<hbm>>
      %dma_wait3A_19 = arith.constant 0 : i32
      %dma_wait3A_20 = arith.constant 0 : i32
      %dma_wait3A_21 = tpu.memref_slice %arg4[%add3A, %dma_wait3A_19, %dma_wait3A_20] : memref<32x80x128xi32, #tpu.memory_space<hbm>> -> memref<1x80x128xi32, #tpu.memory_space<hbm>>
      %dma_wait3A_22 = tpu.memref_squeeze %dma_wait3A_21 : memref<1x80x128xi32, #tpu.memory_space<hbm>> -> memref<80x128xi32, #tpu.memory_space<hbm>>
      tpu.wait_dma2 semaphore(%run_scoped3A : memref<!tpu.dma_semaphore, #tpu.memory_space<semaphore_mem>>) src(%dma_wait3A_22 : memref<80x128xi32, #tpu.memory_space<hbm>>) dst(%arg9 : memref<80x128xi32, #tpu.memory_space<vmem>>)
      tpu.yield
    }) : () -> ()
    "tpu.region"() ({
      %run_scoped3A = tpu.sem_alloc : memref<!tpu.dma_semaphore, #tpu.memory_space<semaphore_mem>>
      %dma_start3A = arith.constant 0 : i32
      %dma_start3A_9 = arith.constant 0 : i32
      %dma_start3A_10 = tpu.memref_slice %arg5[%add3A, %dma_start3A, %dma_start3A_9] : memref<32x80x128xi32, #tpu.memory_space<hbm>> -> memref<1x80x128xi32, #tpu.memory_space<hbm>>
      %dma_start3A_11 = tpu.memref_squeeze %dma_start3A_10 : memref<1x80x128xi32, #tpu.memory_space<hbm>> -> memref<80x128xi32, #tpu.memory_space<hbm>>
      %dma_start3A_12 = arith.constant 0 : i32
      %dma_start3A_13 = arith.constant 0 : i32
      %dma_start3A_14 = tpu.memref_slice %arg5[%add3A, %dma_start3A_12, %dma_start3A_13] : memref<32x80x128xi32, #tpu.memory_space<hbm>> -> memref<1x80x128xi32, #tpu.memory_space<hbm>>
      %dma_start3A_15 = tpu.memref_squeeze %dma_start3A_14 : memref<1x80x128xi32, #tpu.memory_space<hbm>> -> memref<80x128xi32, #tpu.memory_space<hbm>>
      tpu.enqueue_dma source(%dma_start3A_15 : memref<80x128xi32, #tpu.memory_space<hbm>>) target(%arg10 : memref<80x128xi32, #tpu.memory_space<vmem>>) target_semaphore(%run_scoped3A : memref<!tpu.dma_semaphore, #tpu.memory_space<semaphore_mem>>)
      %dma_wait3A = arith.constant 0 : i32
      %dma_wait3A_16 = arith.constant 0 : i32
      %dma_wait3A_17 = tpu.memref_slice %arg5[%add3A, %dma_wait3A, %dma_wait3A_16] : memref<32x80x128xi32, #tpu.memory_space<hbm>> -> memref<1x80x128xi32, #tpu.memory_space<hbm>>
      %dma_wait3A_18 = tpu.memref_squeeze %dma_wait3A_17 : memref<1x80x128xi32, #tpu.memory_space<hbm>> -> memref<80x128xi32, #tpu.memory_space<hbm>>
      %dma_wait3A_19 = arith.constant 0 : i32
      %dma_wait3A_20 = arith.constant 0 : i32
      %dma_wait3A_21 = tpu.memref_slice %arg5[%add3A, %dma_wait3A_19, %dma_wait3A_20] : memref<32x80x128xi32, #tpu.memory_space<hbm>> -> memref<1x80x128xi32, #tpu.memory_space<hbm>>
      %dma_wait3A_22 = tpu.memref_squeeze %dma_wait3A_21 : memref<1x80x128xi32, #tpu.memory_space<hbm>> -> memref<80x128xi32, #tpu.memory_space<hbm>>
      tpu.wait_dma2 semaphore(%run_scoped3A : memref<!tpu.dma_semaphore, #tpu.memory_space<semaphore_mem>>) src(%dma_wait3A_22 : memref<80x128xi32, #tpu.memory_space<hbm>>) dst(%arg10 : memref<80x128xi32, #tpu.memory_space<vmem>>)
      tpu.yield
    }) : () -> ()
    %mul3A_1 = arith.constant 632 : i32
    %mul3A_2 = arith.muli %arg1, %mul3A_1 : i32
    "tpu.region"() ({
      %run_scoped3A = tpu.sem_alloc : memref<!tpu.dma_semaphore, #tpu.memory_space<semaphore_mem>>
      %dma_start3A = arith.constant 0 : i32
      %dma_start3A_9 = tpu.memref_slice %arg13[%mul3A_2, %dma_start3A] : memref<10112x64xf32, #tpu.memory_space<vmem_shared>> -> memref<632x64xf32, #tpu.memory_space<vmem_shared>>
      %dma_start3A_10 = arith.constant 0 : i32
      %dma_start3A_11 = tpu.memref_slice %arg6[%mul3A_2, %dma_start3A_10] : memref<10112x64xf32, #tpu.memory_space<hbm>> -> memref<632x64xf32, #tpu.memory_space<hbm>>
      tpu.enqueue_dma source(%dma_start3A_11 : memref<632x64xf32, #tpu.memory_space<hbm>>) target(%dma_start3A_9 : memref<632x64xf32, #tpu.memory_space<vmem_shared>>) target_semaphore(%run_scoped3A : memref<!tpu.dma_semaphore, #tpu.memory_space<semaphore_mem>>)
      %dma_wait3A = arith.constant 0 : i32
      %dma_wait3A_12 = tpu.memref_slice %arg13[%mul3A_2, %dma_wait3A] : memref<10112x64xf32, #tpu.memory_space<vmem_shared>> -> memref<632x64xf32, #tpu.memory_space<vmem_shared>>
      %dma_wait3A_13 = arith.constant 0 : i32
      %dma_wait3A_14 = tpu.memref_slice %arg6[%mul3A_2, %dma_wait3A_13] : memref<10112x64xf32, #tpu.memory_space<hbm>> -> memref<632x64xf32, #tpu.memory_space<hbm>>
      tpu.wait_dma2 semaphore(%run_scoped3A : memref<!tpu.dma_semaphore, #tpu.memory_space<semaphore_mem>>) src(%dma_wait3A_14 : memref<632x64xf32, #tpu.memory_space<hbm>>) dst(%dma_wait3A_12 : memref<632x64xf32, #tpu.memory_space<vmem_shared>>)
      tpu.yield
    }) : () -> ()
    "tpu.region"() ({
      %run_scoped3A = tpu.sem_alloc : memref<!tpu.dma_semaphore, #tpu.memory_space<semaphore_mem>>
      %dma_start3A = arith.constant 0 : i32
      %dma_start3A_9 = tpu.memref_slice %arg14[%mul3A_2, %dma_start3A] : memref<10112x64xf32, #tpu.memory_space<vmem_shared>> -> memref<632x64xf32, #tpu.memory_space<vmem_shared>>
      %dma_start3A_10 = arith.constant 0 : i32
      %dma_start3A_11 = tpu.memref_slice %arg6[%mul3A_2, %dma_start3A_10] : memref<10112x64xf32, #tpu.memory_space<hbm>> -> memref<632x64xf32, #tpu.memory_space<hbm>>
      tpu.enqueue_dma source(%dma_start3A_11 : memref<632x64xf32, #tpu.memory_space<hbm>>) target(%dma_start3A_9 : memref<632x64xf32, #tpu.memory_space<vmem_shared>>) target_semaphore(%run_scoped3A : memref<!tpu.dma_semaphore, #tpu.memory_space<semaphore_mem>>)
      %dma_wait3A = arith.constant 0 : i32
      %dma_wait3A_12 = tpu.memref_slice %arg14[%mul3A_2, %dma_wait3A] : memref<10112x64xf32, #tpu.memory_space<vmem_shared>> -> memref<632x64xf32, #tpu.memory_space<vmem_shared>>
      %dma_wait3A_13 = arith.constant 0 : i32
      %dma_wait3A_14 = tpu.memref_slice %arg6[%mul3A_2, %dma_wait3A_13] : memref<10112x64xf32, #tpu.memory_space<hbm>> -> memref<632x64xf32, #tpu.memory_space<hbm>>
      tpu.wait_dma2 semaphore(%run_scoped3A : memref<!tpu.dma_semaphore, #tpu.memory_space<semaphore_mem>>) src(%dma_wait3A_14 : memref<632x64xf32, #tpu.memory_space<hbm>>) dst(%dma_wait3A_12 : memref<632x64xf32, #tpu.memory_space<vmem_shared>>)
      tpu.yield
    }) : () -> ()
    %barrier3A = arith.constant 0 : index
    tpu.barrier barrier_id(%barrier3A)
    %scan3A = arith.constant 0 : i32
    %scan3A_3 = arith.constant 0 : i32
    %scan3A_4 = arith.constant 80 : i32
    %scan3A_5 = arith.addi %scan3A_3, %scan3A_4 : i32
    %scan3A_6 = arith.constant 1 : i32
    scf.for %scan3A_9 = %scan3A_3 to %scan3A_5 step %scan3A_6  : i32 {
      %dma_start3A = arith.constant 0 : i32
      %dma_start3A_10 = tpu.memref_slice %arg9[%scan3A_9, %dma_start3A] : memref<80x128xi32, #tpu.memory_space<vmem>> -> memref<1x128xi32, #tpu.memory_space<vmem>>
      %dma_start3A_11 = tpu.memref_squeeze %dma_start3A_10 : memref<1x128xi32, #tpu.memory_space<vmem>> -> memref<128xi32, #tpu.memory_space<vmem>>
      %dma_start3A_12 = arith.constant 0 : i32
      %dma_start3A_13 = arith.constant 0 : i32
      %dma_start3A_14 = tpu.memref_slice %arg2[%dma_start3A_12, %dma_start3A_13] : memref<10000x64xf32, #tpu.memory_space<hbm>> -> memref<10000x64xf32, #tpu.memory_space<hbm>>
      tpu.enqueue_indirect_dma source(%dma_start3A_14 : memref<10000x64xf32, #tpu.memory_space<hbm>>) target(%arg11 : memref<128x64xf32, #tpu.memory_space<vmem>>) offsets(%dma_start3A_11 : memref<128xi32, #tpu.memory_space<vmem>>) semaphore(%arg15 : memref<!tpu.dma_semaphore, #tpu.memory_space<semaphore_mem>>)
      %dma_start3A_15 = arith.constant 0 : i32
      %dma_start3A_16 = tpu.memref_slice %arg9[%scan3A_9, %dma_start3A_15] : memref<80x128xi32, #tpu.memory_space<vmem>> -> memref<1x128xi32, #tpu.memory_space<vmem>>
      %dma_start3A_17 = tpu.memref_squeeze %dma_start3A_16 : memref<1x128xi32, #tpu.memory_space<vmem>> -> memref<128xi32, #tpu.memory_space<vmem>>
      %dma_start3A_18 = arith.constant 0 : i32
      %dma_start3A_19 = arith.constant 0 : i32
      %dma_start3A_20 = tpu.memref_slice %arg3[%dma_start3A_18, %dma_start3A_19] : memref<10000x64xf32, #tpu.memory_space<hbm>> -> memref<10000x64xf32, #tpu.memory_space<hbm>>
      tpu.enqueue_indirect_dma source(%dma_start3A_20 : memref<10000x64xf32, #tpu.memory_space<hbm>>) target(%arg12 : memref<128x64xf32, #tpu.memory_space<vmem>>) offsets(%dma_start3A_17 : memref<128xi32, #tpu.memory_space<vmem>>) semaphore(%arg16 : memref<!tpu.dma_semaphore, #tpu.memory_space<semaphore_mem>>)
      %dma_wait3A = arith.constant 0 : i32
      %dma_wait3A_21 = tpu.memref_slice %arg9[%scan3A_9, %dma_wait3A] : memref<80x128xi32, #tpu.memory_space<vmem>> -> memref<1x128xi32, #tpu.memory_space<vmem>>
      %dma_wait3A_22 = tpu.memref_squeeze %dma_wait3A_21 : memref<1x128xi32, #tpu.memory_space<vmem>> -> memref<128xi32, #tpu.memory_space<vmem>>
      %dma_wait3A_23 = arith.constant 0 : i32
      %dma_wait3A_24 = arith.constant 0 : i32
      %dma_wait3A_25 = tpu.memref_slice %arg2[%dma_wait3A_23, %dma_wait3A_24] : memref<10000x64xf32, #tpu.memory_space<hbm>> -> memref<10000x64xf32, #tpu.memory_space<hbm>>
      tpu.wait_indirect_dma semaphore(%arg15 : memref<!tpu.dma_semaphore, #tpu.memory_space<semaphore_mem>>) src(%dma_wait3A_25 : memref<10000x64xf32, #tpu.memory_space<hbm>>) dst(%arg11 : memref<128x64xf32, #tpu.memory_space<vmem>>)
      %dma_start3A_26 = arith.constant 0 : i32
      %dma_start3A_27 = tpu.memref_slice %arg10[%scan3A_9, %dma_start3A_26] : memref<80x128xi32, #tpu.memory_space<vmem>> -> memref<1x128xi32, #tpu.memory_space<vmem>>
      %dma_start3A_28 = tpu.memref_squeeze %dma_start3A_27 : memref<1x128xi32, #tpu.memory_space<vmem>> -> memref<128xi32, #tpu.memory_space<vmem>>
      %dma_start3A_29 = arith.constant 0 : i32
      %dma_start3A_30 = arith.constant 0 : i32
      %dma_start3A_31 = tpu.memref_slice %arg13[%dma_start3A_29, %dma_start3A_30] : memref<10112x64xf32, #tpu.memory_space<vmem_shared>> -> memref<10112x64xf32, #tpu.memory_space<vmem_shared>>
      tpu.enqueue_indirect_dma source(%arg11 : memref<128x64xf32, #tpu.memory_space<vmem>>) target(%dma_start3A_31 : memref<10112x64xf32, #tpu.memory_space<vmem_shared>>) offsets(%dma_start3A_28 : memref<128xi32, #tpu.memory_space<vmem>>) semaphore(%arg17 : memref<!tpu.dma_semaphore, #tpu.memory_space<semaphore_mem>>) {add = true}
      %dma_wait3A_32 = arith.constant 0 : i32
      %dma_wait3A_33 = tpu.memref_slice %arg9[%scan3A_9, %dma_wait3A_32] : memref<80x128xi32, #tpu.memory_space<vmem>> -> memref<1x128xi32, #tpu.memory_space<vmem>>
      %dma_wait3A_34 = tpu.memref_squeeze %dma_wait3A_33 : memref<1x128xi32, #tpu.memory_space<vmem>> -> memref<128xi32, #tpu.memory_space<vmem>>
      %dma_wait3A_35 = arith.constant 0 : i32
      %dma_wait3A_36 = arith.constant 0 : i32
      %dma_wait3A_37 = tpu.memref_slice %arg3[%dma_wait3A_35, %dma_wait3A_36] : memref<10000x64xf32, #tpu.memory_space<hbm>> -> memref<10000x64xf32, #tpu.memory_space<hbm>>
      tpu.wait_indirect_dma semaphore(%arg16 : memref<!tpu.dma_semaphore, #tpu.memory_space<semaphore_mem>>) src(%dma_wait3A_37 : memref<10000x64xf32, #tpu.memory_space<hbm>>) dst(%arg12 : memref<128x64xf32, #tpu.memory_space<vmem>>)
      %dma_start3A_38 = arith.constant 0 : i32
      %dma_start3A_39 = tpu.memref_slice %arg10[%scan3A_9, %dma_start3A_38] : memref<80x128xi32, #tpu.memory_space<vmem>> -> memref<1x128xi32, #tpu.memory_space<vmem>>
      %dma_start3A_40 = tpu.memref_squeeze %dma_start3A_39 : memref<1x128xi32, #tpu.memory_space<vmem>> -> memref<128xi32, #tpu.memory_space<vmem>>
      %dma_start3A_41 = arith.constant 0 : i32
      %dma_start3A_42 = arith.constant 0 : i32
      %dma_start3A_43 = tpu.memref_slice %arg14[%dma_start3A_41, %dma_start3A_42] : memref<10112x64xf32, #tpu.memory_space<vmem_shared>> -> memref<10112x64xf32, #tpu.memory_space<vmem_shared>>
      tpu.enqueue_indirect_dma source(%arg12 : memref<128x64xf32, #tpu.memory_space<vmem>>) target(%dma_start3A_43 : memref<10112x64xf32, #tpu.memory_space<vmem_shared>>) offsets(%dma_start3A_40 : memref<128xi32, #tpu.memory_space<vmem>>) semaphore(%arg18 : memref<!tpu.dma_semaphore, #tpu.memory_space<semaphore_mem>>) {add = true}
      %dma_wait3A_44 = arith.constant 0 : i32
      %dma_wait3A_45 = tpu.memref_slice %arg10[%scan3A_9, %dma_wait3A_44] : memref<80x128xi32, #tpu.memory_space<vmem>> -> memref<1x128xi32, #tpu.memory_space<vmem>>
      %dma_wait3A_46 = tpu.memref_squeeze %dma_wait3A_45 : memref<1x128xi32, #tpu.memory_space<vmem>> -> memref<128xi32, #tpu.memory_space<vmem>>
      %dma_wait3A_47 = arith.constant 0 : i32
      %dma_wait3A_48 = arith.constant 0 : i32
      %dma_wait3A_49 = tpu.memref_slice %arg13[%dma_wait3A_47, %dma_wait3A_48] : memref<10112x64xf32, #tpu.memory_space<vmem_shared>> -> memref<10112x64xf32, #tpu.memory_space<vmem_shared>>
      tpu.wait_indirect_dma semaphore(%arg17 : memref<!tpu.dma_semaphore, #tpu.memory_space<semaphore_mem>>) src(%arg11 : memref<128x64xf32, #tpu.memory_space<vmem>>) dst(%dma_wait3A_49 : memref<10112x64xf32, #tpu.memory_space<vmem_shared>>)
      %dma_wait3A_50 = arith.constant 0 : i32
      %dma_wait3A_51 = tpu.memref_slice %arg10[%scan3A_9, %dma_wait3A_50] : memref<80x128xi32, #tpu.memory_space<vmem>> -> memref<1x128xi32, #tpu.memory_space<vmem>>
      %dma_wait3A_52 = tpu.memref_squeeze %dma_wait3A_51 : memref<1x128xi32, #tpu.memory_space<vmem>> -> memref<128xi32, #tpu.memory_space<vmem>>
      %dma_wait3A_53 = arith.constant 0 : i32
      %dma_wait3A_54 = arith.constant 0 : i32
      %dma_wait3A_55 = tpu.memref_slice %arg14[%dma_wait3A_53, %dma_wait3A_54] : memref<10112x64xf32, #tpu.memory_space<vmem_shared>> -> memref<10112x64xf32, #tpu.memory_space<vmem_shared>>
      tpu.wait_indirect_dma semaphore(%arg18 : memref<!tpu.dma_semaphore, #tpu.memory_space<semaphore_mem>>) src(%arg12 : memref<128x64xf32, #tpu.memory_space<vmem>>) dst(%dma_wait3A_55 : memref<10112x64xf32, #tpu.memory_space<vmem_shared>>)
    }
    %scan3A_7 = arith.constant 80 : i32
    %barrier3A_8 = arith.constant 0 : index
    tpu.barrier barrier_id(%barrier3A_8)
    "tpu.region"() ({
      %run_scoped3A = tpu.sem_alloc : memref<!tpu.dma_semaphore, #tpu.memory_space<semaphore_mem>>
      %dma_start3A = arith.constant 0 : i32
      %dma_start3A_9 = tpu.memref_slice %arg7[%arg0, %mul3A_2, %dma_start3A] : memref<2x10112x64xf32, #tpu.memory_space<hbm>> -> memref<1x632x64xf32, #tpu.memory_space<hbm>>
      %dma_start3A_10 = tpu.memref_squeeze %dma_start3A_9 : memref<1x632x64xf32, #tpu.memory_space<hbm>> -> memref<632x64xf32, #tpu.memory_space<hbm>>
      %dma_start3A_11 = arith.constant 0 : i32
      %dma_start3A_12 = tpu.memref_slice %arg13[%mul3A_2, %dma_start3A_11] : memref<10112x64xf32, #tpu.memory_space<vmem_shared>> -> memref<632x64xf32, #tpu.memory_space<vmem_shared>>
      tpu.enqueue_dma source(%dma_start3A_12 : memref<632x64xf32, #tpu.memory_space<vmem_shared>>) target(%dma_start3A_10 : memref<632x64xf32, #tpu.memory_space<hbm>>) target_semaphore(%run_scoped3A : memref<!tpu.dma_semaphore, #tpu.memory_space<semaphore_mem>>)
      %dma_wait3A = arith.constant 0 : i32
      %dma_wait3A_13 = tpu.memref_slice %arg7[%arg0, %mul3A_2, %dma_wait3A] : memref<2x10112x64xf32, #tpu.memory_space<hbm>> -> memref<1x632x64xf32, #tpu.memory_space<hbm>>
      %dma_wait3A_14 = tpu.memref_squeeze %dma_wait3A_13 : memref<1x632x64xf32, #tpu.memory_space<hbm>> -> memref<632x64xf32, #tpu.memory_space<hbm>>
      %dma_wait3A_15 = arith.constant 0 : i32
      %dma_wait3A_16 = tpu.memref_slice %arg13[%mul3A_2, %dma_wait3A_15] : memref<10112x64xf32, #tpu.memory_space<vmem_shared>> -> memref<632x64xf32, #tpu.memory_space<vmem_shared>>
      tpu.wait_dma2 semaphore(%run_scoped3A : memref<!tpu.dma_semaphore, #tpu.memory_space<semaphore_mem>>) src(%dma_wait3A_16 : memref<632x64xf32, #tpu.memory_space<vmem_shared>>) dst(%dma_wait3A_14 : memref<632x64xf32, #tpu.memory_space<hbm>>)
      tpu.yield
    }) : () -> ()
    "tpu.region"() ({
      %run_scoped3A = tpu.sem_alloc : memref<!tpu.dma_semaphore, #tpu.memory_space<semaphore_mem>>
      %dma_start3A = arith.constant 0 : i32
      %dma_start3A_9 = tpu.memref_slice %arg8[%arg0, %mul3A_2, %dma_start3A] : memref<2x10112x64xf32, #tpu.memory_space<hbm>> -> memref<1x632x64xf32, #tpu.memory_space<hbm>>
      %dma_start3A_10 = tpu.memref_squeeze %dma_start3A_9 : memref<1x632x64xf32, #tpu.memory_space<hbm>> -> memref<632x64xf32, #tpu.memory_space<hbm>>
      %dma_start3A_11 = arith.constant 0 : i32
      %dma_start3A_12 = tpu.memref_slice %arg14[%mul3A_2, %dma_start3A_11] : memref<10112x64xf32, #tpu.memory_space<vmem_shared>> -> memref<632x64xf32, #tpu.memory_space<vmem_shared>>
      tpu.enqueue_dma source(%dma_start3A_12 : memref<632x64xf32, #tpu.memory_space<vmem_shared>>) target(%dma_start3A_10 : memref<632x64xf32, #tpu.memory_space<hbm>>) target_semaphore(%run_scoped3A : memref<!tpu.dma_semaphore, #tpu.memory_space<semaphore_mem>>)
      %dma_wait3A = arith.constant 0 : i32
      %dma_wait3A_13 = tpu.memref_slice %arg8[%arg0, %mul3A_2, %dma_wait3A] : memref<2x10112x64xf32, #tpu.memory_space<hbm>> -> memref<1x632x64xf32, #tpu.memory_space<hbm>>
      %dma_wait3A_14 = tpu.memref_squeeze %dma_wait3A_13 : memref<1x632x64xf32, #tpu.memory_space<hbm>> -> memref<632x64xf32, #tpu.memory_space<hbm>>
      %dma_wait3A_15 = arith.constant 0 : i32
      %dma_wait3A_16 = tpu.memref_slice %arg14[%mul3A_2, %dma_wait3A_15] : memref<10112x64xf32, #tpu.memory_space<vmem_shared>> -> memref<632x64xf32, #tpu.memory_space<vmem_shared>>
      tpu.wait_dma2 semaphore(%run_scoped3A : memref<!tpu.dma_semaphore, #tpu.memory_space<semaphore_mem>>) src(%dma_wait3A_16 : memref<632x64xf32, #tpu.memory_space<vmem_shared>>) dst(%dma_wait3A_14 : memref<632x64xf32, #tpu.memory_space<hbm>>)
      tpu.yield
    }) : () -> ()
    return
  }
}

#map = affine_map<(d0, d1) -> (0, 0)>
#map1 = affine_map<(d0, d1) -> (0, 0, 0)>
module attributes {stable_mosaic.version = 14 : i64} {
  func.func @prop2(%arg0: i32, %arg1: i32, %arg2: memref<10000x64xf32, #tpu.memory_space<hbm>>, %arg3: memref<10000x64xf32, #tpu.memory_space<hbm>>, %arg4: memref<32x80x128xi32, #tpu.memory_space<hbm>>, %arg5: memref<32x80x128xi32, #tpu.memory_space<hbm>>, %arg6: memref<10112x64xf32, #tpu.memory_space<hbm>>, %arg7: memref<2x10112x64xf32, #tpu.memory_space<hbm>>, %arg8: memref<2x10112x64xf32, #tpu.memory_space<hbm>>, %arg9: memref<80x128xi32, #tpu.memory_space<vmem>>, %arg10: memref<80x128xi32, #tpu.memory_space<vmem>>, %arg11: memref<128x64xf32, #tpu.memory_space<vmem>>, %arg12: memref<128x64xf32, #tpu.memory_space<vmem>>, %arg13: memref<10112x64xf32, #tpu.memory_space<vmem_shared>>, %arg14: memref<10112x64xf32, #tpu.memory_space<vmem_shared>>, %arg15: memref<!tpu.dma_semaphore, #tpu.memory_space<semaphore_mem>>, %arg16: memref<!tpu.dma_semaphore, #tpu.memory_space<semaphore_mem>>, %arg17: memref<!tpu.dma_semaphore, #tpu.memory_space<semaphore_mem>>, %arg18: memref<!tpu.dma_semaphore, #tpu.memory_space<semaphore_mem>>) attributes {dimension_semantics = [#tpu.dimension_semantics<core_parallel>, #tpu.dimension_semantics<subcore_parallel>], iteration_bounds = array<i64: 2, 16>, scalar_prefetch = 0 : i64, scratch_operands = 10 : i64, tpu.core_type = #tpu.core_type<sc_vector_subcore>, window_params = [{transform_indices = #map}, {transform_indices = #map}, {transform_indices = #map1}, {transform_indices = #map1}, {transform_indices = #map}, {transform_indices = #map1}, {transform_indices = #map1}]} {
    %mul3A = arith.constant 16 : i32
    %mul3A_0 = arith.muli %arg0, %mul3A : i32
    %add3A = arith.addi %mul3A_0, %arg1 : i32
    "tpu.region"() ({
      %run_scoped3A = tpu.sem_alloc : memref<!tpu.dma_semaphore, #tpu.memory_space<semaphore_mem>>
      %dma_start3A = arith.constant 0 : i32
      %dma_start3A_9 = arith.constant 0 : i32
      %dma_start3A_10 = tpu.memref_slice %arg4[%add3A, %dma_start3A, %dma_start3A_9] : memref<32x80x128xi32, #tpu.memory_space<hbm>> -> memref<1x80x128xi32, #tpu.memory_space<hbm>>
      %dma_start3A_11 = tpu.memref_squeeze %dma_start3A_10 : memref<1x80x128xi32, #tpu.memory_space<hbm>> -> memref<80x128xi32, #tpu.memory_space<hbm>>
      %dma_start3A_12 = arith.constant 0 : i32
      %dma_start3A_13 = arith.constant 0 : i32
      %dma_start3A_14 = tpu.memref_slice %arg4[%add3A, %dma_start3A_12, %dma_start3A_13] : memref<32x80x128xi32, #tpu.memory_space<hbm>> -> memref<1x80x128xi32, #tpu.memory_space<hbm>>
      %dma_start3A_15 = tpu.memref_squeeze %dma_start3A_14 : memref<1x80x128xi32, #tpu.memory_space<hbm>> -> memref<80x128xi32, #tpu.memory_space<hbm>>
      tpu.enqueue_dma source(%dma_start3A_15 : memref<80x128xi32, #tpu.memory_space<hbm>>) target(%arg9 : memref<80x128xi32, #tpu.memory_space<vmem>>) target_semaphore(%run_scoped3A : memref<!tpu.dma_semaphore, #tpu.memory_space<semaphore_mem>>)
      %dma_wait3A = arith.constant 0 : i32
      %dma_wait3A_16 = arith.constant 0 : i32
      %dma_wait3A_17 = tpu.memref_slice %arg4[%add3A, %dma_wait3A, %dma_wait3A_16] : memref<32x80x128xi32, #tpu.memory_space<hbm>> -> memref<1x80x128xi32, #tpu.memory_space<hbm>>
      %dma_wait3A_18 = tpu.memref_squeeze %dma_wait3A_17 : memref<1x80x128xi32, #tpu.memory_space<hbm>> -> memref<80x128xi32, #tpu.memory_space<hbm>>
      %dma_wait3A_19 = arith.constant 0 : i32
      %dma_wait3A_20 = arith.constant 0 : i32
      %dma_wait3A_21 = tpu.memref_slice %arg4[%add3A, %dma_wait3A_19, %dma_wait3A_20] : memref<32x80x128xi32, #tpu.memory_space<hbm>> -> memref<1x80x128xi32, #tpu.memory_space<hbm>>
      %dma_wait3A_22 = tpu.memref_squeeze %dma_wait3A_21 : memref<1x80x128xi32, #tpu.memory_space<hbm>> -> memref<80x128xi32, #tpu.memory_space<hbm>>
      tpu.wait_dma2 semaphore(%run_scoped3A : memref<!tpu.dma_semaphore, #tpu.memory_space<semaphore_mem>>) src(%dma_wait3A_22 : memref<80x128xi32, #tpu.memory_space<hbm>>) dst(%arg9 : memref<80x128xi32, #tpu.memory_space<vmem>>)
      tpu.yield
    }) : () -> ()
    "tpu.region"() ({
      %run_scoped3A = tpu.sem_alloc : memref<!tpu.dma_semaphore, #tpu.memory_space<semaphore_mem>>
      %dma_start3A = arith.constant 0 : i32
      %dma_start3A_9 = arith.constant 0 : i32
      %dma_start3A_10 = tpu.memref_slice %arg5[%add3A, %dma_start3A, %dma_start3A_9] : memref<32x80x128xi32, #tpu.memory_space<hbm>> -> memref<1x80x128xi32, #tpu.memory_space<hbm>>
      %dma_start3A_11 = tpu.memref_squeeze %dma_start3A_10 : memref<1x80x128xi32, #tpu.memory_space<hbm>> -> memref<80x128xi32, #tpu.memory_space<hbm>>
      %dma_start3A_12 = arith.constant 0 : i32
      %dma_start3A_13 = arith.constant 0 : i32
      %dma_start3A_14 = tpu.memref_slice %arg5[%add3A, %dma_start3A_12, %dma_start3A_13] : memref<32x80x128xi32, #tpu.memory_space<hbm>> -> memref<1x80x128xi32, #tpu.memory_space<hbm>>
      %dma_start3A_15 = tpu.memref_squeeze %dma_start3A_14 : memref<1x80x128xi32, #tpu.memory_space<hbm>> -> memref<80x128xi32, #tpu.memory_space<hbm>>
      tpu.enqueue_dma source(%dma_start3A_15 : memref<80x128xi32, #tpu.memory_space<hbm>>) target(%arg10 : memref<80x128xi32, #tpu.memory_space<vmem>>) target_semaphore(%run_scoped3A : memref<!tpu.dma_semaphore, #tpu.memory_space<semaphore_mem>>)
      %dma_wait3A = arith.constant 0 : i32
      %dma_wait3A_16 = arith.constant 0 : i32
      %dma_wait3A_17 = tpu.memref_slice %arg5[%add3A, %dma_wait3A, %dma_wait3A_16] : memref<32x80x128xi32, #tpu.memory_space<hbm>> -> memref<1x80x128xi32, #tpu.memory_space<hbm>>
      %dma_wait3A_18 = tpu.memref_squeeze %dma_wait3A_17 : memref<1x80x128xi32, #tpu.memory_space<hbm>> -> memref<80x128xi32, #tpu.memory_space<hbm>>
      %dma_wait3A_19 = arith.constant 0 : i32
      %dma_wait3A_20 = arith.constant 0 : i32
      %dma_wait3A_21 = tpu.memref_slice %arg5[%add3A, %dma_wait3A_19, %dma_wait3A_20] : memref<32x80x128xi32, #tpu.memory_space<hbm>> -> memref<1x80x128xi32, #tpu.memory_space<hbm>>
      %dma_wait3A_22 = tpu.memref_squeeze %dma_wait3A_21 : memref<1x80x128xi32, #tpu.memory_space<hbm>> -> memref<80x128xi32, #tpu.memory_space<hbm>>
      tpu.wait_dma2 semaphore(%run_scoped3A : memref<!tpu.dma_semaphore, #tpu.memory_space<semaphore_mem>>) src(%dma_wait3A_22 : memref<80x128xi32, #tpu.memory_space<hbm>>) dst(%arg10 : memref<80x128xi32, #tpu.memory_space<vmem>>)
      tpu.yield
    }) : () -> ()
    %mul3A_1 = arith.constant 632 : i32
    %mul3A_2 = arith.muli %arg1, %mul3A_1 : i32
    "tpu.region"() ({
      %run_scoped3A = tpu.sem_alloc : memref<!tpu.dma_semaphore, #tpu.memory_space<semaphore_mem>>
      %dma_start3A = arith.constant 0 : i32
      %dma_start3A_9 = tpu.memref_slice %arg13[%mul3A_2, %dma_start3A] : memref<10112x64xf32, #tpu.memory_space<vmem_shared>> -> memref<632x64xf32, #tpu.memory_space<vmem_shared>>
      %dma_start3A_10 = arith.constant 0 : i32
      %dma_start3A_11 = tpu.memref_slice %arg6[%mul3A_2, %dma_start3A_10] : memref<10112x64xf32, #tpu.memory_space<hbm>> -> memref<632x64xf32, #tpu.memory_space<hbm>>
      tpu.enqueue_dma source(%dma_start3A_11 : memref<632x64xf32, #tpu.memory_space<hbm>>) target(%dma_start3A_9 : memref<632x64xf32, #tpu.memory_space<vmem_shared>>) target_semaphore(%run_scoped3A : memref<!tpu.dma_semaphore, #tpu.memory_space<semaphore_mem>>)
      %dma_wait3A = arith.constant 0 : i32
      %dma_wait3A_12 = tpu.memref_slice %arg13[%mul3A_2, %dma_wait3A] : memref<10112x64xf32, #tpu.memory_space<vmem_shared>> -> memref<632x64xf32, #tpu.memory_space<vmem_shared>>
      %dma_wait3A_13 = arith.constant 0 : i32
      %dma_wait3A_14 = tpu.memref_slice %arg6[%mul3A_2, %dma_wait3A_13] : memref<10112x64xf32, #tpu.memory_space<hbm>> -> memref<632x64xf32, #tpu.memory_space<hbm>>
      tpu.wait_dma2 semaphore(%run_scoped3A : memref<!tpu.dma_semaphore, #tpu.memory_space<semaphore_mem>>) src(%dma_wait3A_14 : memref<632x64xf32, #tpu.memory_space<hbm>>) dst(%dma_wait3A_12 : memref<632x64xf32, #tpu.memory_space<vmem_shared>>)
      tpu.yield
    }) : () -> ()
    "tpu.region"() ({
      %run_scoped3A = tpu.sem_alloc : memref<!tpu.dma_semaphore, #tpu.memory_space<semaphore_mem>>
      %dma_start3A = arith.constant 0 : i32
      %dma_start3A_9 = tpu.memref_slice %arg14[%mul3A_2, %dma_start3A] : memref<10112x64xf32, #tpu.memory_space<vmem_shared>> -> memref<632x64xf32, #tpu.memory_space<vmem_shared>>
      %dma_start3A_10 = arith.constant 0 : i32
      %dma_start3A_11 = tpu.memref_slice %arg6[%mul3A_2, %dma_start3A_10] : memref<10112x64xf32, #tpu.memory_space<hbm>> -> memref<632x64xf32, #tpu.memory_space<hbm>>
      tpu.enqueue_dma source(%dma_start3A_11 : memref<632x64xf32, #tpu.memory_space<hbm>>) target(%dma_start3A_9 : memref<632x64xf32, #tpu.memory_space<vmem_shared>>) target_semaphore(%run_scoped3A : memref<!tpu.dma_semaphore, #tpu.memory_space<semaphore_mem>>)
      %dma_wait3A = arith.constant 0 : i32
      %dma_wait3A_12 = tpu.memref_slice %arg14[%mul3A_2, %dma_wait3A] : memref<10112x64xf32, #tpu.memory_space<vmem_shared>> -> memref<632x64xf32, #tpu.memory_space<vmem_shared>>
      %dma_wait3A_13 = arith.constant 0 : i32
      %dma_wait3A_14 = tpu.memref_slice %arg6[%mul3A_2, %dma_wait3A_13] : memref<10112x64xf32, #tpu.memory_space<hbm>> -> memref<632x64xf32, #tpu.memory_space<hbm>>
      tpu.wait_dma2 semaphore(%run_scoped3A : memref<!tpu.dma_semaphore, #tpu.memory_space<semaphore_mem>>) src(%dma_wait3A_14 : memref<632x64xf32, #tpu.memory_space<hbm>>) dst(%dma_wait3A_12 : memref<632x64xf32, #tpu.memory_space<vmem_shared>>)
      tpu.yield
    }) : () -> ()
    %barrier3A = arith.constant 0 : index
    tpu.barrier barrier_id(%barrier3A)
    %scan3A = arith.constant 0 : i32
    %scan3A_3 = arith.constant 0 : i32
    %scan3A_4 = arith.constant 80 : i32
    %scan3A_5 = arith.addi %scan3A_3, %scan3A_4 : i32
    %scan3A_6 = arith.constant 1 : i32
    scf.for %scan3A_9 = %scan3A_3 to %scan3A_5 step %scan3A_6  : i32 {
      %dma_start3A = arith.constant 0 : i32
      %dma_start3A_10 = tpu.memref_slice %arg9[%scan3A_9, %dma_start3A] : memref<80x128xi32, #tpu.memory_space<vmem>> -> memref<1x128xi32, #tpu.memory_space<vmem>>
      %dma_start3A_11 = tpu.memref_squeeze %dma_start3A_10 : memref<1x128xi32, #tpu.memory_space<vmem>> -> memref<128xi32, #tpu.memory_space<vmem>>
      %dma_start3A_12 = arith.constant 0 : i32
      %dma_start3A_13 = arith.constant 0 : i32
      %dma_start3A_14 = tpu.memref_slice %arg2[%dma_start3A_12, %dma_start3A_13] : memref<10000x64xf32, #tpu.memory_space<hbm>> -> memref<10000x64xf32, #tpu.memory_space<hbm>>
      tpu.enqueue_indirect_dma source(%dma_start3A_14 : memref<10000x64xf32, #tpu.memory_space<hbm>>) target(%arg11 : memref<128x64xf32, #tpu.memory_space<vmem>>) offsets(%dma_start3A_11 : memref<128xi32, #tpu.memory_space<vmem>>) semaphore(%arg15 : memref<!tpu.dma_semaphore, #tpu.memory_space<semaphore_mem>>)
      %dma_start3A_15 = arith.constant 0 : i32
      %dma_start3A_16 = tpu.memref_slice %arg9[%scan3A_9, %dma_start3A_15] : memref<80x128xi32, #tpu.memory_space<vmem>> -> memref<1x128xi32, #tpu.memory_space<vmem>>
      %dma_start3A_17 = tpu.memref_squeeze %dma_start3A_16 : memref<1x128xi32, #tpu.memory_space<vmem>> -> memref<128xi32, #tpu.memory_space<vmem>>
      %dma_start3A_18 = arith.constant 0 : i32
      %dma_start3A_19 = arith.constant 0 : i32
      %dma_start3A_20 = tpu.memref_slice %arg3[%dma_start3A_18, %dma_start3A_19] : memref<10000x64xf32, #tpu.memory_space<hbm>> -> memref<10000x64xf32, #tpu.memory_space<hbm>>
      tpu.enqueue_indirect_dma source(%dma_start3A_20 : memref<10000x64xf32, #tpu.memory_space<hbm>>) target(%arg12 : memref<128x64xf32, #tpu.memory_space<vmem>>) offsets(%dma_start3A_17 : memref<128xi32, #tpu.memory_space<vmem>>) semaphore(%arg16 : memref<!tpu.dma_semaphore, #tpu.memory_space<semaphore_mem>>)
      %dma_wait3A = arith.constant 0 : i32
      %dma_wait3A_21 = tpu.memref_slice %arg9[%scan3A_9, %dma_wait3A] : memref<80x128xi32, #tpu.memory_space<vmem>> -> memref<1x128xi32, #tpu.memory_space<vmem>>
      %dma_wait3A_22 = tpu.memref_squeeze %dma_wait3A_21 : memref<1x128xi32, #tpu.memory_space<vmem>> -> memref<128xi32, #tpu.memory_space<vmem>>
      %dma_wait3A_23 = arith.constant 0 : i32
      %dma_wait3A_24 = arith.constant 0 : i32
      %dma_wait3A_25 = tpu.memref_slice %arg2[%dma_wait3A_23, %dma_wait3A_24] : memref<10000x64xf32, #tpu.memory_space<hbm>> -> memref<10000x64xf32, #tpu.memory_space<hbm>>
      tpu.wait_indirect_dma semaphore(%arg15 : memref<!tpu.dma_semaphore, #tpu.memory_space<semaphore_mem>>) src(%dma_wait3A_25 : memref<10000x64xf32, #tpu.memory_space<hbm>>) dst(%arg11 : memref<128x64xf32, #tpu.memory_space<vmem>>)
      %dma_start3A_26 = arith.constant 0 : i32
      %dma_start3A_27 = tpu.memref_slice %arg10[%scan3A_9, %dma_start3A_26] : memref<80x128xi32, #tpu.memory_space<vmem>> -> memref<1x128xi32, #tpu.memory_space<vmem>>
      %dma_start3A_28 = tpu.memref_squeeze %dma_start3A_27 : memref<1x128xi32, #tpu.memory_space<vmem>> -> memref<128xi32, #tpu.memory_space<vmem>>
      %dma_start3A_29 = arith.constant 0 : i32
      %dma_start3A_30 = arith.constant 0 : i32
      %dma_start3A_31 = tpu.memref_slice %arg13[%dma_start3A_29, %dma_start3A_30] : memref<10112x64xf32, #tpu.memory_space<vmem_shared>> -> memref<10112x64xf32, #tpu.memory_space<vmem_shared>>
      tpu.enqueue_indirect_dma source(%arg11 : memref<128x64xf32, #tpu.memory_space<vmem>>) target(%dma_start3A_31 : memref<10112x64xf32, #tpu.memory_space<vmem_shared>>) offsets(%dma_start3A_28 : memref<128xi32, #tpu.memory_space<vmem>>) semaphore(%arg17 : memref<!tpu.dma_semaphore, #tpu.memory_space<semaphore_mem>>) {add = true}
      %dma_wait3A_32 = arith.constant 0 : i32
      %dma_wait3A_33 = tpu.memref_slice %arg9[%scan3A_9, %dma_wait3A_32] : memref<80x128xi32, #tpu.memory_space<vmem>> -> memref<1x128xi32, #tpu.memory_space<vmem>>
      %dma_wait3A_34 = tpu.memref_squeeze %dma_wait3A_33 : memref<1x128xi32, #tpu.memory_space<vmem>> -> memref<128xi32, #tpu.memory_space<vmem>>
      %dma_wait3A_35 = arith.constant 0 : i32
      %dma_wait3A_36 = arith.constant 0 : i32
      %dma_wait3A_37 = tpu.memref_slice %arg3[%dma_wait3A_35, %dma_wait3A_36] : memref<10000x64xf32, #tpu.memory_space<hbm>> -> memref<10000x64xf32, #tpu.memory_space<hbm>>
      tpu.wait_indirect_dma semaphore(%arg16 : memref<!tpu.dma_semaphore, #tpu.memory_space<semaphore_mem>>) src(%dma_wait3A_37 : memref<10000x64xf32, #tpu.memory_space<hbm>>) dst(%arg12 : memref<128x64xf32, #tpu.memory_space<vmem>>)
      %dma_start3A_38 = arith.constant 0 : i32
      %dma_start3A_39 = tpu.memref_slice %arg10[%scan3A_9, %dma_start3A_38] : memref<80x128xi32, #tpu.memory_space<vmem>> -> memref<1x128xi32, #tpu.memory_space<vmem>>
      %dma_start3A_40 = tpu.memref_squeeze %dma_start3A_39 : memref<1x128xi32, #tpu.memory_space<vmem>> -> memref<128xi32, #tpu.memory_space<vmem>>
      %dma_start3A_41 = arith.constant 0 : i32
      %dma_start3A_42 = arith.constant 0 : i32
      %dma_start3A_43 = tpu.memref_slice %arg14[%dma_start3A_41, %dma_start3A_42] : memref<10112x64xf32, #tpu.memory_space<vmem_shared>> -> memref<10112x64xf32, #tpu.memory_space<vmem_shared>>
      tpu.enqueue_indirect_dma source(%arg12 : memref<128x64xf32, #tpu.memory_space<vmem>>) target(%dma_start3A_43 : memref<10112x64xf32, #tpu.memory_space<vmem_shared>>) offsets(%dma_start3A_40 : memref<128xi32, #tpu.memory_space<vmem>>) semaphore(%arg18 : memref<!tpu.dma_semaphore, #tpu.memory_space<semaphore_mem>>) {add = true}
      %dma_wait3A_44 = arith.constant 0 : i32
      %dma_wait3A_45 = tpu.memref_slice %arg10[%scan3A_9, %dma_wait3A_44] : memref<80x128xi32, #tpu.memory_space<vmem>> -> memref<1x128xi32, #tpu.memory_space<vmem>>
      %dma_wait3A_46 = tpu.memref_squeeze %dma_wait3A_45 : memref<1x128xi32, #tpu.memory_space<vmem>> -> memref<128xi32, #tpu.memory_space<vmem>>
      %dma_wait3A_47 = arith.constant 0 : i32
      %dma_wait3A_48 = arith.constant 0 : i32
      %dma_wait3A_49 = tpu.memref_slice %arg13[%dma_wait3A_47, %dma_wait3A_48] : memref<10112x64xf32, #tpu.memory_space<vmem_shared>> -> memref<10112x64xf32, #tpu.memory_space<vmem_shared>>
      tpu.wait_indirect_dma semaphore(%arg17 : memref<!tpu.dma_semaphore, #tpu.memory_space<semaphore_mem>>) src(%arg11 : memref<128x64xf32, #tpu.memory_space<vmem>>) dst(%dma_wait3A_49 : memref<10112x64xf32, #tpu.memory_space<vmem_shared>>)
      %dma_wait3A_50 = arith.constant 0 : i32
      %dma_wait3A_51 = tpu.memref_slice %arg10[%scan3A_9, %dma_wait3A_50] : memref<80x128xi32, #tpu.memory_space<vmem>> -> memref<1x128xi32, #tpu.memory_space<vmem>>
      %dma_wait3A_52 = tpu.memref_squeeze %dma_wait3A_51 : memref<1x128xi32, #tpu.memory_space<vmem>> -> memref<128xi32, #tpu.memory_space<vmem>>
      %dma_wait3A_53 = arith.constant 0 : i32
      %dma_wait3A_54 = arith.constant 0 : i32
      %dma_wait3A_55 = tpu.memref_slice %arg14[%dma_wait3A_53, %dma_wait3A_54] : memref<10112x64xf32, #tpu.memory_space<vmem_shared>> -> memref<10112x64xf32, #tpu.memory_space<vmem_shared>>
      tpu.wait_indirect_dma semaphore(%arg18 : memref<!tpu.dma_semaphore, #tpu.memory_space<semaphore_mem>>) src(%arg12 : memref<128x64xf32, #tpu.memory_space<vmem>>) dst(%dma_wait3A_55 : memref<10112x64xf32, #tpu.memory_space<vmem_shared>>)
    }
    %scan3A_7 = arith.constant 80 : i32
    %barrier3A_8 = arith.constant 0 : index
    tpu.barrier barrier_id(%barrier3A_8)
    "tpu.region"() ({
      %run_scoped3A = tpu.sem_alloc : memref<!tpu.dma_semaphore, #tpu.memory_space<semaphore_mem>>
      %dma_start3A = arith.constant 0 : i32
      %dma_start3A_9 = tpu.memref_slice %arg7[%arg0, %mul3A_2, %dma_start3A] : memref<2x10112x64xf32, #tpu.memory_space<hbm>> -> memref<1x632x64xf32, #tpu.memory_space<hbm>>
      %dma_start3A_10 = tpu.memref_squeeze %dma_start3A_9 : memref<1x632x64xf32, #tpu.memory_space<hbm>> -> memref<632x64xf32, #tpu.memory_space<hbm>>
      %dma_start3A_11 = arith.constant 0 : i32
      %dma_start3A_12 = tpu.memref_slice %arg13[%mul3A_2, %dma_start3A_11] : memref<10112x64xf32, #tpu.memory_space<vmem_shared>> -> memref<632x64xf32, #tpu.memory_space<vmem_shared>>
      tpu.enqueue_dma source(%dma_start3A_12 : memref<632x64xf32, #tpu.memory_space<vmem_shared>>) target(%dma_start3A_10 : memref<632x64xf32, #tpu.memory_space<hbm>>) target_semaphore(%run_scoped3A : memref<!tpu.dma_semaphore, #tpu.memory_space<semaphore_mem>>)
      %dma_wait3A = arith.constant 0 : i32
      %dma_wait3A_13 = tpu.memref_slice %arg7[%arg0, %mul3A_2, %dma_wait3A] : memref<2x10112x64xf32, #tpu.memory_space<hbm>> -> memref<1x632x64xf32, #tpu.memory_space<hbm>>
      %dma_wait3A_14 = tpu.memref_squeeze %dma_wait3A_13 : memref<1x632x64xf32, #tpu.memory_space<hbm>> -> memref<632x64xf32, #tpu.memory_space<hbm>>
      %dma_wait3A_15 = arith.constant 0 : i32
      %dma_wait3A_16 = tpu.memref_slice %arg13[%mul3A_2, %dma_wait3A_15] : memref<10112x64xf32, #tpu.memory_space<vmem_shared>> -> memref<632x64xf32, #tpu.memory_space<vmem_shared>>
      tpu.wait_dma2 semaphore(%run_scoped3A : memref<!tpu.dma_semaphore, #tpu.memory_space<semaphore_mem>>) src(%dma_wait3A_16 : memref<632x64xf32, #tpu.memory_space<vmem_shared>>) dst(%dma_wait3A_14 : memref<632x64xf32, #tpu.memory_space<hbm>>)
      tpu.yield
    }) : () -> ()
    "tpu.region"() ({
      %run_scoped3A = tpu.sem_alloc : memref<!tpu.dma_semaphore, #tpu.memory_space<semaphore_mem>>
      %dma_start3A = arith.constant 0 : i32
      %dma_start3A_9 = tpu.memref_slice %arg8[%arg0, %mul3A_2, %dma_start3A] : memref<2x10112x64xf32, #tpu.memory_space<hbm>> -> memref<1x632x64xf32, #tpu.memory_space<hbm>>
      %dma_start3A_10 = tpu.memref_squeeze %dma_start3A_9 : memref<1x632x64xf32, #tpu.memory_space<hbm>> -> memref<632x64xf32, #tpu.memory_space<hbm>>
      %dma_start3A_11 = arith.constant 0 : i32
      %dma_start3A_12 = tpu.memref_slice %arg14[%mul3A_2, %dma_start3A_11] : memref<10112x64xf32, #tpu.memory_space<vmem_shared>> -> memref<632x64xf32, #tpu.memory_space<vmem_shared>>
      tpu.enqueue_dma source(%dma_start3A_12 : memref<632x64xf32, #tpu.memory_space<vmem_shared>>) target(%dma_start3A_10 : memref<632x64xf32, #tpu.memory_space<hbm>>) target_semaphore(%run_scoped3A : memref<!tpu.dma_semaphore, #tpu.memory_space<semaphore_mem>>)
      %dma_wait3A = arith.constant 0 : i32
      %dma_wait3A_13 = tpu.memref_slice %arg8[%arg0, %mul3A_2, %dma_wait3A] : memref<2x10112x64xf32, #tpu.memory_space<hbm>> -> memref<1x632x64xf32, #tpu.memory_space<hbm>>
      %dma_wait3A_14 = tpu.memref_squeeze %dma_wait3A_13 : memref<1x632x64xf32, #tpu.memory_space<hbm>> -> memref<632x64xf32, #tpu.memory_space<hbm>>
      %dma_wait3A_15 = arith.constant 0 : i32
      %dma_wait3A_16 = tpu.memref_slice %arg14[%mul3A_2, %dma_wait3A_15] : memref<10112x64xf32, #tpu.memory_space<vmem_shared>> -> memref<632x64xf32, #tpu.memory_space<vmem_shared>>
      tpu.wait_dma2 semaphore(%run_scoped3A : memref<!tpu.dma_semaphore, #tpu.memory_space<semaphore_mem>>) src(%dma_wait3A_16 : memref<632x64xf32, #tpu.memory_space<vmem_shared>>) dst(%dma_wait3A_14 : memref<632x64xf32, #tpu.memory_space<hbm>>)
      tpu.yield
    }) : () -> ()
    return
  }
}

#map = affine_map<(d0, d1) -> (0, 0)>
#map1 = affine_map<(d0, d1) -> (0, 0, 0)>
module attributes {stable_mosaic.version = 14 : i64} {
  func.func @prop2(%arg0: i32, %arg1: i32, %arg2: memref<10000x64xf32, #tpu.memory_space<hbm>>, %arg3: memref<10000x64xf32, #tpu.memory_space<hbm>>, %arg4: memref<32x80x128xi32, #tpu.memory_space<hbm>>, %arg5: memref<32x80x128xi32, #tpu.memory_space<hbm>>, %arg6: memref<10112x64xf32, #tpu.memory_space<hbm>>, %arg7: memref<2x10112x64xf32, #tpu.memory_space<hbm>>, %arg8: memref<2x10112x64xf32, #tpu.memory_space<hbm>>, %arg9: memref<80x128xi32, #tpu.memory_space<vmem>>, %arg10: memref<80x128xi32, #tpu.memory_space<vmem>>, %arg11: memref<128x64xf32, #tpu.memory_space<vmem>>, %arg12: memref<128x64xf32, #tpu.memory_space<vmem>>, %arg13: memref<10112x64xf32, #tpu.memory_space<vmem_shared>>, %arg14: memref<10112x64xf32, #tpu.memory_space<vmem_shared>>, %arg15: memref<!tpu.dma_semaphore, #tpu.memory_space<semaphore_mem>>, %arg16: memref<!tpu.dma_semaphore, #tpu.memory_space<semaphore_mem>>, %arg17: memref<!tpu.dma_semaphore, #tpu.memory_space<semaphore_mem>>, %arg18: memref<!tpu.dma_semaphore, #tpu.memory_space<semaphore_mem>>) attributes {dimension_semantics = [#tpu.dimension_semantics<core_parallel>, #tpu.dimension_semantics<subcore_parallel>], iteration_bounds = array<i64: 2, 16>, scalar_prefetch = 0 : i64, scratch_operands = 10 : i64, tpu.core_type = #tpu.core_type<sc_vector_subcore>, window_params = [{transform_indices = #map}, {transform_indices = #map}, {transform_indices = #map1}, {transform_indices = #map1}, {transform_indices = #map}, {transform_indices = #map1}, {transform_indices = #map1}]} {
    %mul3A = arith.constant 16 : i32
    %mul3A_0 = arith.muli %arg0, %mul3A : i32
    %add3A = arith.addi %mul3A_0, %arg1 : i32
    "tpu.region"() ({
      %run_scoped3A = tpu.sem_alloc : memref<!tpu.dma_semaphore, #tpu.memory_space<semaphore_mem>>
      %dma_start3A = arith.constant 0 : i32
      %dma_start3A_9 = arith.constant 0 : i32
      %dma_start3A_10 = tpu.memref_slice %arg4[%add3A, %dma_start3A, %dma_start3A_9] : memref<32x80x128xi32, #tpu.memory_space<hbm>> -> memref<1x80x128xi32, #tpu.memory_space<hbm>>
      %dma_start3A_11 = tpu.memref_squeeze %dma_start3A_10 : memref<1x80x128xi32, #tpu.memory_space<hbm>> -> memref<80x128xi32, #tpu.memory_space<hbm>>
      %dma_start3A_12 = arith.constant 0 : i32
      %dma_start3A_13 = arith.constant 0 : i32
      %dma_start3A_14 = tpu.memref_slice %arg4[%add3A, %dma_start3A_12, %dma_start3A_13] : memref<32x80x128xi32, #tpu.memory_space<hbm>> -> memref<1x80x128xi32, #tpu.memory_space<hbm>>
      %dma_start3A_15 = tpu.memref_squeeze %dma_start3A_14 : memref<1x80x128xi32, #tpu.memory_space<hbm>> -> memref<80x128xi32, #tpu.memory_space<hbm>>
      tpu.enqueue_dma source(%dma_start3A_15 : memref<80x128xi32, #tpu.memory_space<hbm>>) target(%arg9 : memref<80x128xi32, #tpu.memory_space<vmem>>) target_semaphore(%run_scoped3A : memref<!tpu.dma_semaphore, #tpu.memory_space<semaphore_mem>>)
      %dma_wait3A = arith.constant 0 : i32
      %dma_wait3A_16 = arith.constant 0 : i32
      %dma_wait3A_17 = tpu.memref_slice %arg4[%add3A, %dma_wait3A, %dma_wait3A_16] : memref<32x80x128xi32, #tpu.memory_space<hbm>> -> memref<1x80x128xi32, #tpu.memory_space<hbm>>
      %dma_wait3A_18 = tpu.memref_squeeze %dma_wait3A_17 : memref<1x80x128xi32, #tpu.memory_space<hbm>> -> memref<80x128xi32, #tpu.memory_space<hbm>>
      %dma_wait3A_19 = arith.constant 0 : i32
      %dma_wait3A_20 = arith.constant 0 : i32
      %dma_wait3A_21 = tpu.memref_slice %arg4[%add3A, %dma_wait3A_19, %dma_wait3A_20] : memref<32x80x128xi32, #tpu.memory_space<hbm>> -> memref<1x80x128xi32, #tpu.memory_space<hbm>>
      %dma_wait3A_22 = tpu.memref_squeeze %dma_wait3A_21 : memref<1x80x128xi32, #tpu.memory_space<hbm>> -> memref<80x128xi32, #tpu.memory_space<hbm>>
      tpu.wait_dma2 semaphore(%run_scoped3A : memref<!tpu.dma_semaphore, #tpu.memory_space<semaphore_mem>>) src(%dma_wait3A_22 : memref<80x128xi32, #tpu.memory_space<hbm>>) dst(%arg9 : memref<80x128xi32, #tpu.memory_space<vmem>>)
      tpu.yield
    }) : () -> ()
    "tpu.region"() ({
      %run_scoped3A = tpu.sem_alloc : memref<!tpu.dma_semaphore, #tpu.memory_space<semaphore_mem>>
      %dma_start3A = arith.constant 0 : i32
      %dma_start3A_9 = arith.constant 0 : i32
      %dma_start3A_10 = tpu.memref_slice %arg5[%add3A, %dma_start3A, %dma_start3A_9] : memref<32x80x128xi32, #tpu.memory_space<hbm>> -> memref<1x80x128xi32, #tpu.memory_space<hbm>>
      %dma_start3A_11 = tpu.memref_squeeze %dma_start3A_10 : memref<1x80x128xi32, #tpu.memory_space<hbm>> -> memref<80x128xi32, #tpu.memory_space<hbm>>
      %dma_start3A_12 = arith.constant 0 : i32
      %dma_start3A_13 = arith.constant 0 : i32
      %dma_start3A_14 = tpu.memref_slice %arg5[%add3A, %dma_start3A_12, %dma_start3A_13] : memref<32x80x128xi32, #tpu.memory_space<hbm>> -> memref<1x80x128xi32, #tpu.memory_space<hbm>>
      %dma_start3A_15 = tpu.memref_squeeze %dma_start3A_14 : memref<1x80x128xi32, #tpu.memory_space<hbm>> -> memref<80x128xi32, #tpu.memory_space<hbm>>
      tpu.enqueue_dma source(%dma_start3A_15 : memref<80x128xi32, #tpu.memory_space<hbm>>) target(%arg10 : memref<80x128xi32, #tpu.memory_space<vmem>>) target_semaphore(%run_scoped3A : memref<!tpu.dma_semaphore, #tpu.memory_space<semaphore_mem>>)
      %dma_wait3A = arith.constant 0 : i32
      %dma_wait3A_16 = arith.constant 0 : i32
      %dma_wait3A_17 = tpu.memref_slice %arg5[%add3A, %dma_wait3A, %dma_wait3A_16] : memref<32x80x128xi32, #tpu.memory_space<hbm>> -> memref<1x80x128xi32, #tpu.memory_space<hbm>>
      %dma_wait3A_18 = tpu.memref_squeeze %dma_wait3A_17 : memref<1x80x128xi32, #tpu.memory_space<hbm>> -> memref<80x128xi32, #tpu.memory_space<hbm>>
      %dma_wait3A_19 = arith.constant 0 : i32
      %dma_wait3A_20 = arith.constant 0 : i32
      %dma_wait3A_21 = tpu.memref_slice %arg5[%add3A, %dma_wait3A_19, %dma_wait3A_20] : memref<32x80x128xi32, #tpu.memory_space<hbm>> -> memref<1x80x128xi32, #tpu.memory_space<hbm>>
      %dma_wait3A_22 = tpu.memref_squeeze %dma_wait3A_21 : memref<1x80x128xi32, #tpu.memory_space<hbm>> -> memref<80x128xi32, #tpu.memory_space<hbm>>
      tpu.wait_dma2 semaphore(%run_scoped3A : memref<!tpu.dma_semaphore, #tpu.memory_space<semaphore_mem>>) src(%dma_wait3A_22 : memref<80x128xi32, #tpu.memory_space<hbm>>) dst(%arg10 : memref<80x128xi32, #tpu.memory_space<vmem>>)
      tpu.yield
    }) : () -> ()
    %mul3A_1 = arith.constant 632 : i32
    %mul3A_2 = arith.muli %arg1, %mul3A_1 : i32
    "tpu.region"() ({
      %run_scoped3A = tpu.sem_alloc : memref<!tpu.dma_semaphore, #tpu.memory_space<semaphore_mem>>
      %dma_start3A = arith.constant 0 : i32
      %dma_start3A_9 = tpu.memref_slice %arg13[%mul3A_2, %dma_start3A] : memref<10112x64xf32, #tpu.memory_space<vmem_shared>> -> memref<632x64xf32, #tpu.memory_space<vmem_shared>>
      %dma_start3A_10 = arith.constant 0 : i32
      %dma_start3A_11 = tpu.memref_slice %arg6[%mul3A_2, %dma_start3A_10] : memref<10112x64xf32, #tpu.memory_space<hbm>> -> memref<632x64xf32, #tpu.memory_space<hbm>>
      tpu.enqueue_dma source(%dma_start3A_11 : memref<632x64xf32, #tpu.memory_space<hbm>>) target(%dma_start3A_9 : memref<632x64xf32, #tpu.memory_space<vmem_shared>>) target_semaphore(%run_scoped3A : memref<!tpu.dma_semaphore, #tpu.memory_space<semaphore_mem>>)
      %dma_wait3A = arith.constant 0 : i32
      %dma_wait3A_12 = tpu.memref_slice %arg13[%mul3A_2, %dma_wait3A] : memref<10112x64xf32, #tpu.memory_space<vmem_shared>> -> memref<632x64xf32, #tpu.memory_space<vmem_shared>>
      %dma_wait3A_13 = arith.constant 0 : i32
      %dma_wait3A_14 = tpu.memref_slice %arg6[%mul3A_2, %dma_wait3A_13] : memref<10112x64xf32, #tpu.memory_space<hbm>> -> memref<632x64xf32, #tpu.memory_space<hbm>>
      tpu.wait_dma2 semaphore(%run_scoped3A : memref<!tpu.dma_semaphore, #tpu.memory_space<semaphore_mem>>) src(%dma_wait3A_14 : memref<632x64xf32, #tpu.memory_space<hbm>>) dst(%dma_wait3A_12 : memref<632x64xf32, #tpu.memory_space<vmem_shared>>)
      tpu.yield
    }) : () -> ()
    "tpu.region"() ({
      %run_scoped3A = tpu.sem_alloc : memref<!tpu.dma_semaphore, #tpu.memory_space<semaphore_mem>>
      %dma_start3A = arith.constant 0 : i32
      %dma_start3A_9 = tpu.memref_slice %arg14[%mul3A_2, %dma_start3A] : memref<10112x64xf32, #tpu.memory_space<vmem_shared>> -> memref<632x64xf32, #tpu.memory_space<vmem_shared>>
      %dma_start3A_10 = arith.constant 0 : i32
      %dma_start3A_11 = tpu.memref_slice %arg6[%mul3A_2, %dma_start3A_10] : memref<10112x64xf32, #tpu.memory_space<hbm>> -> memref<632x64xf32, #tpu.memory_space<hbm>>
      tpu.enqueue_dma source(%dma_start3A_11 : memref<632x64xf32, #tpu.memory_space<hbm>>) target(%dma_start3A_9 : memref<632x64xf32, #tpu.memory_space<vmem_shared>>) target_semaphore(%run_scoped3A : memref<!tpu.dma_semaphore, #tpu.memory_space<semaphore_mem>>)
      %dma_wait3A = arith.constant 0 : i32
      %dma_wait3A_12 = tpu.memref_slice %arg14[%mul3A_2, %dma_wait3A] : memref<10112x64xf32, #tpu.memory_space<vmem_shared>> -> memref<632x64xf32, #tpu.memory_space<vmem_shared>>
      %dma_wait3A_13 = arith.constant 0 : i32
      %dma_wait3A_14 = tpu.memref_slice %arg6[%mul3A_2, %dma_wait3A_13] : memref<10112x64xf32, #tpu.memory_space<hbm>> -> memref<632x64xf32, #tpu.memory_space<hbm>>
      tpu.wait_dma2 semaphore(%run_scoped3A : memref<!tpu.dma_semaphore, #tpu.memory_space<semaphore_mem>>) src(%dma_wait3A_14 : memref<632x64xf32, #tpu.memory_space<hbm>>) dst(%dma_wait3A_12 : memref<632x64xf32, #tpu.memory_space<vmem_shared>>)
      tpu.yield
    }) : () -> ()
    %barrier3A = arith.constant 0 : index
    tpu.barrier barrier_id(%barrier3A)
    %scan3A = arith.constant 0 : i32
    %scan3A_3 = arith.constant 0 : i32
    %scan3A_4 = arith.constant 80 : i32
    %scan3A_5 = arith.addi %scan3A_3, %scan3A_4 : i32
    %scan3A_6 = arith.constant 1 : i32
    scf.for %scan3A_9 = %scan3A_3 to %scan3A_5 step %scan3A_6  : i32 {
      %dma_start3A = arith.constant 0 : i32
      %dma_start3A_10 = tpu.memref_slice %arg9[%scan3A_9, %dma_start3A] : memref<80x128xi32, #tpu.memory_space<vmem>> -> memref<1x128xi32, #tpu.memory_space<vmem>>
      %dma_start3A_11 = tpu.memref_squeeze %dma_start3A_10 : memref<1x128xi32, #tpu.memory_space<vmem>> -> memref<128xi32, #tpu.memory_space<vmem>>
      %dma_start3A_12 = arith.constant 0 : i32
      %dma_start3A_13 = arith.constant 0 : i32
      %dma_start3A_14 = tpu.memref_slice %arg2[%dma_start3A_12, %dma_start3A_13] : memref<10000x64xf32, #tpu.memory_space<hbm>> -> memref<10000x64xf32, #tpu.memory_space<hbm>>
      tpu.enqueue_indirect_dma source(%dma_start3A_14 : memref<10000x64xf32, #tpu.memory_space<hbm>>) target(%arg11 : memref<128x64xf32, #tpu.memory_space<vmem>>) offsets(%dma_start3A_11 : memref<128xi32, #tpu.memory_space<vmem>>) semaphore(%arg15 : memref<!tpu.dma_semaphore, #tpu.memory_space<semaphore_mem>>)
      %dma_start3A_15 = arith.constant 0 : i32
      %dma_start3A_16 = tpu.memref_slice %arg9[%scan3A_9, %dma_start3A_15] : memref<80x128xi32, #tpu.memory_space<vmem>> -> memref<1x128xi32, #tpu.memory_space<vmem>>
      %dma_start3A_17 = tpu.memref_squeeze %dma_start3A_16 : memref<1x128xi32, #tpu.memory_space<vmem>> -> memref<128xi32, #tpu.memory_space<vmem>>
      %dma_start3A_18 = arith.constant 0 : i32
      %dma_start3A_19 = arith.constant 0 : i32
      %dma_start3A_20 = tpu.memref_slice %arg3[%dma_start3A_18, %dma_start3A_19] : memref<10000x64xf32, #tpu.memory_space<hbm>> -> memref<10000x64xf32, #tpu.memory_space<hbm>>
      tpu.enqueue_indirect_dma source(%dma_start3A_20 : memref<10000x64xf32, #tpu.memory_space<hbm>>) target(%arg12 : memref<128x64xf32, #tpu.memory_space<vmem>>) offsets(%dma_start3A_17 : memref<128xi32, #tpu.memory_space<vmem>>) semaphore(%arg16 : memref<!tpu.dma_semaphore, #tpu.memory_space<semaphore_mem>>)
      %dma_wait3A = arith.constant 0 : i32
      %dma_wait3A_21 = tpu.memref_slice %arg9[%scan3A_9, %dma_wait3A] : memref<80x128xi32, #tpu.memory_space<vmem>> -> memref<1x128xi32, #tpu.memory_space<vmem>>
      %dma_wait3A_22 = tpu.memref_squeeze %dma_wait3A_21 : memref<1x128xi32, #tpu.memory_space<vmem>> -> memref<128xi32, #tpu.memory_space<vmem>>
      %dma_wait3A_23 = arith.constant 0 : i32
      %dma_wait3A_24 = arith.constant 0 : i32
      %dma_wait3A_25 = tpu.memref_slice %arg2[%dma_wait3A_23, %dma_wait3A_24] : memref<10000x64xf32, #tpu.memory_space<hbm>> -> memref<10000x64xf32, #tpu.memory_space<hbm>>
      tpu.wait_indirect_dma semaphore(%arg15 : memref<!tpu.dma_semaphore, #tpu.memory_space<semaphore_mem>>) src(%dma_wait3A_25 : memref<10000x64xf32, #tpu.memory_space<hbm>>) dst(%arg11 : memref<128x64xf32, #tpu.memory_space<vmem>>)
      %dma_start3A_26 = arith.constant 0 : i32
      %dma_start3A_27 = tpu.memref_slice %arg10[%scan3A_9, %dma_start3A_26] : memref<80x128xi32, #tpu.memory_space<vmem>> -> memref<1x128xi32, #tpu.memory_space<vmem>>
      %dma_start3A_28 = tpu.memref_squeeze %dma_start3A_27 : memref<1x128xi32, #tpu.memory_space<vmem>> -> memref<128xi32, #tpu.memory_space<vmem>>
      %dma_start3A_29 = arith.constant 0 : i32
      %dma_start3A_30 = arith.constant 0 : i32
      %dma_start3A_31 = tpu.memref_slice %arg13[%dma_start3A_29, %dma_start3A_30] : memref<10112x64xf32, #tpu.memory_space<vmem_shared>> -> memref<10112x64xf32, #tpu.memory_space<vmem_shared>>
      tpu.enqueue_indirect_dma source(%arg11 : memref<128x64xf32, #tpu.memory_space<vmem>>) target(%dma_start3A_31 : memref<10112x64xf32, #tpu.memory_space<vmem_shared>>) offsets(%dma_start3A_28 : memref<128xi32, #tpu.memory_space<vmem>>) semaphore(%arg17 : memref<!tpu.dma_semaphore, #tpu.memory_space<semaphore_mem>>) {add = true}
      %dma_wait3A_32 = arith.constant 0 : i32
      %dma_wait3A_33 = tpu.memref_slice %arg9[%scan3A_9, %dma_wait3A_32] : memref<80x128xi32, #tpu.memory_space<vmem>> -> memref<1x128xi32, #tpu.memory_space<vmem>>
      %dma_wait3A_34 = tpu.memref_squeeze %dma_wait3A_33 : memref<1x128xi32, #tpu.memory_space<vmem>> -> memref<128xi32, #tpu.memory_space<vmem>>
      %dma_wait3A_35 = arith.constant 0 : i32
      %dma_wait3A_36 = arith.constant 0 : i32
      %dma_wait3A_37 = tpu.memref_slice %arg3[%dma_wait3A_35, %dma_wait3A_36] : memref<10000x64xf32, #tpu.memory_space<hbm>> -> memref<10000x64xf32, #tpu.memory_space<hbm>>
      tpu.wait_indirect_dma semaphore(%arg16 : memref<!tpu.dma_semaphore, #tpu.memory_space<semaphore_mem>>) src(%dma_wait3A_37 : memref<10000x64xf32, #tpu.memory_space<hbm>>) dst(%arg12 : memref<128x64xf32, #tpu.memory_space<vmem>>)
      %dma_start3A_38 = arith.constant 0 : i32
      %dma_start3A_39 = tpu.memref_slice %arg10[%scan3A_9, %dma_start3A_38] : memref<80x128xi32, #tpu.memory_space<vmem>> -> memref<1x128xi32, #tpu.memory_space<vmem>>
      %dma_start3A_40 = tpu.memref_squeeze %dma_start3A_39 : memref<1x128xi32, #tpu.memory_space<vmem>> -> memref<128xi32, #tpu.memory_space<vmem>>
      %dma_start3A_41 = arith.constant 0 : i32
      %dma_start3A_42 = arith.constant 0 : i32
      %dma_start3A_43 = tpu.memref_slice %arg14[%dma_start3A_41, %dma_start3A_42] : memref<10112x64xf32, #tpu.memory_space<vmem_shared>> -> memref<10112x64xf32, #tpu.memory_space<vmem_shared>>
      tpu.enqueue_indirect_dma source(%arg12 : memref<128x64xf32, #tpu.memory_space<vmem>>) target(%dma_start3A_43 : memref<10112x64xf32, #tpu.memory_space<vmem_shared>>) offsets(%dma_start3A_40 : memref<128xi32, #tpu.memory_space<vmem>>) semaphore(%arg18 : memref<!tpu.dma_semaphore, #tpu.memory_space<semaphore_mem>>) {add = true}
      %dma_wait3A_44 = arith.constant 0 : i32
      %dma_wait3A_45 = tpu.memref_slice %arg10[%scan3A_9, %dma_wait3A_44] : memref<80x128xi32, #tpu.memory_space<vmem>> -> memref<1x128xi32, #tpu.memory_space<vmem>>
      %dma_wait3A_46 = tpu.memref_squeeze %dma_wait3A_45 : memref<1x128xi32, #tpu.memory_space<vmem>> -> memref<128xi32, #tpu.memory_space<vmem>>
      %dma_wait3A_47 = arith.constant 0 : i32
      %dma_wait3A_48 = arith.constant 0 : i32
      %dma_wait3A_49 = tpu.memref_slice %arg13[%dma_wait3A_47, %dma_wait3A_48] : memref<10112x64xf32, #tpu.memory_space<vmem_shared>> -> memref<10112x64xf32, #tpu.memory_space<vmem_shared>>
      tpu.wait_indirect_dma semaphore(%arg17 : memref<!tpu.dma_semaphore, #tpu.memory_space<semaphore_mem>>) src(%arg11 : memref<128x64xf32, #tpu.memory_space<vmem>>) dst(%dma_wait3A_49 : memref<10112x64xf32, #tpu.memory_space<vmem_shared>>)
      %dma_wait3A_50 = arith.constant 0 : i32
      %dma_wait3A_51 = tpu.memref_slice %arg10[%scan3A_9, %dma_wait3A_50] : memref<80x128xi32, #tpu.memory_space<vmem>> -> memref<1x128xi32, #tpu.memory_space<vmem>>
      %dma_wait3A_52 = tpu.memref_squeeze %dma_wait3A_51 : memref<1x128xi32, #tpu.memory_space<vmem>> -> memref<128xi32, #tpu.memory_space<vmem>>
      %dma_wait3A_53 = arith.constant 0 : i32
      %dma_wait3A_54 = arith.constant 0 : i32
      %dma_wait3A_55 = tpu.memref_slice %arg14[%dma_wait3A_53, %dma_wait3A_54] : memref<10112x64xf32, #tpu.memory_space<vmem_shared>> -> memref<10112x64xf32, #tpu.memory_space<vmem_shared>>
      tpu.wait_indirect_dma semaphore(%arg18 : memref<!tpu.dma_semaphore, #tpu.memory_space<semaphore_mem>>) src(%arg12 : memref<128x64xf32, #tpu.memory_space<vmem>>) dst(%dma_wait3A_55 : memref<10112x64xf32, #tpu.memory_space<vmem_shared>>)
    }
    %scan3A_7 = arith.constant 80 : i32
    %barrier3A_8 = arith.constant 0 : index
    tpu.barrier barrier_id(%barrier3A_8)
    "tpu.region"() ({
      %run_scoped3A = tpu.sem_alloc : memref<!tpu.dma_semaphore, #tpu.memory_space<semaphore_mem>>
      %dma_start3A = arith.constant 0 : i32
      %dma_start3A_9 = tpu.memref_slice %arg7[%arg0, %mul3A_2, %dma_start3A] : memref<2x10112x64xf32, #tpu.memory_space<hbm>> -> memref<1x632x64xf32, #tpu.memory_space<hbm>>
      %dma_start3A_10 = tpu.memref_squeeze %dma_start3A_9 : memref<1x632x64xf32, #tpu.memory_space<hbm>> -> memref<632x64xf32, #tpu.memory_space<hbm>>
      %dma_start3A_11 = arith.constant 0 : i32
      %dma_start3A_12 = tpu.memref_slice %arg13[%mul3A_2, %dma_start3A_11] : memref<10112x64xf32, #tpu.memory_space<vmem_shared>> -> memref<632x64xf32, #tpu.memory_space<vmem_shared>>
      tpu.enqueue_dma source(%dma_start3A_12 : memref<632x64xf32, #tpu.memory_space<vmem_shared>>) target(%dma_start3A_10 : memref<632x64xf32, #tpu.memory_space<hbm>>) target_semaphore(%run_scoped3A : memref<!tpu.dma_semaphore, #tpu.memory_space<semaphore_mem>>)
      %dma_wait3A = arith.constant 0 : i32
      %dma_wait3A_13 = tpu.memref_slice %arg7[%arg0, %mul3A_2, %dma_wait3A] : memref<2x10112x64xf32, #tpu.memory_space<hbm>> -> memref<1x632x64xf32, #tpu.memory_space<hbm>>
      %dma_wait3A_14 = tpu.memref_squeeze %dma_wait3A_13 : memref<1x632x64xf32, #tpu.memory_space<hbm>> -> memref<632x64xf32, #tpu.memory_space<hbm>>
      %dma_wait3A_15 = arith.constant 0 : i32
      %dma_wait3A_16 = tpu.memref_slice %arg13[%mul3A_2, %dma_wait3A_15] : memref<10112x64xf32, #tpu.memory_space<vmem_shared>> -> memref<632x64xf32, #tpu.memory_space<vmem_shared>>
      tpu.wait_dma2 semaphore(%run_scoped3A : memref<!tpu.dma_semaphore, #tpu.memory_space<semaphore_mem>>) src(%dma_wait3A_16 : memref<632x64xf32, #tpu.memory_space<vmem_shared>>) dst(%dma_wait3A_14 : memref<632x64xf32, #tpu.memory_space<hbm>>)
      tpu.yield
    }) : () -> ()
    "tpu.region"() ({
      %run_scoped3A = tpu.sem_alloc : memref<!tpu.dma_semaphore, #tpu.memory_space<semaphore_mem>>
      %dma_start3A = arith.constant 0 : i32
      %dma_start3A_9 = tpu.memref_slice %arg8[%arg0, %mul3A_2, %dma_start3A] : memref<2x10112x64xf32, #tpu.memory_space<hbm>> -> memref<1x632x64xf32, #tpu.memory_space<hbm>>
      %dma_start3A_10 = tpu.memref_squeeze %dma_start3A_9 : memref<1x632x64xf32, #tpu.memory_space<hbm>> -> memref<632x64xf32, #tpu.memory_space<hbm>>
      %dma_start3A_11 = arith.constant 0 : i32
      %dma_start3A_12 = tpu.memref_slice %arg14[%mul3A_2, %dma_start3A_11] : memref<10112x64xf32, #tpu.memory_space<vmem_shared>> -> memref<632x64xf32, #tpu.memory_space<vmem_shared>>
      tpu.enqueue_dma source(%dma_start3A_12 : memref<632x64xf32, #tpu.memory_space<vmem_shared>>) target(%dma_start3A_10 : memref<632x64xf32, #tpu.memory_space<hbm>>) target_semaphore(%run_scoped3A : memref<!tpu.dma_semaphore, #tpu.memory_space<semaphore_mem>>)
      %dma_wait3A = arith.constant 0 : i32
      %dma_wait3A_13 = tpu.memref_slice %arg8[%arg0, %mul3A_2, %dma_wait3A] : memref<2x10112x64xf32, #tpu.memory_space<hbm>> -> memref<1x632x64xf32, #tpu.memory_space<hbm>>
      %dma_wait3A_14 = tpu.memref_squeeze %dma_wait3A_13 : memref<1x632x64xf32, #tpu.memory_space<hbm>> -> memref<632x64xf32, #tpu.memory_space<hbm>>
      %dma_wait3A_15 = arith.constant 0 : i32
      %dma_wait3A_16 = tpu.memref_slice %arg14[%mul3A_2, %dma_wait3A_15] : memref<10112x64xf32, #tpu.memory_space<vmem_shared>> -> memref<632x64xf32, #tpu.memory_space<vmem_shared>>
      tpu.wait_dma2 semaphore(%run_scoped3A : memref<!tpu.dma_semaphore, #tpu.memory_space<semaphore_mem>>) src(%dma_wait3A_16 : memref<632x64xf32, #tpu.memory_space<vmem_shared>>) dst(%dma_wait3A_14 : memref<632x64xf32, #tpu.memory_space<hbm>>)
      tpu.yield
    }) : () -> ()
    return
  }
}

module attributes {stable_mosaic.version = 14 : i64} {
  func.func @_init_body(%arg0: i32, %arg1: memref<2000x128xf32, #tpu.memory_space<vmem>>, %arg2: memref<2000x64xf32, #tpu.memory_space<vmem>>, %arg3: memref<2x2000x16xf32, #tpu.memory_space<vmem>>, %arg4: memref<128x64xf32, #tpu.memory_space<vmem>>, %arg5: memref<1x64xf32, #tpu.memory_space<vmem>>, %arg6: memref<64x64xf32, #tpu.memory_space<vmem>>, %arg7: memref<1x64xf32, #tpu.memory_space<vmem>>, %arg8: memref<2000x64xf32, #tpu.memory_space<vmem>>, %arg9: memref<2000x64xf32, #tpu.memory_space<vmem>>, %arg10: memref<2000x64xf32, #tpu.memory_space<vmem>>, %arg11: memref<2000x64xf32, #tpu.memory_space<vmem>>, %arg12: memref<2000x1xf32, #tpu.memory_space<vmem>>) attributes {dimension_semantics = [#tpu.dimension_semantics<arbitrary>], iteration_bounds = array<i64: 5>, scalar_prefetch = 0 : i64, scratch_operands = 0 : i64, tpu.core_type = #tpu.core_type<tc>, window_params = [{transform_indices = @transform_0, window_bounds = array<i64: 2000, 128>}, {transform_indices = @transform_1, window_bounds = array<i64: 2000, 64>}, {transform_indices = @transform_2, window_bounds = array<i64: 2, 2000, 16>}, {pipeline_mode = #tpu.pipeline_mode<synchronous>, transform_indices = @transform_3, window_bounds = array<i64: 128, 64>}, {pipeline_mode = #tpu.pipeline_mode<synchronous>, transform_indices = @transform_4, window_bounds = array<i64: 1, 64>}, {pipeline_mode = #tpu.pipeline_mode<synchronous>, transform_indices = @transform_5, window_bounds = array<i64: 64, 64>}, {pipeline_mode = #tpu.pipeline_mode<synchronous>, transform_indices = @transform_6, window_bounds = array<i64: 1, 64>}, {transform_indices = @transform_7, window_bounds = array<i64: 2000, 64>}, {transform_indices = @transform_8, window_bounds = array<i64: 2000, 64>}, {transform_indices = @transform_9, window_bounds = array<i64: 2000, 64>}, {transform_indices = @transform_10, window_bounds = array<i64: 2000, 64>}, {transform_indices = @transform_11, window_bounds = array<i64: 2000, 1>}]} {
    %get3A = arith.constant 0 : index
    %get3A_0 = arith.constant 0 : index
    %get3A_1 = arith.constant 0 : index
    %get3A_2 = vector.load %arg3[%get3A, %get3A_0, %get3A_1] : memref<2x2000x16xf32, #tpu.memory_space<vmem>>, vector<2x2000x1xf32>
    %get3A_3 = vector.shape_cast %get3A_2 : vector<2x2000x1xf32> to vector<2x2000xf32>
    %reduce_sum3A = arith.constant dense<0.000000e+00> : vector<2000xf32>
    %reduce_sum3A_4 = vector.multi_reduction <add>, %get3A_3, %reduce_sum3A [0] : vector<2x2000xf32> to vector<2000xf32>
    %gt3A = arith.constant 0.000000e+00 : f32
    %gt3A_5 = vector.broadcast %gt3A : f32 to vector<2000xf32>
    %gt3A_6 = arith.cmpf ogt, %reduce_sum3A_4, %gt3A_5 : vector<2000xf32>
    %rsqrt3A = math.rsqrt %reduce_sum3A_4 : vector<2000xf32>
    %jit3A = arith.constant 0.000000e+00 : f32
    %broadcast_in_dim3A = vector.broadcast %jit3A : f32 to vector<2000xf32>
    %select_n3A = arith.select %gt3A_6, %rsqrt3A, %broadcast_in_dim3A : vector<2000xi1>, vector<2000xf32>
    %broadcast_in_dim3A_7 = vector.shape_cast %select_n3A : vector<2000xf32> to vector<2000x1xf32>
    %get3A_8 = arith.constant 0 : index
    %get3A_9 = arith.constant 0 : index
    %get3A_10 = vector.load %arg1[%get3A_8, %get3A_9] : memref<2000x128xf32, #tpu.memory_space<vmem>>, vector<2000x128xf32>
    %get3A_11 = arith.constant 0 : index
    %get3A_12 = arith.constant 0 : index
    %get3A_13 = vector.load %arg4[%get3A_11, %get3A_12] : memref<128x64xf32, #tpu.memory_space<vmem>>, vector<128x64xf32>
    %dot_general3A = arith.constant dense<0.000000e+00> : vector<2000x64xf32>
    %dot_general3A_14 = tpu.matmul %get3A_10, %get3A_13, %dot_general3A {dimension_numbers = #tpu.dot_dimension_numbers<[1], [0], [0], [1], [0, 0, 1, 1], [], []>, transpose_lhs_hint = false} : vector<2000x128xf32>, vector<128x64xf32>, vector<2000x64xf32> -> vector<2000x64xf32>
    %get3A_15 = arith.constant 0 : index
    %get3A_16 = arith.constant 0 : index
    %get3A_17 = vector.load %arg5[%get3A_15, %get3A_16] : memref<1x64xf32, #tpu.memory_space<vmem>>, vector<1x64xf32>
    %add3A = vector.broadcast %get3A_17 : vector<1x64xf32> to vector<2000x64xf32>
    %add3A_18 = arith.addf %dot_general3A_14, %add3A : vector<2000x64xf32>
    %max3A = arith.constant 0.000000e+00 : f32
    %max3A_19 = vector.broadcast %max3A : f32 to vector<2000x64xf32>
    %max3A_20 = arith.maximumf %add3A_18, %max3A_19 : vector<2000x64xf32>
    %get3A_21 = arith.constant 0 : index
    %get3A_22 = arith.constant 0 : index
    %get3A_23 = vector.load %arg2[%get3A_21, %get3A_22] : memref<2000x64xf32, #tpu.memory_space<vmem>>, vector<2000x64xf32>
    %get3A_24 = arith.constant 0 : index
    %get3A_25 = arith.constant 0 : index
    %get3A_26 = vector.load %arg6[%get3A_24, %get3A_25] : memref<64x64xf32, #tpu.memory_space<vmem>>, vector<64x64xf32>
    %dot_general3A_27 = arith.constant dense<0.000000e+00> : vector<2000x64xf32>
    %dot_general3A_28 = tpu.matmul %get3A_23, %get3A_26, %dot_general3A_27 {dimension_numbers = #tpu.dot_dimension_numbers<[1], [0], [0], [1], [0, 0, 1, 1], [], []>, transpose_lhs_hint = false} : vector<2000x64xf32>, vector<64x64xf32>, vector<2000x64xf32> -> vector<2000x64xf32>
    %get3A_29 = arith.constant 0 : index
    %get3A_30 = arith.constant 0 : index
    %get3A_31 = vector.load %arg7[%get3A_29, %get3A_30] : memref<1x64xf32, #tpu.memory_space<vmem>>, vector<1x64xf32>
    %add3A_32 = vector.broadcast %get3A_31 : vector<1x64xf32> to vector<2000x64xf32>
    %add3A_33 = arith.addf %dot_general3A_28, %add3A_32 : vector<2000x64xf32>
    %max3A_34 = arith.constant 0.000000e+00 : f32
    %max3A_35 = vector.broadcast %max3A_34 : f32 to vector<2000x64xf32>
    %max3A_36 = arith.maximumf %add3A_33, %max3A_35 : vector<2000x64xf32>
    %swap3A = arith.constant 0 : index
    %swap3A_37 = arith.constant 0 : index
    %swap3A_38 = vector.load %arg8[%swap3A, %swap3A_37] : memref<2000x64xf32, #tpu.memory_space<vmem>>, vector<2000x64xf32>
    tpu.vector_store %arg8[%swap3A, %swap3A_37], %max3A_20 {strides = array<i32>} : memref<2000x64xf32, #tpu.memory_space<vmem>>, vector<2000x64xf32>,
    %swap3A_39 = arith.constant 0 : index
    %swap3A_40 = arith.constant 0 : index
    %swap3A_41 = vector.load %arg9[%swap3A_39, %swap3A_40] : memref<2000x64xf32, #tpu.memory_space<vmem>>, vector<2000x64xf32>
    tpu.vector_store %arg9[%swap3A_39, %swap3A_40], %max3A_36 {strides = array<i32>} : memref<2000x64xf32, #tpu.memory_space<vmem>>, vector<2000x64xf32>,
    %mul3A = vector.broadcast %broadcast_in_dim3A_7 : vector<2000x1xf32> to vector<2000x64xf32>
    %mul3A_42 = arith.mulf %mul3A, %max3A_20 : vector<2000x64xf32>
    %swap3A_43 = arith.constant 0 : index
    %swap3A_44 = arith.constant 0 : index
    %swap3A_45 = vector.load %arg10[%swap3A_43, %swap3A_44] : memref<2000x64xf32, #tpu.memory_space<vmem>>, vector<2000x64xf32>
    tpu.vector_store %arg10[%swap3A_43, %swap3A_44], %mul3A_42 {strides = array<i32>} : memref<2000x64xf32, #tpu.memory_space<vmem>>, vector<2000x64xf32>,
    %mul3A_46 = vector.broadcast %broadcast_in_dim3A_7 : vector<2000x1xf32> to vector<2000x64xf32>
    %mul3A_47 = arith.mulf %mul3A_46, %max3A_36 : vector<2000x64xf32>
    %swap3A_48 = arith.constant 0 : index
    %swap3A_49 = arith.constant 0 : index
    %swap3A_50 = vector.load %arg11[%swap3A_48, %swap3A_49] : memref<2000x64xf32, #tpu.memory_space<vmem>>, vector<2000x64xf32>
    tpu.vector_store %arg11[%swap3A_48, %swap3A_49], %mul3A_47 {strides = array<i32>} : memref<2000x64xf32, #tpu.memory_space<vmem>>, vector<2000x64xf32>,
    %swap3A_51 = arith.constant 0 : index
    %swap3A_52 = arith.constant 0 : index
    %swap3A_53 = vector.load %arg12[%swap3A_51, %swap3A_52] : memref<2000x1xf32, #tpu.memory_space<vmem>>, vector<2000x1xf32>
    tpu.vector_store %arg12[%swap3A_51, %swap3A_52], %broadcast_in_dim3A_7 {strides = array<i32>} : memref<2000x1xf32, #tpu.memory_space<vmem>>, vector<2000x1xf32>,
    return
  }
  func.func @transform_0(%arg0: i32) -> (i32, i32) {
    %c0_i32 = arith.constant 0 : i32
    %c0_i32_0 = arith.constant 0 : i32
    return %arg0, %c0_i32 : i32, i32
  }
  func.func @transform_1(%arg0: i32) -> (i32, i32) {
    %c0_i32 = arith.constant 0 : i32
    %c0_i32_0 = arith.constant 0 : i32
    return %arg0, %c0_i32 : i32, i32
  }
  func.func @transform_2(%arg0: i32) -> (i32, i32, i32) {
    %c0_i32 = arith.constant 0 : i32
    %c0_i32_0 = arith.constant 0 : i32
    %c0_i32_1 = arith.constant 0 : i32
    return %c0_i32, %arg0, %c0_i32_0 : i32, i32, i32
  }
  func.func @transform_3(%arg0: i32) -> (i32, i32) {
    %c0_i32 = arith.constant 0 : i32
    %c0_i32_0 = arith.constant 0 : i32
    %c0_i32_1 = arith.constant 0 : i32
    return %c0_i32, %c0_i32_0 : i32, i32
  }
  func.func @transform_4(%arg0: i32) -> (i32, i32) {
    %c0_i32 = arith.constant 0 : i32
    %c0_i32_0 = arith.constant 0 : i32
    %c0_i32_1 = arith.constant 0 : i32
    return %c0_i32, %c0_i32_0 : i32, i32
  }
  func.func @transform_5(%arg0: i32) -> (i32, i32) {
    %c0_i32 = arith.constant 0 : i32
    %c0_i32_0 = arith.constant 0 : i32
    %c0_i32_1 = arith.constant 0 : i32
    return %c0_i32, %c0_i32_0 : i32, i32
  }
  func.func @transform_6(%arg0: i32) -> (i32, i32) {
    %c0_i32 = arith.constant 0 : i32
    %c0_i32_0 = arith.constant 0 : i32
    %c0_i32_1 = arith.constant 0 : i32
    return %c0_i32, %c0_i32_0 : i32, i32
  }
  func.func @transform_7(%arg0: i32) -> (i32, i32) {
    %c0_i32 = arith.constant 0 : i32
    %c0_i32_0 = arith.constant 0 : i32
    return %arg0, %c0_i32 : i32, i32
  }
  func.func @transform_8(%arg0: i32) -> (i32, i32) {
    %c0_i32 = arith.constant 0 : i32
    %c0_i32_0 = arith.constant 0 : i32
    return %arg0, %c0_i32 : i32, i32
  }
  func.func @transform_9(%arg0: i32) -> (i32, i32) {
    %c0_i32 = arith.constant 0 : i32
    %c0_i32_0 = arith.constant 0 : i32
    return %arg0, %c0_i32 : i32, i32
  }
  func.func @transform_10(%arg0: i32) -> (i32, i32) {
    %c0_i32 = arith.constant 0 : i32
    %c0_i32_0 = arith.constant 0 : i32
    return %arg0, %c0_i32 : i32, i32
  }
  func.func @transform_11(%arg0: i32) -> (i32, i32) {
    %c0_i32 = arith.constant 0 : i32
    %c0_i32_0 = arith.constant 0 : i32
    return %arg0, %c0_i32 : i32, i32
  }
}

module attributes {stable_mosaic.version = 14 : i64} {
  func.func @_combine_body(%arg0: i32, %arg1: memref<2x2000x64xf32, #tpu.memory_space<vmem>>, %arg2: memref<2x2000x64xf32, #tpu.memory_space<vmem>>, %arg3: memref<2000x1xf32, #tpu.memory_space<vmem>>, %arg4: memref<2000x64xf32, #tpu.memory_space<vmem>>, %arg5: memref<2000x64xf32, #tpu.memory_space<vmem>>, %arg6: memref<1x64x64xf32, #tpu.memory_space<vmem>>, %arg7: memref<1x64x64xf32, #tpu.memory_space<vmem>>, %arg8: memref<1x64x64xf32, #tpu.memory_space<vmem>>, %arg9: memref<1x64x64xf32, #tpu.memory_space<vmem>>, %arg10: memref<2000x64xf32, #tpu.memory_space<vmem>>, %arg11: memref<2000x64xf32, #tpu.memory_space<vmem>>) attributes {dimension_semantics = [#tpu.dimension_semantics<arbitrary>], iteration_bounds = array<i64: 5>, scalar_prefetch = 0 : i64, scratch_operands = 0 : i64, tpu.core_type = #tpu.core_type<tc>, window_params = [{transform_indices = @transform_0, window_bounds = array<i64: 2, 2000, 64>}, {transform_indices = @transform_1, window_bounds = array<i64: 2, 2000, 64>}, {transform_indices = @transform_2, window_bounds = array<i64: 2000, 1>}, {transform_indices = @transform_3, window_bounds = array<i64: 2000, 64>}, {transform_indices = @transform_4, window_bounds = array<i64: 2000, 64>}, {transform_indices = @transform_5, window_bounds = array<i64: 1, 64, 64>}, {transform_indices = @transform_6, window_bounds = array<i64: 1, 64, 64>}, {transform_indices = @transform_7, window_bounds = array<i64: 1, 64, 64>}, {transform_indices = @transform_8, window_bounds = array<i64: 1, 64, 64>}, {transform_indices = @transform_9, window_bounds = array<i64: 2000, 64>}, {transform_indices = @transform_10, window_bounds = array<i64: 2000, 64>}]} {
    %get3A = arith.constant 0 : index
    %get3A_0 = arith.constant 0 : index
    %get3A_1 = vector.load %arg3[%get3A, %get3A_0] : memref<2000x1xf32, #tpu.memory_space<vmem>>, vector<2000x1xf32>
    %get3A_2 = arith.constant 0 : index
    %get3A_3 = arith.constant 0 : index
    %get3A_4 = arith.constant 0 : index
    %get3A_5 = vector.load %arg1[%get3A_2, %get3A_3, %get3A_4] : memref<2x2000x64xf32, #tpu.memory_space<vmem>>, vector<2x2000x64xf32>
    %reduce_sum3A = arith.constant dense<0.000000e+00> : vector<2000x64xf32>
    %reduce_sum3A_6 = vector.multi_reduction <add>, %get3A_5, %reduce_sum3A [0] : vector<2x2000x64xf32> to vector<2000x64xf32>
    %get3A_7 = arith.constant 0 : index
    %get3A_8 = arith.constant 0 : index
    %get3A_9 = arith.constant 0 : index
    %get3A_10 = vector.load %arg2[%get3A_7, %get3A_8, %get3A_9] : memref<2x2000x64xf32, #tpu.memory_space<vmem>>, vector<2x2000x64xf32>
    %reduce_sum3A_11 = arith.constant dense<0.000000e+00> : vector<2000x64xf32>
    %reduce_sum3A_12 = vector.multi_reduction <add>, %get3A_10, %reduce_sum3A_11 [0] : vector<2x2000x64xf32> to vector<2000x64xf32>
    %mul3A = arith.constant 6.000000e-01 : f32
    %mul3A_13 = vector.broadcast %mul3A : f32 to vector<2000x1xf32>
    %mul3A_14 = arith.mulf %mul3A_13, %get3A_1 : vector<2000x1xf32>
    %mul3A_15 = vector.broadcast %mul3A_14 : vector<2000x1xf32> to vector<2000x64xf32>
    %mul3A_16 = arith.mulf %mul3A_15, %reduce_sum3A_6 : vector<2000x64xf32>
    %get3A_17 = arith.constant 0 : index
    %get3A_18 = arith.constant 0 : index
    %get3A_19 = vector.load %arg4[%get3A_17, %get3A_18] : memref<2000x64xf32, #tpu.memory_space<vmem>>, vector<2000x64xf32>
    %mul3A_20 = arith.constant 4.000000e-01 : f32
    %mul3A_21 = vector.broadcast %mul3A_20 : f32 to vector<2000x64xf32>
    %mul3A_22 = arith.mulf %mul3A_21, %get3A_19 : vector<2000x64xf32>
    %mul3A_23 = arith.constant 0.358146101 : f32
    %mul3A_24 = vector.broadcast %mul3A_23 : f32 to vector<2000x64xf32>
    %mul3A_25 = arith.mulf %mul3A_24, %mul3A_16 : vector<2000x64xf32>
    %get3A_26 = arith.constant 0 : index
    %get3A_27 = arith.constant 0 : index
    %get3A_28 = arith.constant 0 : index
    %get3A_29 = vector.load %arg6[%get3A_26, %get3A_27, %get3A_28] : memref<1x64x64xf32, #tpu.memory_space<vmem>>, vector<1x64x64xf32>
    %get3A_30 = vector.shape_cast %get3A_29 : vector<1x64x64xf32> to vector<64x64xf32>
    %dot_general3A = arith.constant dense<0.000000e+00> : vector<2000x64xf32>
    %dot_general3A_31 = tpu.matmul %mul3A_16, %get3A_30, %dot_general3A {dimension_numbers = #tpu.dot_dimension_numbers<[1], [0], [0], [1], [0, 0, 1, 1], [], []>, transpose_lhs_hint = false} : vector<2000x64xf32>, vector<64x64xf32>, vector<2000x64xf32> -> vector<2000x64xf32>
    %mul3A_32 = arith.constant 0.641853868 : f32
    %mul3A_33 = vector.broadcast %mul3A_32 : f32 to vector<2000x64xf32>
    %mul3A_34 = arith.mulf %mul3A_33, %dot_general3A_31 : vector<2000x64xf32>
    %add3A = arith.addf %mul3A_25, %mul3A_34 : vector<2000x64xf32>
    %mul3A_35 = arith.constant 0.358146101 : f32
    %mul3A_36 = vector.broadcast %mul3A_35 : f32 to vector<2000x64xf32>
    %mul3A_37 = arith.mulf %mul3A_36, %mul3A_22 : vector<2000x64xf32>
    %add3A_38 = arith.addf %add3A, %mul3A_37 : vector<2000x64xf32>
    %get3A_39 = arith.constant 0 : index
    %get3A_40 = arith.constant 0 : index
    %get3A_41 = arith.constant 0 : index
    %get3A_42 = vector.load %arg7[%get3A_39, %get3A_40, %get3A_41] : memref<1x64x64xf32, #tpu.memory_space<vmem>>, vector<1x64x64xf32>
    %get3A_43 = vector.shape_cast %get3A_42 : vector<1x64x64xf32> to vector<64x64xf32>
    %dot_general3A_44 = arith.constant dense<0.000000e+00> : vector<2000x64xf32>
    %dot_general3A_45 = tpu.matmul %mul3A_22, %get3A_43, %dot_general3A_44 {dimension_numbers = #tpu.dot_dimension_numbers<[1], [0], [0], [1], [0, 0, 1, 1], [], []>, transpose_lhs_hint = false} : vector<2000x64xf32>, vector<64x64xf32>, vector<2000x64xf32> -> vector<2000x64xf32>
    %mul3A_46 = arith.constant 0.641853868 : f32
    %mul3A_47 = vector.broadcast %mul3A_46 : f32 to vector<2000x64xf32>
    %mul3A_48 = arith.mulf %mul3A_47, %dot_general3A_45 : vector<2000x64xf32>
    %add3A_49 = arith.addf %add3A_38, %mul3A_48 : vector<2000x64xf32>
    %max3A = arith.constant 0.000000e+00 : f32
    %max3A_50 = vector.broadcast %max3A : f32 to vector<2000x64xf32>
    %max3A_51 = arith.maximumf %add3A_49, %max3A_50 : vector<2000x64xf32>
    %mul3A_52 = arith.constant 6.000000e-01 : f32
    %mul3A_53 = vector.broadcast %mul3A_52 : f32 to vector<2000x1xf32>
    %mul3A_54 = arith.mulf %mul3A_53, %get3A_1 : vector<2000x1xf32>
    %mul3A_55 = vector.broadcast %mul3A_54 : vector<2000x1xf32> to vector<2000x64xf32>
    %mul3A_56 = arith.mulf %mul3A_55, %reduce_sum3A_12 : vector<2000x64xf32>
    %get3A_57 = arith.constant 0 : index
    %get3A_58 = arith.constant 0 : index
    %get3A_59 = vector.load %arg5[%get3A_57, %get3A_58] : memref<2000x64xf32, #tpu.memory_space<vmem>>, vector<2000x64xf32>
    %mul3A_60 = arith.constant 4.000000e-01 : f32
    %mul3A_61 = vector.broadcast %mul3A_60 : f32 to vector<2000x64xf32>
    %mul3A_62 = arith.mulf %mul3A_61, %get3A_59 : vector<2000x64xf32>
    %mul3A_63 = arith.constant 0.358146101 : f32
    %mul3A_64 = vector.broadcast %mul3A_63 : f32 to vector<2000x64xf32>
    %mul3A_65 = arith.mulf %mul3A_64, %mul3A_56 : vector<2000x64xf32>
    %get3A_66 = arith.constant 0 : index
    %get3A_67 = arith.constant 0 : index
    %get3A_68 = arith.constant 0 : index
    %get3A_69 = vector.load %arg8[%get3A_66, %get3A_67, %get3A_68] : memref<1x64x64xf32, #tpu.memory_space<vmem>>, vector<1x64x64xf32>
    %get3A_70 = vector.shape_cast %get3A_69 : vector<1x64x64xf32> to vector<64x64xf32>
    %dot_general3A_71 = arith.constant dense<0.000000e+00> : vector<2000x64xf32>
    %dot_general3A_72 = tpu.matmul %mul3A_56, %get3A_70, %dot_general3A_71 {dimension_numbers = #tpu.dot_dimension_numbers<[1], [0], [0], [1], [0, 0, 1, 1], [], []>, transpose_lhs_hint = false} : vector<2000x64xf32>, vector<64x64xf32>, vector<2000x64xf32> -> vector<2000x64xf32>
    %mul3A_73 = arith.constant 0.641853868 : f32
    %mul3A_74 = vector.broadcast %mul3A_73 : f32 to vector<2000x64xf32>
    %mul3A_75 = arith.mulf %mul3A_74, %dot_general3A_72 : vector<2000x64xf32>
    %add3A_76 = arith.addf %mul3A_65, %mul3A_75 : vector<2000x64xf32>
    %mul3A_77 = arith.constant 0.358146101 : f32
    %mul3A_78 = vector.broadcast %mul3A_77 : f32 to vector<2000x64xf32>
    %mul3A_79 = arith.mulf %mul3A_78, %mul3A_62 : vector<2000x64xf32>
    %add3A_80 = arith.addf %add3A_76, %mul3A_79 : vector<2000x64xf32>
    %get3A_81 = arith.constant 0 : index
    %get3A_82 = arith.constant 0 : index
    %get3A_83 = arith.constant 0 : index
    %get3A_84 = vector.load %arg9[%get3A_81, %get3A_82, %get3A_83] : memref<1x64x64xf32, #tpu.memory_space<vmem>>, vector<1x64x64xf32>
    %get3A_85 = vector.shape_cast %get3A_84 : vector<1x64x64xf32> to vector<64x64xf32>
    %dot_general3A_86 = arith.constant dense<0.000000e+00> : vector<2000x64xf32>
    %dot_general3A_87 = tpu.matmul %mul3A_62, %get3A_85, %dot_general3A_86 {dimension_numbers = #tpu.dot_dimension_numbers<[1], [0], [0], [1], [0, 0, 1, 1], [], []>, transpose_lhs_hint = false} : vector<2000x64xf32>, vector<64x64xf32>, vector<2000x64xf32> -> vector<2000x64xf32>
    %mul3A_88 = arith.constant 0.641853868 : f32
    %mul3A_89 = vector.broadcast %mul3A_88 : f32 to vector<2000x64xf32>
    %mul3A_90 = arith.mulf %mul3A_89, %dot_general3A_87 : vector<2000x64xf32>
    %add3A_91 = arith.addf %add3A_80, %mul3A_90 : vector<2000x64xf32>
    %max3A_92 = arith.constant 0.000000e+00 : f32
    %max3A_93 = vector.broadcast %max3A_92 : f32 to vector<2000x64xf32>
    %max3A_94 = arith.maximumf %add3A_91, %max3A_93 : vector<2000x64xf32>
    %mul3A_95 = vector.broadcast %get3A_1 : vector<2000x1xf32> to vector<2000x64xf32>
    %mul3A_96 = arith.mulf %mul3A_95, %max3A_51 : vector<2000x64xf32>
    %swap3A = arith.constant 0 : index
    %swap3A_97 = arith.constant 0 : index
    %swap3A_98 = vector.load %arg10[%swap3A, %swap3A_97] : memref<2000x64xf32, #tpu.memory_space<vmem>>, vector<2000x64xf32>
    tpu.vector_store %arg10[%swap3A, %swap3A_97], %mul3A_96 {strides = array<i32>} : memref<2000x64xf32, #tpu.memory_space<vmem>>, vector<2000x64xf32>,
    %mul3A_99 = vector.broadcast %get3A_1 : vector<2000x1xf32> to vector<2000x64xf32>
    %mul3A_100 = arith.mulf %mul3A_99, %max3A_94 : vector<2000x64xf32>
    %swap3A_101 = arith.constant 0 : index
    %swap3A_102 = arith.constant 0 : index
    %swap3A_103 = vector.load %arg11[%swap3A_101, %swap3A_102] : memref<2000x64xf32, #tpu.memory_space<vmem>>, vector<2000x64xf32>
    tpu.vector_store %arg11[%swap3A_101, %swap3A_102], %mul3A_100 {strides = array<i32>} : memref<2000x64xf32, #tpu.memory_space<vmem>>, vector<2000x64xf32>,
    return
  }
  func.func @transform_0(%arg0: i32) -> (i32, i32, i32) {
    %c0_i32 = arith.constant 0 : i32
    %c0_i32_0 = arith.constant 0 : i32
    %c0_i32_1 = arith.constant 0 : i32
    return %c0_i32, %arg0, %c0_i32_0 : i32, i32, i32
  }
  func.func @transform_1(%arg0: i32) -> (i32, i32, i32) {
    %c0_i32 = arith.constant 0 : i32
    %c0_i32_0 = arith.constant 0 : i32
    %c0_i32_1 = arith.constant 0 : i32
    return %c0_i32, %arg0, %c0_i32_0 : i32, i32, i32
  }
  func.func @transform_2(%arg0: i32) -> (i32, i32) {
    %c0_i32 = arith.constant 0 : i32
    %c0_i32_0 = arith.constant 0 : i32
    return %arg0, %c0_i32 : i32, i32
  }
  func.func @transform_3(%arg0: i32) -> (i32, i32) {
    %c0_i32 = arith.constant 0 : i32
    %c0_i32_0 = arith.constant 0 : i32
    return %arg0, %c0_i32 : i32, i32
  }
  func.func @transform_4(%arg0: i32) -> (i32, i32) {
    %c0_i32 = arith.constant 0 : i32
    %c0_i32_0 = arith.constant 0 : i32
    return %arg0, %c0_i32 : i32, i32
  }
  func.func @transform_5(%arg0: i32) -> (i32, i32, i32) {
    %c0_i32 = arith.constant 0 : i32
    %c0_i32_0 = arith.constant 0 : i32
    %c0_i32_1 = arith.constant 0 : i32
    %c0_i32_2 = arith.constant 0 : i32
    return %c0_i32, %c0_i32_0, %c0_i32_1 : i32, i32, i32
  }
  func.func @transform_6(%arg0: i32) -> (i32, i32, i32) {
    %c0_i32 = arith.constant 0 : i32
    %c0_i32_0 = arith.constant 0 : i32
    %c0_i32_1 = arith.constant 0 : i32
    %c0_i32_2 = arith.constant 0 : i32
    return %c0_i32, %c0_i32_0, %c0_i32_1 : i32, i32, i32
  }
  func.func @transform_7(%arg0: i32) -> (i32, i32, i32) {
    %c0_i32 = arith.constant 0 : i32
    %c0_i32_0 = arith.constant 0 : i32
    %c0_i32_1 = arith.constant 0 : i32
    %c0_i32_2 = arith.constant 0 : i32
    return %c0_i32, %c0_i32_0, %c0_i32_1 : i32, i32, i32
  }
  func.func @transform_8(%arg0: i32) -> (i32, i32, i32) {
    %c0_i32 = arith.constant 0 : i32
    %c0_i32_0 = arith.constant 0 : i32
    %c0_i32_1 = arith.constant 0 : i32
    %c0_i32_2 = arith.constant 0 : i32
    return %c0_i32, %c0_i32_0, %c0_i32_1 : i32, i32, i32
  }
  func.func @transform_9(%arg0: i32) -> (i32, i32) {
    %c0_i32 = arith.constant 0 : i32
    %c0_i32_0 = arith.constant 0 : i32
    return %arg0, %c0_i32 : i32, i32
  }
  func.func @transform_10(%arg0: i32) -> (i32, i32) {
    %c0_i32 = arith.constant 0 : i32
    %c0_i32_0 = arith.constant 0 : i32
    return %arg0, %c0_i32 : i32, i32
  }
}

module attributes {stable_mosaic.version = 14 : i64} {
  func.func @_combine_body(%arg0: i32, %arg1: memref<2x2000x64xf32, #tpu.memory_space<vmem>>, %arg2: memref<2x2000x64xf32, #tpu.memory_space<vmem>>, %arg3: memref<2000x1xf32, #tpu.memory_space<vmem>>, %arg4: memref<2000x64xf32, #tpu.memory_space<vmem>>, %arg5: memref<2000x64xf32, #tpu.memory_space<vmem>>, %arg6: memref<1x64x64xf32, #tpu.memory_space<vmem>>, %arg7: memref<1x64x64xf32, #tpu.memory_space<vmem>>, %arg8: memref<1x64x64xf32, #tpu.memory_space<vmem>>, %arg9: memref<1x64x64xf32, #tpu.memory_space<vmem>>, %arg10: memref<2000x64xf32, #tpu.memory_space<vmem>>, %arg11: memref<2000x64xf32, #tpu.memory_space<vmem>>) attributes {dimension_semantics = [#tpu.dimension_semantics<arbitrary>], iteration_bounds = array<i64: 5>, scalar_prefetch = 0 : i64, scratch_operands = 0 : i64, tpu.core_type = #tpu.core_type<tc>, window_params = [{transform_indices = @transform_0, window_bounds = array<i64: 2, 2000, 64>}, {transform_indices = @transform_1, window_bounds = array<i64: 2, 2000, 64>}, {transform_indices = @transform_2, window_bounds = array<i64: 2000, 1>}, {transform_indices = @transform_3, window_bounds = array<i64: 2000, 64>}, {transform_indices = @transform_4, window_bounds = array<i64: 2000, 64>}, {transform_indices = @transform_5, window_bounds = array<i64: 1, 64, 64>}, {transform_indices = @transform_6, window_bounds = array<i64: 1, 64, 64>}, {transform_indices = @transform_7, window_bounds = array<i64: 1, 64, 64>}, {transform_indices = @transform_8, window_bounds = array<i64: 1, 64, 64>}, {transform_indices = @transform_9, window_bounds = array<i64: 2000, 64>}, {transform_indices = @transform_10, window_bounds = array<i64: 2000, 64>}]} {
    %get3A = arith.constant 0 : index
    %get3A_0 = arith.constant 0 : index
    %get3A_1 = vector.load %arg3[%get3A, %get3A_0] : memref<2000x1xf32, #tpu.memory_space<vmem>>, vector<2000x1xf32>
    %get3A_2 = arith.constant 0 : index
    %get3A_3 = arith.constant 0 : index
    %get3A_4 = arith.constant 0 : index
    %get3A_5 = vector.load %arg1[%get3A_2, %get3A_3, %get3A_4] : memref<2x2000x64xf32, #tpu.memory_space<vmem>>, vector<2x2000x64xf32>
    %reduce_sum3A = arith.constant dense<0.000000e+00> : vector<2000x64xf32>
    %reduce_sum3A_6 = vector.multi_reduction <add>, %get3A_5, %reduce_sum3A [0] : vector<2x2000x64xf32> to vector<2000x64xf32>
    %get3A_7 = arith.constant 0 : index
    %get3A_8 = arith.constant 0 : index
    %get3A_9 = arith.constant 0 : index
    %get3A_10 = vector.load %arg2[%get3A_7, %get3A_8, %get3A_9] : memref<2x2000x64xf32, #tpu.memory_space<vmem>>, vector<2x2000x64xf32>
    %reduce_sum3A_11 = arith.constant dense<0.000000e+00> : vector<2000x64xf32>
    %reduce_sum3A_12 = vector.multi_reduction <add>, %get3A_10, %reduce_sum3A_11 [0] : vector<2x2000x64xf32> to vector<2000x64xf32>
    %mul3A = arith.constant 6.000000e-01 : f32
    %mul3A_13 = vector.broadcast %mul3A : f32 to vector<2000x1xf32>
    %mul3A_14 = arith.mulf %mul3A_13, %get3A_1 : vector<2000x1xf32>
    %mul3A_15 = vector.broadcast %mul3A_14 : vector<2000x1xf32> to vector<2000x64xf32>
    %mul3A_16 = arith.mulf %mul3A_15, %reduce_sum3A_6 : vector<2000x64xf32>
    %get3A_17 = arith.constant 0 : index
    %get3A_18 = arith.constant 0 : index
    %get3A_19 = vector.load %arg4[%get3A_17, %get3A_18] : memref<2000x64xf32, #tpu.memory_space<vmem>>, vector<2000x64xf32>
    %mul3A_20 = arith.constant 4.000000e-01 : f32
    %mul3A_21 = vector.broadcast %mul3A_20 : f32 to vector<2000x64xf32>
    %mul3A_22 = arith.mulf %mul3A_21, %get3A_19 : vector<2000x64xf32>
    %mul3A_23 = arith.constant 0.628436446 : f32
    %mul3A_24 = vector.broadcast %mul3A_23 : f32 to vector<2000x64xf32>
    %mul3A_25 = arith.mulf %mul3A_24, %mul3A_16 : vector<2000x64xf32>
    %get3A_26 = arith.constant 0 : index
    %get3A_27 = arith.constant 0 : index
    %get3A_28 = arith.constant 0 : index
    %get3A_29 = vector.load %arg6[%get3A_26, %get3A_27, %get3A_28] : memref<1x64x64xf32, #tpu.memory_space<vmem>>, vector<1x64x64xf32>
    %get3A_30 = vector.shape_cast %get3A_29 : vector<1x64x64xf32> to vector<64x64xf32>
    %dot_general3A = arith.constant dense<0.000000e+00> : vector<2000x64xf32>
    %dot_general3A_31 = tpu.matmul %mul3A_16, %get3A_30, %dot_general3A {dimension_numbers = #tpu.dot_dimension_numbers<[1], [0], [0], [1], [0, 0, 1, 1], [], []>, transpose_lhs_hint = false} : vector<2000x64xf32>, vector<64x64xf32>, vector<2000x64xf32> -> vector<2000x64xf32>
    %mul3A_32 = arith.constant 0.371563554 : f32
    %mul3A_33 = vector.broadcast %mul3A_32 : f32 to vector<2000x64xf32>
    %mul3A_34 = arith.mulf %mul3A_33, %dot_general3A_31 : vector<2000x64xf32>
    %add3A = arith.addf %mul3A_25, %mul3A_34 : vector<2000x64xf32>
    %mul3A_35 = arith.constant 0.628436446 : f32
    %mul3A_36 = vector.broadcast %mul3A_35 : f32 to vector<2000x64xf32>
    %mul3A_37 = arith.mulf %mul3A_36, %mul3A_22 : vector<2000x64xf32>
    %add3A_38 = arith.addf %add3A, %mul3A_37 : vector<2000x64xf32>
    %get3A_39 = arith.constant 0 : index
    %get3A_40 = arith.constant 0 : index
    %get3A_41 = arith.constant 0 : index
    %get3A_42 = vector.load %arg7[%get3A_39, %get3A_40, %get3A_41] : memref<1x64x64xf32, #tpu.memory_space<vmem>>, vector<1x64x64xf32>
    %get3A_43 = vector.shape_cast %get3A_42 : vector<1x64x64xf32> to vector<64x64xf32>
    %dot_general3A_44 = arith.constant dense<0.000000e+00> : vector<2000x64xf32>
    %dot_general3A_45 = tpu.matmul %mul3A_22, %get3A_43, %dot_general3A_44 {dimension_numbers = #tpu.dot_dimension_numbers<[1], [0], [0], [1], [0, 0, 1, 1], [], []>, transpose_lhs_hint = false} : vector<2000x64xf32>, vector<64x64xf32>, vector<2000x64xf32> -> vector<2000x64xf32>
    %mul3A_46 = arith.constant 0.371563554 : f32
    %mul3A_47 = vector.broadcast %mul3A_46 : f32 to vector<2000x64xf32>
    %mul3A_48 = arith.mulf %mul3A_47, %dot_general3A_45 : vector<2000x64xf32>
    %add3A_49 = arith.addf %add3A_38, %mul3A_48 : vector<2000x64xf32>
    %max3A = arith.constant 0.000000e+00 : f32
    %max3A_50 = vector.broadcast %max3A : f32 to vector<2000x64xf32>
    %max3A_51 = arith.maximumf %add3A_49, %max3A_50 : vector<2000x64xf32>
    %mul3A_52 = arith.constant 6.000000e-01 : f32
    %mul3A_53 = vector.broadcast %mul3A_52 : f32 to vector<2000x1xf32>
    %mul3A_54 = arith.mulf %mul3A_53, %get3A_1 : vector<2000x1xf32>
    %mul3A_55 = vector.broadcast %mul3A_54 : vector<2000x1xf32> to vector<2000x64xf32>
    %mul3A_56 = arith.mulf %mul3A_55, %reduce_sum3A_12 : vector<2000x64xf32>
    %get3A_57 = arith.constant 0 : index
    %get3A_58 = arith.constant 0 : index
    %get3A_59 = vector.load %arg5[%get3A_57, %get3A_58] : memref<2000x64xf32, #tpu.memory_space<vmem>>, vector<2000x64xf32>
    %mul3A_60 = arith.constant 4.000000e-01 : f32
    %mul3A_61 = vector.broadcast %mul3A_60 : f32 to vector<2000x64xf32>
    %mul3A_62 = arith.mulf %mul3A_61, %get3A_59 : vector<2000x64xf32>
    %mul3A_63 = arith.constant 0.628436446 : f32
    %mul3A_64 = vector.broadcast %mul3A_63 : f32 to vector<2000x64xf32>
    %mul3A_65 = arith.mulf %mul3A_64, %mul3A_56 : vector<2000x64xf32>
    %get3A_66 = arith.constant 0 : index
    %get3A_67 = arith.constant 0 : index
    %get3A_68 = arith.constant 0 : index
    %get3A_69 = vector.load %arg8[%get3A_66, %get3A_67, %get3A_68] : memref<1x64x64xf32, #tpu.memory_space<vmem>>, vector<1x64x64xf32>
    %get3A_70 = vector.shape_cast %get3A_69 : vector<1x64x64xf32> to vector<64x64xf32>
    %dot_general3A_71 = arith.constant dense<0.000000e+00> : vector<2000x64xf32>
    %dot_general3A_72 = tpu.matmul %mul3A_56, %get3A_70, %dot_general3A_71 {dimension_numbers = #tpu.dot_dimension_numbers<[1], [0], [0], [1], [0, 0, 1, 1], [], []>, transpose_lhs_hint = false} : vector<2000x64xf32>, vector<64x64xf32>, vector<2000x64xf32> -> vector<2000x64xf32>
    %mul3A_73 = arith.constant 0.371563554 : f32
    %mul3A_74 = vector.broadcast %mul3A_73 : f32 to vector<2000x64xf32>
    %mul3A_75 = arith.mulf %mul3A_74, %dot_general3A_72 : vector<2000x64xf32>
    %add3A_76 = arith.addf %mul3A_65, %mul3A_75 : vector<2000x64xf32>
    %mul3A_77 = arith.constant 0.628436446 : f32
    %mul3A_78 = vector.broadcast %mul3A_77 : f32 to vector<2000x64xf32>
    %mul3A_79 = arith.mulf %mul3A_78, %mul3A_62 : vector<2000x64xf32>
    %add3A_80 = arith.addf %add3A_76, %mul3A_79 : vector<2000x64xf32>
    %get3A_81 = arith.constant 0 : index
    %get3A_82 = arith.constant 0 : index
    %get3A_83 = arith.constant 0 : index
    %get3A_84 = vector.load %arg9[%get3A_81, %get3A_82, %get3A_83] : memref<1x64x64xf32, #tpu.memory_space<vmem>>, vector<1x64x64xf32>
    %get3A_85 = vector.shape_cast %get3A_84 : vector<1x64x64xf32> to vector<64x64xf32>
    %dot_general3A_86 = arith.constant dense<0.000000e+00> : vector<2000x64xf32>
    %dot_general3A_87 = tpu.matmul %mul3A_62, %get3A_85, %dot_general3A_86 {dimension_numbers = #tpu.dot_dimension_numbers<[1], [0], [0], [1], [0, 0, 1, 1], [], []>, transpose_lhs_hint = false} : vector<2000x64xf32>, vector<64x64xf32>, vector<2000x64xf32> -> vector<2000x64xf32>
    %mul3A_88 = arith.constant 0.371563554 : f32
    %mul3A_89 = vector.broadcast %mul3A_88 : f32 to vector<2000x64xf32>
    %mul3A_90 = arith.mulf %mul3A_89, %dot_general3A_87 : vector<2000x64xf32>
    %add3A_91 = arith.addf %add3A_80, %mul3A_90 : vector<2000x64xf32>
    %max3A_92 = arith.constant 0.000000e+00 : f32
    %max3A_93 = vector.broadcast %max3A_92 : f32 to vector<2000x64xf32>
    %max3A_94 = arith.maximumf %add3A_91, %max3A_93 : vector<2000x64xf32>
    %mul3A_95 = vector.broadcast %get3A_1 : vector<2000x1xf32> to vector<2000x64xf32>
    %mul3A_96 = arith.mulf %mul3A_95, %max3A_51 : vector<2000x64xf32>
    %swap3A = arith.constant 0 : index
    %swap3A_97 = arith.constant 0 : index
    %swap3A_98 = vector.load %arg10[%swap3A, %swap3A_97] : memref<2000x64xf32, #tpu.memory_space<vmem>>, vector<2000x64xf32>
    tpu.vector_store %arg10[%swap3A, %swap3A_97], %mul3A_96 {strides = array<i32>} : memref<2000x64xf32, #tpu.memory_space<vmem>>, vector<2000x64xf32>,
    %mul3A_99 = vector.broadcast %get3A_1 : vector<2000x1xf32> to vector<2000x64xf32>
    %mul3A_100 = arith.mulf %mul3A_99, %max3A_94 : vector<2000x64xf32>
    %swap3A_101 = arith.constant 0 : index
    %swap3A_102 = arith.constant 0 : index
    %swap3A_103 = vector.load %arg11[%swap3A_101, %swap3A_102] : memref<2000x64xf32, #tpu.memory_space<vmem>>, vector<2000x64xf32>
    tpu.vector_store %arg11[%swap3A_101, %swap3A_102], %mul3A_100 {strides = array<i32>} : memref<2000x64xf32, #tpu.memory_space<vmem>>, vector<2000x64xf32>,
    return
  }
  func.func @transform_0(%arg0: i32) -> (i32, i32, i32) {
    %c0_i32 = arith.constant 0 : i32
    %c0_i32_0 = arith.constant 0 : i32
    %c0_i32_1 = arith.constant 0 : i32
    return %c0_i32, %arg0, %c0_i32_0 : i32, i32, i32
  }
  func.func @transform_1(%arg0: i32) -> (i32, i32, i32) {
    %c0_i32 = arith.constant 0 : i32
    %c0_i32_0 = arith.constant 0 : i32
    %c0_i32_1 = arith.constant 0 : i32
    return %c0_i32, %arg0, %c0_i32_0 : i32, i32, i32
  }
  func.func @transform_2(%arg0: i32) -> (i32, i32) {
    %c0_i32 = arith.constant 0 : i32
    %c0_i32_0 = arith.constant 0 : i32
    return %arg0, %c0_i32 : i32, i32
  }
  func.func @transform_3(%arg0: i32) -> (i32, i32) {
    %c0_i32 = arith.constant 0 : i32
    %c0_i32_0 = arith.constant 0 : i32
    return %arg0, %c0_i32 : i32, i32
  }
  func.func @transform_4(%arg0: i32) -> (i32, i32) {
    %c0_i32 = arith.constant 0 : i32
    %c0_i32_0 = arith.constant 0 : i32
    return %arg0, %c0_i32 : i32, i32
  }
  func.func @transform_5(%arg0: i32) -> (i32, i32, i32) {
    %c1_i32 = arith.constant 1 : i32
    %c0_i32 = arith.constant 0 : i32
    %c0_i32_0 = arith.constant 0 : i32
    %c0_i32_1 = arith.constant 0 : i32
    return %c1_i32, %c0_i32, %c0_i32_0 : i32, i32, i32
  }
  func.func @transform_6(%arg0: i32) -> (i32, i32, i32) {
    %c1_i32 = arith.constant 1 : i32
    %c0_i32 = arith.constant 0 : i32
    %c0_i32_0 = arith.constant 0 : i32
    %c0_i32_1 = arith.constant 0 : i32
    return %c1_i32, %c0_i32, %c0_i32_0 : i32, i32, i32
  }
  func.func @transform_7(%arg0: i32) -> (i32, i32, i32) {
    %c1_i32 = arith.constant 1 : i32
    %c0_i32 = arith.constant 0 : i32
    %c0_i32_0 = arith.constant 0 : i32
    %c0_i32_1 = arith.constant 0 : i32
    return %c1_i32, %c0_i32, %c0_i32_0 : i32, i32, i32
  }
  func.func @transform_8(%arg0: i32) -> (i32, i32, i32) {
    %c1_i32 = arith.constant 1 : i32
    %c0_i32 = arith.constant 0 : i32
    %c0_i32_0 = arith.constant 0 : i32
    %c0_i32_1 = arith.constant 0 : i32
    return %c1_i32, %c0_i32, %c0_i32_0 : i32, i32, i32
  }
  func.func @transform_9(%arg0: i32) -> (i32, i32) {
    %c0_i32 = arith.constant 0 : i32
    %c0_i32_0 = arith.constant 0 : i32
    return %arg0, %c0_i32 : i32, i32
  }
  func.func @transform_10(%arg0: i32) -> (i32, i32) {
    %c0_i32 = arith.constant 0 : i32
    %c0_i32_0 = arith.constant 0 : i32
    return %arg0, %c0_i32 : i32, i32
  }
}

module attributes {stable_mosaic.version = 14 : i64} {
  func.func @_combine_body(%arg0: i32, %arg1: memref<2x2000x64xf32, #tpu.memory_space<vmem>>, %arg2: memref<2x2000x64xf32, #tpu.memory_space<vmem>>, %arg3: memref<2000x1xf32, #tpu.memory_space<vmem>>, %arg4: memref<2000x64xf32, #tpu.memory_space<vmem>>, %arg5: memref<2000x64xf32, #tpu.memory_space<vmem>>, %arg6: memref<1x64x64xf32, #tpu.memory_space<vmem>>, %arg7: memref<1x64x64xf32, #tpu.memory_space<vmem>>, %arg8: memref<1x64x64xf32, #tpu.memory_space<vmem>>, %arg9: memref<1x64x64xf32, #tpu.memory_space<vmem>>, %arg10: memref<2000x64xf32, #tpu.memory_space<vmem>>, %arg11: memref<2000x64xf32, #tpu.memory_space<vmem>>) attributes {dimension_semantics = [#tpu.dimension_semantics<arbitrary>], iteration_bounds = array<i64: 5>, scalar_prefetch = 0 : i64, scratch_operands = 0 : i64, tpu.core_type = #tpu.core_type<tc>, window_params = [{transform_indices = @transform_0, window_bounds = array<i64: 2, 2000, 64>}, {transform_indices = @transform_1, window_bounds = array<i64: 2, 2000, 64>}, {transform_indices = @transform_2, window_bounds = array<i64: 2000, 1>}, {transform_indices = @transform_3, window_bounds = array<i64: 2000, 64>}, {transform_indices = @transform_4, window_bounds = array<i64: 2000, 64>}, {transform_indices = @transform_5, window_bounds = array<i64: 1, 64, 64>}, {transform_indices = @transform_6, window_bounds = array<i64: 1, 64, 64>}, {transform_indices = @transform_7, window_bounds = array<i64: 1, 64, 64>}, {transform_indices = @transform_8, window_bounds = array<i64: 1, 64, 64>}, {transform_indices = @transform_9, window_bounds = array<i64: 2000, 64>}, {transform_indices = @transform_10, window_bounds = array<i64: 2000, 64>}]} {
    %get3A = arith.constant 0 : index
    %get3A_0 = arith.constant 0 : index
    %get3A_1 = vector.load %arg3[%get3A, %get3A_0] : memref<2000x1xf32, #tpu.memory_space<vmem>>, vector<2000x1xf32>
    %get3A_2 = arith.constant 0 : index
    %get3A_3 = arith.constant 0 : index
    %get3A_4 = arith.constant 0 : index
    %get3A_5 = vector.load %arg1[%get3A_2, %get3A_3, %get3A_4] : memref<2x2000x64xf32, #tpu.memory_space<vmem>>, vector<2x2000x64xf32>
    %reduce_sum3A = arith.constant dense<0.000000e+00> : vector<2000x64xf32>
    %reduce_sum3A_6 = vector.multi_reduction <add>, %get3A_5, %reduce_sum3A [0] : vector<2x2000x64xf32> to vector<2000x64xf32>
    %get3A_7 = arith.constant 0 : index
    %get3A_8 = arith.constant 0 : index
    %get3A_9 = arith.constant 0 : index
    %get3A_10 = vector.load %arg2[%get3A_7, %get3A_8, %get3A_9] : memref<2x2000x64xf32, #tpu.memory_space<vmem>>, vector<2x2000x64xf32>
    %reduce_sum3A_11 = arith.constant dense<0.000000e+00> : vector<2000x64xf32>
    %reduce_sum3A_12 = vector.multi_reduction <add>, %get3A_10, %reduce_sum3A_11 [0] : vector<2x2000x64xf32> to vector<2000x64xf32>
    %mul3A = arith.constant 6.000000e-01 : f32
    %mul3A_13 = vector.broadcast %mul3A : f32 to vector<2000x1xf32>
    %mul3A_14 = arith.mulf %mul3A_13, %get3A_1 : vector<2000x1xf32>
    %mul3A_15 = vector.broadcast %mul3A_14 : vector<2000x1xf32> to vector<2000x64xf32>
    %mul3A_16 = arith.mulf %mul3A_15, %reduce_sum3A_6 : vector<2000x64xf32>
    %get3A_17 = arith.constant 0 : index
    %get3A_18 = arith.constant 0 : index
    %get3A_19 = vector.load %arg4[%get3A_17, %get3A_18] : memref<2000x64xf32, #tpu.memory_space<vmem>>, vector<2000x64xf32>
    %mul3A_20 = arith.constant 4.000000e-01 : f32
    %mul3A_21 = vector.broadcast %mul3A_20 : f32 to vector<2000x64xf32>
    %mul3A_22 = arith.mulf %mul3A_21, %get3A_19 : vector<2000x64xf32>
    %mul3A_23 = arith.constant 0.737635732 : f32
    %mul3A_24 = vector.broadcast %mul3A_23 : f32 to vector<2000x64xf32>
    %mul3A_25 = arith.mulf %mul3A_24, %mul3A_16 : vector<2000x64xf32>
    %get3A_26 = arith.constant 0 : index
    %get3A_27 = arith.constant 0 : index
    %get3A_28 = arith.constant 0 : index
    %get3A_29 = vector.load %arg6[%get3A_26, %get3A_27, %get3A_28] : memref<1x64x64xf32, #tpu.memory_space<vmem>>, vector<1x64x64xf32>
    %get3A_30 = vector.shape_cast %get3A_29 : vector<1x64x64xf32> to vector<64x64xf32>
    %dot_general3A = arith.constant dense<0.000000e+00> : vector<2000x64xf32>
    %dot_general3A_31 = tpu.matmul %mul3A_16, %get3A_30, %dot_general3A {dimension_numbers = #tpu.dot_dimension_numbers<[1], [0], [0], [1], [0, 0, 1, 1], [], []>, transpose_lhs_hint = false} : vector<2000x64xf32>, vector<64x64xf32>, vector<2000x64xf32> -> vector<2000x64xf32>
    %mul3A_32 = arith.constant 0.262364268 : f32
    %mul3A_33 = vector.broadcast %mul3A_32 : f32 to vector<2000x64xf32>
    %mul3A_34 = arith.mulf %mul3A_33, %dot_general3A_31 : vector<2000x64xf32>
    %add3A = arith.addf %mul3A_25, %mul3A_34 : vector<2000x64xf32>
    %mul3A_35 = arith.constant 0.737635732 : f32
    %mul3A_36 = vector.broadcast %mul3A_35 : f32 to vector<2000x64xf32>
    %mul3A_37 = arith.mulf %mul3A_36, %mul3A_22 : vector<2000x64xf32>
    %add3A_38 = arith.addf %add3A, %mul3A_37 : vector<2000x64xf32>
    %get3A_39 = arith.constant 0 : index
    %get3A_40 = arith.constant 0 : index
    %get3A_41 = arith.constant 0 : index
    %get3A_42 = vector.load %arg7[%get3A_39, %get3A_40, %get3A_41] : memref<1x64x64xf32, #tpu.memory_space<vmem>>, vector<1x64x64xf32>
    %get3A_43 = vector.shape_cast %get3A_42 : vector<1x64x64xf32> to vector<64x64xf32>
    %dot_general3A_44 = arith.constant dense<0.000000e+00> : vector<2000x64xf32>
    %dot_general3A_45 = tpu.matmul %mul3A_22, %get3A_43, %dot_general3A_44 {dimension_numbers = #tpu.dot_dimension_numbers<[1], [0], [0], [1], [0, 0, 1, 1], [], []>, transpose_lhs_hint = false} : vector<2000x64xf32>, vector<64x64xf32>, vector<2000x64xf32> -> vector<2000x64xf32>
    %mul3A_46 = arith.constant 0.262364268 : f32
    %mul3A_47 = vector.broadcast %mul3A_46 : f32 to vector<2000x64xf32>
    %mul3A_48 = arith.mulf %mul3A_47, %dot_general3A_45 : vector<2000x64xf32>
    %add3A_49 = arith.addf %add3A_38, %mul3A_48 : vector<2000x64xf32>
    %max3A = arith.constant 0.000000e+00 : f32
    %max3A_50 = vector.broadcast %max3A : f32 to vector<2000x64xf32>
    %max3A_51 = arith.maximumf %add3A_49, %max3A_50 : vector<2000x64xf32>
    %mul3A_52 = arith.constant 6.000000e-01 : f32
    %mul3A_53 = vector.broadcast %mul3A_52 : f32 to vector<2000x1xf32>
    %mul3A_54 = arith.mulf %mul3A_53, %get3A_1 : vector<2000x1xf32>
    %mul3A_55 = vector.broadcast %mul3A_54 : vector<2000x1xf32> to vector<2000x64xf32>
    %mul3A_56 = arith.mulf %mul3A_55, %reduce_sum3A_12 : vector<2000x64xf32>
    %get3A_57 = arith.constant 0 : index
    %get3A_58 = arith.constant 0 : index
    %get3A_59 = vector.load %arg5[%get3A_57, %get3A_58] : memref<2000x64xf32, #tpu.memory_space<vmem>>, vector<2000x64xf32>
    %mul3A_60 = arith.constant 4.000000e-01 : f32
    %mul3A_61 = vector.broadcast %mul3A_60 : f32 to vector<2000x64xf32>
    %mul3A_62 = arith.mulf %mul3A_61, %get3A_59 : vector<2000x64xf32>
    %mul3A_63 = arith.constant 0.737635732 : f32
    %mul3A_64 = vector.broadcast %mul3A_63 : f32 to vector<2000x64xf32>
    %mul3A_65 = arith.mulf %mul3A_64, %mul3A_56 : vector<2000x64xf32>
    %get3A_66 = arith.constant 0 : index
    %get3A_67 = arith.constant 0 : index
    %get3A_68 = arith.constant 0 : index
    %get3A_69 = vector.load %arg8[%get3A_66, %get3A_67, %get3A_68] : memref<1x64x64xf32, #tpu.memory_space<vmem>>, vector<1x64x64xf32>
    %get3A_70 = vector.shape_cast %get3A_69 : vector<1x64x64xf32> to vector<64x64xf32>
    %dot_general3A_71 = arith.constant dense<0.000000e+00> : vector<2000x64xf32>
    %dot_general3A_72 = tpu.matmul %mul3A_56, %get3A_70, %dot_general3A_71 {dimension_numbers = #tpu.dot_dimension_numbers<[1], [0], [0], [1], [0, 0, 1, 1], [], []>, transpose_lhs_hint = false} : vector<2000x64xf32>, vector<64x64xf32>, vector<2000x64xf32> -> vector<2000x64xf32>
    %mul3A_73 = arith.constant 0.262364268 : f32
    %mul3A_74 = vector.broadcast %mul3A_73 : f32 to vector<2000x64xf32>
    %mul3A_75 = arith.mulf %mul3A_74, %dot_general3A_72 : vector<2000x64xf32>
    %add3A_76 = arith.addf %mul3A_65, %mul3A_75 : vector<2000x64xf32>
    %mul3A_77 = arith.constant 0.737635732 : f32
    %mul3A_78 = vector.broadcast %mul3A_77 : f32 to vector<2000x64xf32>
    %mul3A_79 = arith.mulf %mul3A_78, %mul3A_62 : vector<2000x64xf32>
    %add3A_80 = arith.addf %add3A_76, %mul3A_79 : vector<2000x64xf32>
    %get3A_81 = arith.constant 0 : index
    %get3A_82 = arith.constant 0 : index
    %get3A_83 = arith.constant 0 : index
    %get3A_84 = vector.load %arg9[%get3A_81, %get3A_82, %get3A_83] : memref<1x64x64xf32, #tpu.memory_space<vmem>>, vector<1x64x64xf32>
    %get3A_85 = vector.shape_cast %get3A_84 : vector<1x64x64xf32> to vector<64x64xf32>
    %dot_general3A_86 = arith.constant dense<0.000000e+00> : vector<2000x64xf32>
    %dot_general3A_87 = tpu.matmul %mul3A_62, %get3A_85, %dot_general3A_86 {dimension_numbers = #tpu.dot_dimension_numbers<[1], [0], [0], [1], [0, 0, 1, 1], [], []>, transpose_lhs_hint = false} : vector<2000x64xf32>, vector<64x64xf32>, vector<2000x64xf32> -> vector<2000x64xf32>
    %mul3A_88 = arith.constant 0.262364268 : f32
    %mul3A_89 = vector.broadcast %mul3A_88 : f32 to vector<2000x64xf32>
    %mul3A_90 = arith.mulf %mul3A_89, %dot_general3A_87 : vector<2000x64xf32>
    %add3A_91 = arith.addf %add3A_80, %mul3A_90 : vector<2000x64xf32>
    %max3A_92 = arith.constant 0.000000e+00 : f32
    %max3A_93 = vector.broadcast %max3A_92 : f32 to vector<2000x64xf32>
    %max3A_94 = arith.maximumf %add3A_91, %max3A_93 : vector<2000x64xf32>
    %mul3A_95 = vector.broadcast %get3A_1 : vector<2000x1xf32> to vector<2000x64xf32>
    %mul3A_96 = arith.mulf %mul3A_95, %max3A_51 : vector<2000x64xf32>
    %swap3A = arith.constant 0 : index
    %swap3A_97 = arith.constant 0 : index
    %swap3A_98 = vector.load %arg10[%swap3A, %swap3A_97] : memref<2000x64xf32, #tpu.memory_space<vmem>>, vector<2000x64xf32>
    tpu.vector_store %arg10[%swap3A, %swap3A_97], %mul3A_96 {strides = array<i32>} : memref<2000x64xf32, #tpu.memory_space<vmem>>, vector<2000x64xf32>,
    %mul3A_99 = vector.broadcast %get3A_1 : vector<2000x1xf32> to vector<2000x64xf32>
    %mul3A_100 = arith.mulf %mul3A_99, %max3A_94 : vector<2000x64xf32>
    %swap3A_101 = arith.constant 0 : index
    %swap3A_102 = arith.constant 0 : index
    %swap3A_103 = vector.load %arg11[%swap3A_101, %swap3A_102] : memref<2000x64xf32, #tpu.memory_space<vmem>>, vector<2000x64xf32>
    tpu.vector_store %arg11[%swap3A_101, %swap3A_102], %mul3A_100 {strides = array<i32>} : memref<2000x64xf32, #tpu.memory_space<vmem>>, vector<2000x64xf32>,
    return
  }
  func.func @transform_0(%arg0: i32) -> (i32, i32, i32) {
    %c0_i32 = arith.constant 0 : i32
    %c0_i32_0 = arith.constant 0 : i32
    %c0_i32_1 = arith.constant 0 : i32
    return %c0_i32, %arg0, %c0_i32_0 : i32, i32, i32
  }
  func.func @transform_1(%arg0: i32) -> (i32, i32, i32) {
    %c0_i32 = arith.constant 0 : i32
    %c0_i32_0 = arith.constant 0 : i32
    %c0_i32_1 = arith.constant 0 : i32
    return %c0_i32, %arg0, %c0_i32_0 : i32, i32, i32
  }
  func.func @transform_2(%arg0: i32) -> (i32, i32) {
    %c0_i32 = arith.constant 0 : i32
    %c0_i32_0 = arith.constant 0 : i32
    return %arg0, %c0_i32 : i32, i32
  }
  func.func @transform_3(%arg0: i32) -> (i32, i32) {
    %c0_i32 = arith.constant 0 : i32
    %c0_i32_0 = arith.constant 0 : i32
    return %arg0, %c0_i32 : i32, i32
  }
  func.func @transform_4(%arg0: i32) -> (i32, i32) {
    %c0_i32 = arith.constant 0 : i32
    %c0_i32_0 = arith.constant 0 : i32
    return %arg0, %c0_i32 : i32, i32
  }
  func.func @transform_5(%arg0: i32) -> (i32, i32, i32) {
    %c2_i32 = arith.constant 2 : i32
    %c0_i32 = arith.constant 0 : i32
    %c0_i32_0 = arith.constant 0 : i32
    %c0_i32_1 = arith.constant 0 : i32
    return %c2_i32, %c0_i32, %c0_i32_0 : i32, i32, i32
  }
  func.func @transform_6(%arg0: i32) -> (i32, i32, i32) {
    %c2_i32 = arith.constant 2 : i32
    %c0_i32 = arith.constant 0 : i32
    %c0_i32_0 = arith.constant 0 : i32
    %c0_i32_1 = arith.constant 0 : i32
    return %c2_i32, %c0_i32, %c0_i32_0 : i32, i32, i32
  }
  func.func @transform_7(%arg0: i32) -> (i32, i32, i32) {
    %c2_i32 = arith.constant 2 : i32
    %c0_i32 = arith.constant 0 : i32
    %c0_i32_0 = arith.constant 0 : i32
    %c0_i32_1 = arith.constant 0 : i32
    return %c2_i32, %c0_i32, %c0_i32_0 : i32, i32, i32
  }
  func.func @transform_8(%arg0: i32) -> (i32, i32, i32) {
    %c2_i32 = arith.constant 2 : i32
    %c0_i32 = arith.constant 0 : i32
    %c0_i32_0 = arith.constant 0 : i32
    %c0_i32_1 = arith.constant 0 : i32
    return %c2_i32, %c0_i32, %c0_i32_0 : i32, i32, i32
  }
  func.func @transform_9(%arg0: i32) -> (i32, i32) {
    %c0_i32 = arith.constant 0 : i32
    %c0_i32_0 = arith.constant 0 : i32
    return %arg0, %c0_i32 : i32, i32
  }
  func.func @transform_10(%arg0: i32) -> (i32, i32) {
    %c0_i32 = arith.constant 0 : i32
    %c0_i32_0 = arith.constant 0 : i32
    return %arg0, %c0_i32 : i32, i32
  }
}

module attributes {stable_mosaic.version = 14 : i64} {
  func.func @_final_body(%arg0: i32, %arg1: memref<2x2000x64xf32, #tpu.memory_space<vmem>>, %arg2: memref<2x2000x64xf32, #tpu.memory_space<vmem>>, %arg3: memref<2000x1xf32, #tpu.memory_space<vmem>>, %arg4: memref<2000x64xf32, #tpu.memory_space<vmem>>, %arg5: memref<2000x64xf32, #tpu.memory_space<vmem>>, %arg6: memref<1x64x64xf32, #tpu.memory_space<vmem>>, %arg7: memref<1x64x64xf32, #tpu.memory_space<vmem>>, %arg8: memref<1x64x64xf32, #tpu.memory_space<vmem>>, %arg9: memref<1x64x64xf32, #tpu.memory_space<vmem>>, %arg10: memref<64x1xf32, #tpu.memory_space<vmem>>, %arg11: memref<1x1xf32, #tpu.memory_space<vmem>>, %arg12: memref<64x1xf32, #tpu.memory_space<vmem>>, %arg13: memref<1x1xf32, #tpu.memory_space<vmem>>, %arg14: memref<2000x1xf32, #tpu.memory_space<vmem>>, %arg15: memref<2000x1xf32, #tpu.memory_space<vmem>>) attributes {dimension_semantics = [#tpu.dimension_semantics<arbitrary>], iteration_bounds = array<i64: 5>, scalar_prefetch = 0 : i64, scratch_operands = 0 : i64, tpu.core_type = #tpu.core_type<tc>, window_params = [{transform_indices = @transform_0, window_bounds = array<i64: 2, 2000, 64>}, {transform_indices = @transform_1, window_bounds = array<i64: 2, 2000, 64>}, {transform_indices = @transform_2, window_bounds = array<i64: 2000, 1>}, {transform_indices = @transform_3, window_bounds = array<i64: 2000, 64>}, {transform_indices = @transform_4, window_bounds = array<i64: 2000, 64>}, {transform_indices = @transform_5, window_bounds = array<i64: 1, 64, 64>}, {transform_indices = @transform_6, window_bounds = array<i64: 1, 64, 64>}, {transform_indices = @transform_7, window_bounds = array<i64: 1, 64, 64>}, {transform_indices = @transform_8, window_bounds = array<i64: 1, 64, 64>}, {pipeline_mode = #tpu.pipeline_mode<synchronous>, transform_indices = @transform_9, window_bounds = array<i64: 64, 1>}, {pipeline_mode = #tpu.pipeline_mode<synchronous>, transform_indices = @transform_10, window_bounds = array<i64: 1, 1>}, {pipeline_mode = #tpu.pipeline_mode<synchronous>, transform_indices = @transform_11, window_bounds = array<i64: 64, 1>}, {pipeline_mode = #tpu.pipeline_mode<synchronous>, transform_indices = @transform_12, window_bounds = array<i64: 1, 1>}, {transform_indices = @transform_13, window_bounds = array<i64: 2000, 1>}, {transform_indices = @transform_14, window_bounds = array<i64: 2000, 1>}]} {
    %get3A = arith.constant 0 : index
    %get3A_0 = arith.constant 0 : index
    %get3A_1 = vector.load %arg3[%get3A, %get3A_0] : memref<2000x1xf32, #tpu.memory_space<vmem>>, vector<2000x1xf32>
    %get3A_2 = arith.constant 0 : index
    %get3A_3 = arith.constant 0 : index
    %get3A_4 = arith.constant 0 : index
    %get3A_5 = vector.load %arg1[%get3A_2, %get3A_3, %get3A_4] : memref<2x2000x64xf32, #tpu.memory_space<vmem>>, vector<2x2000x64xf32>
    %reduce_sum3A = arith.constant dense<0.000000e+00> : vector<2000x64xf32>
    %reduce_sum3A_6 = vector.multi_reduction <add>, %get3A_5, %reduce_sum3A [0] : vector<2x2000x64xf32> to vector<2000x64xf32>
    %get3A_7 = arith.constant 0 : index
    %get3A_8 = arith.constant 0 : index
    %get3A_9 = arith.constant 0 : index
    %get3A_10 = vector.load %arg2[%get3A_7, %get3A_8, %get3A_9] : memref<2x2000x64xf32, #tpu.memory_space<vmem>>, vector<2x2000x64xf32>
    %reduce_sum3A_11 = arith.constant dense<0.000000e+00> : vector<2000x64xf32>
    %reduce_sum3A_12 = vector.multi_reduction <add>, %get3A_10, %reduce_sum3A_11 [0] : vector<2x2000x64xf32> to vector<2000x64xf32>
    %mul3A = arith.constant 6.000000e-01 : f32
    %mul3A_13 = vector.broadcast %mul3A : f32 to vector<2000x1xf32>
    %mul3A_14 = arith.mulf %mul3A_13, %get3A_1 : vector<2000x1xf32>
    %mul3A_15 = vector.broadcast %mul3A_14 : vector<2000x1xf32> to vector<2000x64xf32>
    %mul3A_16 = arith.mulf %mul3A_15, %reduce_sum3A_6 : vector<2000x64xf32>
    %get3A_17 = arith.constant 0 : index
    %get3A_18 = arith.constant 0 : index
    %get3A_19 = vector.load %arg4[%get3A_17, %get3A_18] : memref<2000x64xf32, #tpu.memory_space<vmem>>, vector<2000x64xf32>
    %mul3A_20 = arith.constant 4.000000e-01 : f32
    %mul3A_21 = vector.broadcast %mul3A_20 : f32 to vector<2000x64xf32>
    %mul3A_22 = arith.mulf %mul3A_21, %get3A_19 : vector<2000x64xf32>
    %mul3A_23 = arith.constant 0.797059178 : f32
    %mul3A_24 = vector.broadcast %mul3A_23 : f32 to vector<2000x64xf32>
    %mul3A_25 = arith.mulf %mul3A_24, %mul3A_16 : vector<2000x64xf32>
    %get3A_26 = arith.constant 0 : index
    %get3A_27 = arith.constant 0 : index
    %get3A_28 = arith.constant 0 : index
    %get3A_29 = vector.load %arg6[%get3A_26, %get3A_27, %get3A_28] : memref<1x64x64xf32, #tpu.memory_space<vmem>>, vector<1x64x64xf32>
    %get3A_30 = vector.shape_cast %get3A_29 : vector<1x64x64xf32> to vector<64x64xf32>
    %dot_general3A = arith.constant dense<0.000000e+00> : vector<2000x64xf32>
    %dot_general3A_31 = tpu.matmul %mul3A_16, %get3A_30, %dot_general3A {dimension_numbers = #tpu.dot_dimension_numbers<[1], [0], [0], [1], [0, 0, 1, 1], [], []>, transpose_lhs_hint = false} : vector<2000x64xf32>, vector<64x64xf32>, vector<2000x64xf32> -> vector<2000x64xf32>
    %mul3A_32 = arith.constant 0.202940837 : f32
    %mul3A_33 = vector.broadcast %mul3A_32 : f32 to vector<2000x64xf32>
    %mul3A_34 = arith.mulf %mul3A_33, %dot_general3A_31 : vector<2000x64xf32>
    %add3A = arith.addf %mul3A_25, %mul3A_34 : vector<2000x64xf32>
    %mul3A_35 = arith.constant 0.797059178 : f32
    %mul3A_36 = vector.broadcast %mul3A_35 : f32 to vector<2000x64xf32>
    %mul3A_37 = arith.mulf %mul3A_36, %mul3A_22 : vector<2000x64xf32>
    %add3A_38 = arith.addf %add3A, %mul3A_37 : vector<2000x64xf32>
    %get3A_39 = arith.constant 0 : index
    %get3A_40 = arith.constant 0 : index
    %get3A_41 = arith.constant 0 : index
    %get3A_42 = vector.load %arg7[%get3A_39, %get3A_40, %get3A_41] : memref<1x64x64xf32, #tpu.memory_space<vmem>>, vector<1x64x64xf32>
    %get3A_43 = vector.shape_cast %get3A_42 : vector<1x64x64xf32> to vector<64x64xf32>
    %dot_general3A_44 = arith.constant dense<0.000000e+00> : vector<2000x64xf32>
    %dot_general3A_45 = tpu.matmul %mul3A_22, %get3A_43, %dot_general3A_44 {dimension_numbers = #tpu.dot_dimension_numbers<[1], [0], [0], [1], [0, 0, 1, 1], [], []>, transpose_lhs_hint = false} : vector<2000x64xf32>, vector<64x64xf32>, vector<2000x64xf32> -> vector<2000x64xf32>
    %mul3A_46 = arith.constant 0.202940837 : f32
    %mul3A_47 = vector.broadcast %mul3A_46 : f32 to vector<2000x64xf32>
    %mul3A_48 = arith.mulf %mul3A_47, %dot_general3A_45 : vector<2000x64xf32>
    %add3A_49 = arith.addf %add3A_38, %mul3A_48 : vector<2000x64xf32>
    %max3A = arith.constant 0.000000e+00 : f32
    %max3A_50 = vector.broadcast %max3A : f32 to vector<2000x64xf32>
    %max3A_51 = arith.maximumf %add3A_49, %max3A_50 : vector<2000x64xf32>
    %mul3A_52 = arith.constant 6.000000e-01 : f32
    %mul3A_53 = vector.broadcast %mul3A_52 : f32 to vector<2000x1xf32>
    %mul3A_54 = arith.mulf %mul3A_53, %get3A_1 : vector<2000x1xf32>
    %mul3A_55 = vector.broadcast %mul3A_54 : vector<2000x1xf32> to vector<2000x64xf32>
    %mul3A_56 = arith.mulf %mul3A_55, %reduce_sum3A_12 : vector<2000x64xf32>
    %get3A_57 = arith.constant 0 : index
    %get3A_58 = arith.constant 0 : index
    %get3A_59 = vector.load %arg5[%get3A_57, %get3A_58] : memref<2000x64xf32, #tpu.memory_space<vmem>>, vector<2000x64xf32>
    %mul3A_60 = arith.constant 4.000000e-01 : f32
    %mul3A_61 = vector.broadcast %mul3A_60 : f32 to vector<2000x64xf32>
    %mul3A_62 = arith.mulf %mul3A_61, %get3A_59 : vector<2000x64xf32>
    %mul3A_63 = arith.constant 0.797059178 : f32
    %mul3A_64 = vector.broadcast %mul3A_63 : f32 to vector<2000x64xf32>
    %mul3A_65 = arith.mulf %mul3A_64, %mul3A_56 : vector<2000x64xf32>
    %get3A_66 = arith.constant 0 : index
    %get3A_67 = arith.constant 0 : index
    %get3A_68 = arith.constant 0 : index
    %get3A_69 = vector.load %arg8[%get3A_66, %get3A_67, %get3A_68] : memref<1x64x64xf32, #tpu.memory_space<vmem>>, vector<1x64x64xf32>
    %get3A_70 = vector.shape_cast %get3A_69 : vector<1x64x64xf32> to vector<64x64xf32>
    %dot_general3A_71 = arith.constant dense<0.000000e+00> : vector<2000x64xf32>
    %dot_general3A_72 = tpu.matmul %mul3A_56, %get3A_70, %dot_general3A_71 {dimension_numbers = #tpu.dot_dimension_numbers<[1], [0], [0], [1], [0, 0, 1, 1], [], []>, transpose_lhs_hint = false} : vector<2000x64xf32>, vector<64x64xf32>, vector<2000x64xf32> -> vector<2000x64xf32>
    %mul3A_73 = arith.constant 0.202940837 : f32
    %mul3A_74 = vector.broadcast %mul3A_73 : f32 to vector<2000x64xf32>
    %mul3A_75 = arith.mulf %mul3A_74, %dot_general3A_72 : vector<2000x64xf32>
    %add3A_76 = arith.addf %mul3A_65, %mul3A_75 : vector<2000x64xf32>
    %mul3A_77 = arith.constant 0.797059178 : f32
    %mul3A_78 = vector.broadcast %mul3A_77 : f32 to vector<2000x64xf32>
    %mul3A_79 = arith.mulf %mul3A_78, %mul3A_62 : vector<2000x64xf32>
    %add3A_80 = arith.addf %add3A_76, %mul3A_79 : vector<2000x64xf32>
    %get3A_81 = arith.constant 0 : index
    %get3A_82 = arith.constant 0 : index
    %get3A_83 = arith.constant 0 : index
    %get3A_84 = vector.load %arg9[%get3A_81, %get3A_82, %get3A_83] : memref<1x64x64xf32, #tpu.memory_space<vmem>>, vector<1x64x64xf32>
    %get3A_85 = vector.shape_cast %get3A_84 : vector<1x64x64xf32> to vector<64x64xf32>
    %dot_general3A_86 = arith.constant dense<0.000000e+00> : vector<2000x64xf32>
    %dot_general3A_87 = tpu.matmul %mul3A_62, %get3A_85, %dot_general3A_86 {dimension_numbers = #tpu.dot_dimension_numbers<[1], [0], [0], [1], [0, 0, 1, 1], [], []>, transpose_lhs_hint = false} : vector<2000x64xf32>, vector<64x64xf32>, vector<2000x64xf32> -> vector<2000x64xf32>
    %mul3A_88 = arith.constant 0.202940837 : f32
    %mul3A_89 = vector.broadcast %mul3A_88 : f32 to vector<2000x64xf32>
    %mul3A_90 = arith.mulf %mul3A_89, %dot_general3A_87 : vector<2000x64xf32>
    %add3A_91 = arith.addf %add3A_80, %mul3A_90 : vector<2000x64xf32>
    %max3A_92 = arith.constant 0.000000e+00 : f32
    %max3A_93 = vector.broadcast %max3A_92 : f32 to vector<2000x64xf32>
    %max3A_94 = arith.maximumf %add3A_91, %max3A_93 : vector<2000x64xf32>
    %get3A_95 = arith.constant 0 : index
    %get3A_96 = arith.constant 0 : index
    %get3A_97 = vector.load %arg10[%get3A_95, %get3A_96] : memref<64x1xf32, #tpu.memory_space<vmem>>, vector<64x1xf32>
    %dot_general3A_98 = arith.constant dense<0.000000e+00> : vector<2000x1xf32>
    %dot_general3A_99 = tpu.matmul %max3A_51, %get3A_97, %dot_general3A_98 {dimension_numbers = #tpu.dot_dimension_numbers<[1], [0], [0], [1], [0, 0, 1, 1], [], []>, transpose_lhs_hint = false} : vector<2000x64xf32>, vector<64x1xf32>, vector<2000x1xf32> -> vector<2000x1xf32>
    %get3A_100 = arith.constant 0 : index
    %get3A_101 = arith.constant 0 : index
    %get3A_102 = vector.load %arg11[%get3A_100, %get3A_101] : memref<1x1xf32, #tpu.memory_space<vmem>>, vector<1x1xf32>
    %add3A_103 = vector.broadcast %get3A_102 : vector<1x1xf32> to vector<2000x1xf32>
    %add3A_104 = arith.addf %dot_general3A_99, %add3A_103 : vector<2000x1xf32>
    %swap3A = arith.constant 0 : index
    %swap3A_105 = arith.constant 0 : index
    %swap3A_106 = vector.load %arg14[%swap3A, %swap3A_105] : memref<2000x1xf32, #tpu.memory_space<vmem>>, vector<2000x1xf32>
    tpu.vector_store %arg14[%swap3A, %swap3A_105], %add3A_104 {strides = array<i32>} : memref<2000x1xf32, #tpu.memory_space<vmem>>, vector<2000x1xf32>,
    %get3A_107 = arith.constant 0 : index
    %get3A_108 = arith.constant 0 : index
    %get3A_109 = vector.load %arg12[%get3A_107, %get3A_108] : memref<64x1xf32, #tpu.memory_space<vmem>>, vector<64x1xf32>
    %dot_general3A_110 = arith.constant dense<0.000000e+00> : vector<2000x1xf32>
    %dot_general3A_111 = tpu.matmul %max3A_94, %get3A_109, %dot_general3A_110 {dimension_numbers = #tpu.dot_dimension_numbers<[1], [0], [0], [1], [0, 0, 1, 1], [], []>, transpose_lhs_hint = false} : vector<2000x64xf32>, vector<64x1xf32>, vector<2000x1xf32> -> vector<2000x1xf32>
    %get3A_112 = arith.constant 0 : index
    %get3A_113 = arith.constant 0 : index
    %get3A_114 = vector.load %arg13[%get3A_112, %get3A_113] : memref<1x1xf32, #tpu.memory_space<vmem>>, vector<1x1xf32>
    %add3A_115 = vector.broadcast %get3A_114 : vector<1x1xf32> to vector<2000x1xf32>
    %add3A_116 = arith.addf %dot_general3A_111, %add3A_115 : vector<2000x1xf32>
    %swap3A_117 = arith.constant 0 : index
    %swap3A_118 = arith.constant 0 : index
    %swap3A_119 = vector.load %arg15[%swap3A_117, %swap3A_118] : memref<2000x1xf32, #tpu.memory_space<vmem>>, vector<2000x1xf32>
    tpu.vector_store %arg15[%swap3A_117, %swap3A_118], %add3A_116 {strides = array<i32>} : memref<2000x1xf32, #tpu.memory_space<vmem>>, vector<2000x1xf32>,
    return
  }
  func.func @transform_0(%arg0: i32) -> (i32, i32, i32) {
    %c0_i32 = arith.constant 0 : i32
    %c0_i32_0 = arith.constant 0 : i32
    %c0_i32_1 = arith.constant 0 : i32
    return %c0_i32, %arg0, %c0_i32_0 : i32, i32, i32
  }
  func.func @transform_1(%arg0: i32) -> (i32, i32, i32) {
    %c0_i32 = arith.constant 0 : i32
    %c0_i32_0 = arith.constant 0 : i32
    %c0_i32_1 = arith.constant 0 : i32
    return %c0_i32, %arg0, %c0_i32_0 : i32, i32, i32
  }
  func.func @transform_2(%arg0: i32) -> (i32, i32) {
    %c0_i32 = arith.constant 0 : i32
    %c0_i32_0 = arith.constant 0 : i32
    return %arg0, %c0_i32 : i32, i32
  }
  func.func @transform_3(%arg0: i32) -> (i32, i32) {
    %c0_i32 = arith.constant 0 : i32
    %c0_i32_0 = arith.constant 0 : i32
    return %arg0, %c0_i32 : i32, i32
  }
  func.func @transform_4(%arg0: i32) -> (i32, i32) {
    %c0_i32 = arith.constant 0 : i32
    %c0_i32_0 = arith.constant 0 : i32
    return %arg0, %c0_i32 : i32, i32
  }
  func.func @transform_5(%arg0: i32) -> (i32, i32, i32) {
    %c3_i32 = arith.constant 3 : i32
    %c0_i32 = arith.constant 0 : i32
    %c0_i32_0 = arith.constant 0 : i32
    %c0_i32_1 = arith.constant 0 : i32
    return %c3_i32, %c0_i32, %c0_i32_0 : i32, i32, i32
  }
  func.func @transform_6(%arg0: i32) -> (i32, i32, i32) {
    %c3_i32 = arith.constant 3 : i32
    %c0_i32 = arith.constant 0 : i32
    %c0_i32_0 = arith.constant 0 : i32
    %c0_i32_1 = arith.constant 0 : i32
    return %c3_i32, %c0_i32, %c0_i32_0 : i32, i32, i32
  }
  func.func @transform_7(%arg0: i32) -> (i32, i32, i32) {
    %c3_i32 = arith.constant 3 : i32
    %c0_i32 = arith.constant 0 : i32
    %c0_i32_0 = arith.constant 0 : i32
    %c0_i32_1 = arith.constant 0 : i32
    return %c3_i32, %c0_i32, %c0_i32_0 : i32, i32, i32
  }
  func.func @transform_8(%arg0: i32) -> (i32, i32, i32) {
    %c3_i32 = arith.constant 3 : i32
    %c0_i32 = arith.constant 0 : i32
    %c0_i32_0 = arith.constant 0 : i32
    %c0_i32_1 = arith.constant 0 : i32
    return %c3_i32, %c0_i32, %c0_i32_0 : i32, i32, i32
  }
  func.func @transform_9(%arg0: i32) -> (i32, i32) {
    %c0_i32 = arith.constant 0 : i32
    %c0_i32_0 = arith.constant 0 : i32
    %c0_i32_1 = arith.constant 0 : i32
    return %c0_i32, %c0_i32_0 : i32, i32
  }
  func.func @transform_10(%arg0: i32) -> (i32, i32) {
    %c0_i32 = arith.constant 0 : i32
    %c0_i32_0 = arith.constant 0 : i32
    %c0_i32_1 = arith.constant 0 : i32
    return %c0_i32, %c0_i32_0 : i32, i32
  }
  func.func @transform_11(%arg0: i32) -> (i32, i32) {
    %c0_i32 = arith.constant 0 : i32
    %c0_i32_0 = arith.constant 0 : i32
    %c0_i32_1 = arith.constant 0 : i32
    return %c0_i32, %c0_i32_0 : i32, i32
  }
  func.func @transform_12(%arg0: i32) -> (i32, i32) {
    %c0_i32 = arith.constant 0 : i32
    %c0_i32_0 = arith.constant 0 : i32
    %c0_i32_1 = arith.constant 0 : i32
    return %c0_i32, %c0_i32_0 : i32, i32
  }
  func.func @transform_13(%arg0: i32) -> (i32, i32) {
    %c0_i32 = arith.constant 0 : i32
    %c0_i32_0 = arith.constant 0 : i32
    return %arg0, %c0_i32 : i32, i32
  }
  func.func @transform_14(%arg0: i32) -> (i32, i32) {
    %c0_i32 = arith.constant 0 : i32
    %c0_i32_0 = arith.constant 0 : i32
    return %arg0, %c0_i32 : i32, i32
  }
}

</mosaic_0001>

<sc_bundles>
// kernel: kernel.12.cloned.1.call-start
scs
__scs_entry_jumppad:
0x0: {  	(pc) =	sbr.rel $0x88, $3  }
0x1: {  	(tag) =	ssettag $0x0;
	lr =	simm.s32 $0x1  }
0x2: {  	[smem:$0x3F92] =	sst lr;
	_ =	strace $0xD0000000  }
0x3: {  	_ = 	snop  }
0x4: {  	_ = 	snop  }
0x5: {  	_ = 	snop  }
0x6: {  	_ = 	snop  }
0x7: {  	_ = 	snop  }
__scs_overlays_trampoline_lowered:
0x8: {  	[smem:$0x3FA1] =	sst s0  }
0x9: {  	[smem:$0x3FA2] =	sst s1  }
0xa: {  	[smem:$0x3FA3] =	sst s2  }
0xb: {  	[smem:$0x3FA4] =	sst s3  }
0xc: {  	[smem:$0x3FA5] =	sst s4  }
0xd: {  	[smem:$0x3FA6] =	sst s5  }
0xe: {  	[smem:$0x3FA7] =	sst s6  }
0xf: {  	[smem:$0x3FA8] =	sst s7  }
0x10: {  	[smem:$0x3FA9] =	sst s8  }
0x11: {  	[smem:$0x3FAA] =	sst s9;
	s0 =	simm.s32 @!p0 $0x0  }
0x12: {  	s1 =	sld [smem:$0x3F90];
	s0 =	simm.s32 @p0 $0x1  }
0x13: {  	[smem:$0x3FAB] =	sst s0;
	s0 =	simm.s32 @!p1 $0x0  }
0x14: {  	s2 =	sld [smem:$0x3F8F];
	s0 =	simm.s32 @p1 $0x1  }
0x15: {  	[smem:$0x3FAC] =	sst s0;
	s0 =	simm.s32 @!p2 $0x0  }
0x16: {  	s3 =	sld [smem:$0x3FDB];
	s0 =	simm.s32 @p2 $0x1  }
0x17: {  	s4 =	simm.s32 $0x1BF5;
	[smem:$0x3FAE] =	sst s0  }
0x18: {  	s0 =	sld [smem:$0x3F91];
	_ =	swait.ge [sflag:s4], $0x0  }
0x19: {  	s7 =	sld [smem:$0x3F92]  }
0x1a: {  	s8 =	sadd.s32 $0xFFFFE003, lr  }
0x1b: {  	s9 =	sadd.s32 $0xFFFFFEF7, lr;
	s5 =	simm.s32 $0xFFFFFFFF;
	p2 =	slt.u32 s8, $0xFFFFF086  }
0x1c: {  	p1 =	slt.u32 s9, $0xF7A;
	s5 =	simm.s32 @!p2 $0x0  }
0x1d: {  	s5 =	simm.s32 @p1 $0x1;
	p0 =	seq.s32 s7, s2  }
0x1e: {  	s7 =	smul.u32 @!p0 $0xF7A, s2;
	p2 =	seq.s32 @!p0 s5, $0x0  }
0x1f: {  	s9 =	smul.u32 $0xF7A, s1;
	s8 =	simm.s32 @!p0 $0x1BF5;
	p2 =	por !p2, p0  }
0x20: {  	[sflag:s8] =	ssyncset.s32 @!p0 $0xFFFFF086;
	s6 =	sadd.s32 @!p0 s3, s7;
	s7 =	simm.s32 @!p0 $0x108  }
0x21: {  	s3 =	sadd.s32 s3, s9;
	s6 =	sadd.s32 @!p0 $0x88, s6;
	s7 =	simm.s32 @p2 $0x1082  }
0x22: {  	[simem:s7], [sflag:s8] =	dma.local @!p0 [hbm:s6], $0xF7A  }
0x23: {  	s9 =	sor.u32 $0xD0000000, s2;
	s6 =	simm.s32 $0x108;
	_ =	swait.ge @!p0 [sflag:s8], $0x0  }
0x24: {  	s3 =	sadd.s32 $0x88, s3;
	s6 =	simm.s32 @!p1 $0x1082;
	[sflag:s4] =	ssyncset.s32 $0xFFFFF086  }
0x25: {  	[simem:s6], [sflag:s4] =	dma.local [hbm:s3], $0xF7A  }
0x26: {  	[smem:$0x3F92] =	sst s1;
	(tag) =	ssettag s2;
	_ =	strace s9  }
0x27: {  	s1 =	sld [smem:$0x3FA2]  }
0x28: {  	s2 =	sld [smem:$0x3FA3]  }
0x29: {  	s4 =	sld [smem:$0x3FA5]  }
0x2a: {  	p0 =	seq.s32 s5, $0x0;
	s5 =	sld [smem:$0x3FA6]  }
0x2b: {  	s6 =	sld [smem:$0x3FA7]  }
0x2c: {  	s7 =	sld [smem:$0x3FA8]  }
0x2d: {  	s3 =	simm.s32 $0x108;
	s8 =	sld [smem:$0x3FA9]  }
0x2e: {  	s3 =	simm.s32 @!p0 $0x1082;
	s9 =	sld [smem:$0x3FAA]  }
0x2f: {  	lr =	sadd.s32 s0, s3;
	s0 =	sld [smem:$0x3FA1]  }
0x30: {  	s3 =	sld [smem:$0x3FA4]  }
0x31: {  	[smem:$0x3FAD] =	sst s10  }
0x32: {  	s10 =	sld [smem:$0x3FAB];
	_ =	sdelay $0x3  }
0x33: {  	p0 =	seq.s32 s10, $0x1;
	s10 =	sld [smem:$0x3FAD];
	_ =	sdelay $0x3  }
0x34: {  	[smem:$0x3FAD] =	sst s10  }
0x35: {  	s10 =	sld [smem:$0x3FAC];
	_ =	sdelay $0x3  }
0x36: {  	p1 =	seq.s32 s10, $0x1;
	s10 =	sld [smem:$0x3FAD];
	_ =	sdelay $0x3  }
0x37: {  	[smem:$0x3FAD] =	sst s10  }
0x38: {  	s10 =	sld [smem:$0x3FAE]  }
0x39: {  	_ = 	snop;
	(pc) =	sbr.ind lr, $3  }
0x3a: {  	_ = 	snop  }
0x3b: {  	_ = 	snop  }
0x3c: {  	p2 =	seq.s32 s10, $0x1;
	s10 =	sld [smem:$0x3FAD]  }
0x3d: {  	_ =	shalt  }
0x3e: {  	_ =	shalt  }
0x3f: {  	_ =	shalt  }
0x40: {  	_ =	shalt  }
0x41: {  	_ =	shalt  }
0x42: {  	_ =	shalt  }
0x43: {  	_ =	shalt  }
0x44: {  	_ =	shalt  }
0x45: {  	_ =	shalt  }
0x46: {  	_ =	shalt  }
0x47: {  	_ =	shalt  }
0x48: {  	_ =	shalt  }
0x49: {  	_ =	shalt  }
0x4a: {  	_ =	shalt  }
0x4b: {  	_ =	shalt  }
0x4c: {  	_ =	shalt  }
0x4d: {  	_ =	shalt  }
0x4e: {  	_ =	shalt  }
0x4f: {  	_ =	shalt  }
0x50: {  	_ =	shalt  }
0x51: {  	_ =	shalt  }
0x52: {  	_ =	shalt  }
0x53: {  	_ =	shalt  }
0x54: {  	_ =	shalt  }
0x55: {  	_ =	shalt  }
0x56: {  	_ =	shalt  }
0x57: {  	_ =	shalt  }
0x58: {  	_ =	shalt  }
0x59: {  	_ =	shalt  }
0x5a: {  	_ =	shalt  }
0x5b: {  	_ =	shalt  }
0x5c: {  	_ =	shalt  }
0x5d: {  	_ =	shalt  }
0x5e: {  	_ =	shalt  }
0x5f: {  	_ =	shalt  }
0x60: {  	_ =	shalt  }
0x61: {  	_ =	shalt  }
0x62: {  	_ =	shalt  }
0x63: {  	_ =	shalt  }
0x64: {  	_ =	shalt  }
0x65: {  	_ =	shalt  }
0x66: {  	_ =	shalt  }
0x67: {  	_ =	shalt  }
0x68: {  	_ =	shalt  }
0x69: {  	_ =	shalt  }
0x6a: {  	_ =	shalt  }
0x6b: {  	_ =	shalt  }
0x6c: {  	_ =	shalt  }
0x6d: {  	_ =	shalt  }
0x6e: {  	_ =	shalt  }
0x6f: {  	_ =	shalt  }
0x70: {  	_ =	shalt  }
0x71: {  	_ =	shalt  }
0x72: {  	_ =	shalt  }
0x73: {  	_ =	shalt  }
0x74: {  	_ =	shalt  }
0x75: {  	_ =	shalt  }
0x76: {  	_ =	shalt  }
0x77: {  	_ =	shalt  }
0x78: {  	_ =	shalt  }
0x79: {  	_ =	shalt  }
0x7a: {  	_ =	shalt  }
0x7b: {  	_ =	shalt  }
0x7c: {  	_ =	shalt  }
0x7d: {  	_ =	shalt  }
0x7e: {  	_ =	shalt  }
0x7f: {  	_ =	shalt  }
0x80: {  	_ =	shalt  }
0x81: {  	_ =	shalt  }
0x82: {  	_ =	shalt  }
0x83: {  	_ =	shalt  }
0x84: {  	_ =	shalt  }
0x85: {  	_ =	shalt  }
0x86: {  	_ =	shalt  }
0x87: {  	_ =	shalt  }
.Lfunc_end0:
.L_simem_size_0:
called_computation_lowered:
.L_overlay_start_0:
0x88: {  	s2 =	sld [smem:$0x3FD9]  }
0x89: {  	s3 =	sld [smem:$0x3FFE];
	_ =	sdelay $0x1  }
0x8a: {  	s1 =	srdreg.scid  }
0x8b: {  	s0 =	sand.u32 $0x1, s1  }
0x8c: {  	s14 =	sshll.u32 s0, $0xA;
	s2 =	sadd.s32 s3, s2  }
0x8d: {  	s2 =	sadd.s32 s2, s14  }
0x8e: {  	[smem:$0x3FB9] =	sst s2  }
0x8f: {  	_ = 	snop  }
0x90: {  	s2 =	sld [smem:$0x3FD0];
	_ =	sdelay $0x2  }
0x91: {  	s15 =	simm.s32 $0xA;
	s4 =	simm.s32 $0x10  }
0x92: {  	[smem:s4], [sflag:s15] =	dma.local [hbm:s2], $0x1  }
0x93: {  	_ =	swait.eq [sflag:s15], $0x1  }
0x94: {  	[sflag:s15] =	ssyncset.done $0x0  }
0x95: {  	[sflag:s15] =	ssyncadd.s32 $0xFFFFFFFF  }
0x96: {  	s16 =	sld [smem:$0x11];
	(tm) =	ssettm $0x1  }
0x97: {  	s17 =	sld [smem:$0x3FFB];
	_ =	sdelay $0x3  }
0x98: {  	_ =	strace s17  }
0x99: {  	s3 =	sld [smem:$0x3FFC];
	_ =	sdelay $0x3  }
0x9a: {  	_ =	strace s3  }
0x9b: {  	s3 =	sld [smem:$0x3FFD];
	_ =	sdelay $0x3  }
0x9c: {  	_ =	strace s3  }
0x9d: {  	_ =	strace $0x8FFFFFFF  }
0x9e: {  	s18 =	sld [smem:$0x3FDB];
	_ =	sdelay $0x1  }
0x9f: {  	s19 =	simm.s32 $_scs_section_size  }
0xa0: {  	s5 =	simm.s32 $_size__tile_overlayer_lowered;
	s6 =	simm.s32 $_tile_overlayer_lowered  }
0xa1: {  	s22 =	simm.s32 $0x1BFF;
	s21 =	sshll.u32 s6, $0x1;
	s3 =	sadd.s32 s19, s18  }
0xa2: {  	s7 =	simm.s32 $0x0;
	s20 =	sshll.u32 s5, $0x1;
	s5 =	sadd.s32 s21, s3  }
0xa3: {  	[timem:s7], [sflag:s22] =	dma.local [hbm:s5], s20  }
0xa4: {  	_ =	swait.ge [sflag:s22], s20  }
0xa5: {  	s4 =	ssub.s32 $0x0, s20;
	[sflag:s22] =	ssyncset.done $0x0  }
0xa6: {  	[sflag:s22] =	ssyncadd.s32 s4;
	_ =	sdelay $0x1  }
0xa7: {  	s23 =	simm.s32 $0x1B8B  }
0xa8: {  	_ =	swait.ge [sflag:s23], $0x1  }
0xa9: {  	[sflag:s23] =	ssyncset.done $0x0  }
0xaa: {  	s25 =	simm.s32 $0x1B8E;
	s24 =	sld [smem:$0x3FFE];
	[sflag:s23] =	ssyncadd.s32 $0xFFFFFFFF  }
0xab: {  	s26 =	simm.s32 $execute0_lowered;
	[smem:$0x3FD2] =	sst s25  }
0xac: {  	s5 =	sshll.u32 s26, $0x1;
	_ =	strace $0x80000046;
	[dreg:$0x1] =	wrdreg $0xFFFFFFFF  }
0xad: {  	s28 =	simm.s32 $_size_execute0_lowered;
	s3 =	sadd.s32 s3, s5;
	[dreg:$0x0] =	wrdreg $0x0  }
0xae: {  	s5 =	sshll.u32 s28, $0x1;
	[dreg:$0x2] =	wrdreg s3  }
0xaf: {  	[dreg:$0x3] =	wrdreg s5  }
0xb0: {  	[dreg:$0x4] =	wrdreg $0xC0  }
0xb1: {  	_ =	task [dreg:s7], $0x5FFFF  }
0xb2: {  	[dreg:$0x1] =	wrdreg $0xFFFFFFFF  }
0xb3: {  	[dreg:$0x0] =	wrdreg $0x60  }
0xb4: {  	[dreg:$0x2] =	wrdreg s24  }
0xb5: {  	[dreg:$0x3] =	wrdreg s16  }
0xb6: {  	[dreg:$0x4] =	wrdreg $0x30000  }
0xb7: {  	[dreg:$0x5] =	wrdreg $0x9  }
0xb8: {  	_ =	task.clear_ibuf [dreg:s7], $0x6FFFF;
	_ =	strace $0x90000046  }
0xb9: {  	s29 =	simm.s32 $0x9;
	_ =	strace $0x80000048  }
0xba: {  	_ =	swait.ge [sflag:s29], $0x1  }
0xbb: {  	[sflag:s29] =	ssyncadd.s32 $0xFFFFFFFF  }
0xbc: {  	_ =	strace $0x90000048  }
0xbd: {  	_ =	sfence  }
0xbe: {  	s30 =	sld [smem:$0x0];
	_ =	sdelay $0x2  }
0xbf: {  	s31 =	sshll.u32 s1, $0xD;
	s1 =	sshrl.u32 s1, $0x2  }
0xc0: {  	s3 =	sand.u32 $0x4000, s31;
	s1 =	sadd.s32 s1, s30  }
0xc1: {  	s0 =	sor.u32 s3, s0;
	s1 =	sshll.u32 s1, $0x11  }
0xc2: {  	s0 =	sor.u32 s1, s0  }
0xc3: {  	s0 =	sadd.s32 $0x8F2B, s0  }
0xc4: {  	[sflag:s0] =	ssyncadd.remote.s32 $0x1  }
0xc5: {  	_ =	sfence.sel $0xFFFF  }
0xc6: {  	[dreg:$0x0] =	wrdreg $0xFFFFFFFF;
	(pc) =	sbr.abs _section_cstart, $3  }
0xc7: {  	[dreg:$0x1] =	wrdreg $0xFFFFFFFF  }
0xc8: {  	_ =	task.clear_ibuf [dreg:s7], $0x2FFFF;
	_ =	strace $0x9FFFFFFF  }
0xc9: {  	(tm) =	ssettm $0x7FFFFFFF  }
tec
execute0_lowered:
.L_overlay_start_1:
0x0: {  	(tag) =	ssettag $0x1  }
0x1: {  	s6 =	rddreg [dreg:$0x0]  }
0x2: {  	s2 =	rddreg [dreg:$0x1]  }
0x3: {  	s0 =	srdreg.scid;
	s3 =	rddreg [dreg:$0x2]  }
0x4: {  	s4 =	simm.s32 $0x0;
	s13 =	simm.s32 $0x80;
	s14 =	simm.s32 $0x1  }
0x5: {  	s15 =	simm.s32 $0x0;
	s5 =	sand.u32 $0x1, s0;
	s0 =	stileid.u32  }
0x6: {  	[smem:$0x7FF] =	sst s4;
	s1 =	sshll.u32 s5, $0x4;
	s8 =	smul.u32 $0x2780, s0  }
0x7: {  	s9 =	smul.u32 $0x27800, s5;
	s5 =	ssub.s32 $0x2, s5;
	s1 =	sor.u32 s0, s1  }
0x8: {  	s31 =	sshll.u32 s0, $0x6;
	s11 =	sshrl.u32 s5, $0x1;
	s7 =	smul.u32 $0x500, s1  }
0x9: {  	s1 =	rddreg [dreg:$0x3];
	_ =	strace $0x80000047;
	s10 =	sshrl.u32 s8, $0x3  }
0xa: {  	s9 =	sadd.s32 s8, s9;
	s11 =	ssub.s32 s5, s11;
	s12 =	sadd.s32 s8, s3  }
0xb: {  	s10 =	sadd.s32 s10, s6;
	s9 =	sshrl.u32 s9, $0x3;
	s8 =	smax.u32 s11, $0x1  }
0xc: {  	s11 =	sor.u32 $0x1C02, s31;
	s12 =	sshrl.u32 s12, $0x3;
	s7 =	sadd.s32 s7, s6  }
0xd: {  	s9 =	sadd.s32 s9, s6;
	s6 =	sadd.s32 $0xEE00, s10;
	s10 =	simm.s32 $0x2800  }
0xe: {  	s5 =	sadd.s32 $0x4E00, s7;
	s7 =	sadd.s32 $0x13E00, s9;
	s9 =	simm.s32 $0x2  }
.LBB2_1:
0xf: {  	[tilespmem:s4], [sflag:$0x2] =	stream.linear.gather [hbm4b:s5+s4], $0x2800, $0x38;
	[tilespmem:$0x5780] =	vst v63  }
0x10: {  	_ =	swait.ge [sflag:s9], $0x2800  }
0x11: {  	[sflag:s9] =	ssyncset.done $0x0  }
0x12: {  	[sflag:s9] =	ssyncadd.s32 $0xFFFFD800  }
0x13: {  	[tilespmem:s10], [sflag:$0x2] =	stream.linear.gather [hbm4b:s2+s4], $0x800, $0x38;
	[tilespmem:$0x5780] =	vst v63  }
0x14: {  	_ =	swait.ge [sflag:s9], $0x800  }
0x15: {  	[sflag:s9] =	ssyncset.done $0x0  }
0x16: {  	[sflag:s9] =	ssyncadd.s32 $0xFFFFF800  }
0x17: {  	[spmem:s12], [sflag:s11] =	dma.local [hbm:s6], $0x4F0  }
0x18: {  	_ =	swait.ge [sflag:s9], $0x4F0  }
0x19: {  	[sflag:s9] =	ssyncset.done $0x0  }
0x1a: {  	[sflag:s9] =	ssyncadd.s32 $0xFFFFFB10  }
0x1b: {  	s16 =	simm.s32 $0x0;
	[bflag:$0x0] =	sbarrier.arrive $0xFFFF  }
0x1c: {  	[spmem:s3] =	stream.indirect.scatter.add.f32 [tilespmem:s10], [sflag:$0x1], $0x10, s16, s13, $0xb8;
	[tilespmem:$0x5780] =	vst v63  }
0x1d: {  	_ =	swait.ge [sflag:s14], $0x800  }
0x1e: {  	s16 =	simm.s32 $0x200;
	[sflag:s14] =	ssyncset.done $0x0  }
.LBB2_2:
0x1f: {  	s17 =	sshra.s32 s16, $0x2;
	[sflag:s14] =	ssyncadd.s32 $0xFFFFF800;
	p0 =	sne.s32 s16, $0x9E00  }
0x20: {  	[spmem:s3] =	stream.indirect.scatter.add.f32 [tilespmem:s10], [sflag:$0x1], $0x10, s17, s13, $0xb8;
	[tilespmem:$0x5780] =	vst v63  }
.Ltmp0:
0x21: {  	_ = 	snop;
	(pc) =	sbr.rel @p0 .LBB2_2-.Ltmp0, $4  }
0x22: {  	_ = 	snop  }
0x23: {  	s16 =	sadd.s32 $0x200, s16  }
0x24: {  	_ =	swait.ge [sflag:s14], $0x800  }
0x25: {  	[sflag:s14] =	ssyncset.done $0x0  }
0x26: {  	s15 =	sadd.s32 $0x1, s15  }
0x27: {  	[sflag:s14] =	ssyncadd.s32 $0xFFFFF800;
	p0 =	sne.s32 s15, s8  }
.Ltmp1:
0x28: {  	[bflag:$0x0] =	sbarrier.arrive $0xFFFF;
	(pc) =	sbr.rel @p0 .LBB2_1-.Ltmp1, $4  }
0x29: {  	[hbm:s7], [sflag:s11] =	dma.local [spmem:s12], $0x4F0  }
0x2a: {  	_ =	swait.ge [sflag:s9], $0x4F0  }
0x2b: {  	[sflag:s9] =	ssyncset.done $0x0  }
0x2c: {  	[sflag:s9] =	ssyncadd.s32 $0xFFFFFB10  }
0x2d: {  	_ =	sfence.sel $0x180000  }
0x2e: {  	[bflag:$0x0] =	sbarrier.arrive $0xFFFF  }
0x2f: {  	p0 =	sne.s32 s0, $0x0;
	_ =	strace $0x90000047  }
0x30: {  	s0 =	sadd.s32 @!p0 $0x100000, s1;
	[bflag:$0x2] =	sbarrier.arrive $0xFFFF  }
0x31: {  	[sflag:s0] =	ssyncadd.tile.s32 @!p0 $0x1;
	_ =	shalt  }
.Lfunc_end2:
_tile_overlayer_lowered:
.L_overlay_start_2:
0x32: {  	(tag) =	ssettag $0x2  }
0x33: {  	s0 =	rddreg [dreg:$0x0];
	s2 =	stileid.u32  }
0x34: {  	s1 =	rddreg [dreg:$0x1];
	p0 =	sne.s32 s2, $0x0  }
0x35: {  	s3 =	rddreg [dreg:$0x2];
	[bflag:$0x3] =	sbarrier.arrive $0xFFFF;
	s2 =	simm.s32 @!p0 $0x1C02  }
0x36: {  	[timem:s3], [sflag:s2] =	dma.local @!p0 [hbm:s0], s1  }
0x37: {  	s0 =	simm.s32 @!p0 $0x2  }
0x38: {  	_ =	swait.ge @!p0 [sflag:s0], s1  }
0x39: {  	s1 =	ssub.s32 @!p0 $0x0, s1;
	[sflag:s0] =	ssyncset.done @!p0 $0x0  }
0x3a: {  	[sflag:s0] =	ssyncadd.s32 @!p0 s1  }
0x3b: {  	[bflag:$0x3] =	sbarrier.arrive $0xFFFF  }
0x3c: {  	_ =	shalt  }

// kernel: kernel.15.cloned.1.call-start
scs
__scs_entry_jumppad:
0x0: {  	(pc) =	sbr.rel $0x88, $3  }
0x1: {  	(tag) =	ssettag $0x0;
	lr =	simm.s32 $0x1  }
0x2: {  	[smem:$0x3F92] =	sst lr;
	_ =	strace $0xD0000000  }
0x3: {  	_ = 	snop  }
0x4: {  	_ = 	snop  }
0x5: {  	_ = 	snop  }
0x6: {  	_ = 	snop  }
0x7: {  	_ = 	snop  }
__scs_overlays_trampoline_lowered:
0x8: {  	[smem:$0x3FA1] =	sst s0  }
0x9: {  	[smem:$0x3FA2] =	sst s1  }
0xa: {  	[smem:$0x3FA3] =	sst s2  }
0xb: {  	[smem:$0x3FA4] =	sst s3  }
0xc: {  	[smem:$0x3FA5] =	sst s4  }
0xd: {  	[smem:$0x3FA6] =	sst s5  }
0xe: {  	[smem:$0x3FA7] =	sst s6  }
0xf: {  	[smem:$0x3FA8] =	sst s7  }
0x10: {  	[smem:$0x3FA9] =	sst s8  }
0x11: {  	[smem:$0x3FAA] =	sst s9;
	s0 =	simm.s32 @!p0 $0x0  }
0x12: {  	s1 =	sld [smem:$0x3F90];
	s0 =	simm.s32 @p0 $0x1  }
0x13: {  	[smem:$0x3FAB] =	sst s0;
	s0 =	simm.s32 @!p1 $0x0  }
0x14: {  	s2 =	sld [smem:$0x3F8F];
	s0 =	simm.s32 @p1 $0x1  }
0x15: {  	[smem:$0x3FAC] =	sst s0;
	s0 =	simm.s32 @!p2 $0x0  }
0x16: {  	s3 =	sld [smem:$0x3FDB];
	s0 =	simm.s32 @p2 $0x1  }
0x17: {  	s4 =	simm.s32 $0x1BF5;
	[smem:$0x3FAE] =	sst s0  }
0x18: {  	s0 =	sld [smem:$0x3F91];
	_ =	swait.ge [sflag:s4], $0x0  }
0x19: {  	s7 =	sld [smem:$0x3F92]  }
0x1a: {  	s8 =	sadd.s32 $0xFFFFE003, lr  }
0x1b: {  	s9 =	sadd.s32 $0xFFFFFEF7, lr;
	s5 =	simm.s32 $0xFFFFFFFF;
	p2 =	slt.u32 s8, $0xFFFFF086  }
0x1c: {  	p1 =	slt.u32 s9, $0xF7A;
	s5 =	simm.s32 @!p2 $0x0  }
0x1d: {  	s5 =	simm.s32 @p1 $0x1;
	p0 =	seq.s32 s7, s2  }
0x1e: {  	s7 =	smul.u32 @!p0 $0xF7A, s2;
	p2 =	seq.s32 @!p0 s5, $0x0  }
0x1f: {  	s9 =	smul.u32 $0xF7A, s1;
	s8 =	simm.s32 @!p0 $0x1BF5;
	p2 =	por !p2, p0  }
0x20: {  	[sflag:s8] =	ssyncset.s32 @!p0 $0xFFFFF086;
	s6 =	sadd.s32 @!p0 s3, s7;
	s7 =	simm.s32 @!p0 $0x108  }
0x21: {  	s3 =	sadd.s32 s3, s9;
	s6 =	sadd.s32 @!p0 $0x88, s6;
	s7 =	simm.s32 @p2 $0x1082  }
0x22: {  	[simem:s7], [sflag:s8] =	dma.local @!p0 [hbm:s6], $0xF7A  }
0x23: {  	s9 =	sor.u32 $0xD0000000, s2;
	s6 =	simm.s32 $0x108;
	_ =	swait.ge @!p0 [sflag:s8], $0x0  }
0x24: {  	s3 =	sadd.s32 $0x88, s3;
	s6 =	simm.s32 @!p1 $0x1082;
	[sflag:s4] =	ssyncset.s32 $0xFFFFF086  }
0x25: {  	[simem:s6], [sflag:s4] =	dma.local [hbm:s3], $0xF7A  }
0x26: {  	[smem:$0x3F92] =	sst s1;
	(tag) =	ssettag s2;
	_ =	strace s9  }
0x27: {  	s1 =	sld [smem:$0x3FA2]  }
0x28: {  	s2 =	sld [smem:$0x3FA3]  }
0x29: {  	s4 =	sld [smem:$0x3FA5]  }
0x2a: {  	p0 =	seq.s32 s5, $0x0;
	s5 =	sld [smem:$0x3FA6]  }
0x2b: {  	s6 =	sld [smem:$0x3FA7]  }
0x2c: {  	s7 =	sld [smem:$0x3FA8]  }
0x2d: {  	s3 =	simm.s32 $0x108;
	s8 =	sld [smem:$0x3FA9]  }
0x2e: {  	s3 =	simm.s32 @!p0 $0x1082;
	s9 =	sld [smem:$0x3FAA]  }
0x2f: {  	lr =	sadd.s32 s0, s3;
	s0 =	sld [smem:$0x3FA1]  }
0x30: {  	s3 =	sld [smem:$0x3FA4]  }
0x31: {  	[smem:$0x3FAD] =	sst s10  }
0x32: {  	s10 =	sld [smem:$0x3FAB];
	_ =	sdelay $0x3  }
0x33: {  	p0 =	seq.s32 s10, $0x1;
	s10 =	sld [smem:$0x3FAD];
	_ =	sdelay $0x3  }
0x34: {  	[smem:$0x3FAD] =	sst s10  }
0x35: {  	s10 =	sld [smem:$0x3FAC];
	_ =	sdelay $0x3  }
0x36: {  	p1 =	seq.s32 s10, $0x1;
	s10 =	sld [smem:$0x3FAD];
	_ =	sdelay $0x3  }
0x37: {  	[smem:$0x3FAD] =	sst s10  }
0x38: {  	s10 =	sld [smem:$0x3FAE]  }
0x39: {  	_ = 	snop;
	(pc) =	sbr.ind lr, $3  }
0x3a: {  	_ = 	snop  }
0x3b: {  	_ = 	snop  }
0x3c: {  	p2 =	seq.s32 s10, $0x1;
	s10 =	sld [smem:$0x3FAD]  }
0x3d: {  	_ =	shalt  }
0x3e: {  	_ =	shalt  }
0x3f: {  	_ =	shalt  }
0x40: {  	_ =	shalt  }
0x41: {  	_ =	shalt  }
0x42: {  	_ =	shalt  }
0x43: {  	_ =	shalt  }
0x44: {  	_ =	shalt  }
0x45: {  	_ =	shalt  }
0x46: {  	_ =	shalt  }
0x47: {  	_ =	shalt  }
0x48: {  	_ =	shalt  }
0x49: {  	_ =	shalt  }
0x4a: {  	_ =	shalt  }
0x4b: {  	_ =	shalt  }
0x4c: {  	_ =	shalt  }
0x4d: {  	_ =	shalt  }
0x4e: {  	_ =	shalt  }
0x4f: {  	_ =	shalt  }
0x50: {  	_ =	shalt  }
0x51: {  	_ =	shalt  }
0x52: {  	_ =	shalt  }
0x53: {  	_ =	shalt  }
0x54: {  	_ =	shalt  }
0x55: {  	_ =	shalt  }
0x56: {  	_ =	shalt  }
0x57: {  	_ =	shalt  }
0x58: {  	_ =	shalt  }
0x59: {  	_ =	shalt  }
0x5a: {  	_ =	shalt  }
0x5b: {  	_ =	shalt  }
0x5c: {  	_ =	shalt  }
0x5d: {  	_ =	shalt  }
0x5e: {  	_ =	shalt  }
0x5f: {  	_ =	shalt  }
0x60: {  	_ =	shalt  }
0x61: {  	_ =	shalt  }
0x62: {  	_ =	shalt  }
0x63: {  	_ =	shalt  }
0x64: {  	_ =	shalt  }
0x65: {  	_ =	shalt  }
0x66: {  	_ =	shalt  }
0x67: {  	_ =	shalt  }
0x68: {  	_ =	shalt  }
0x69: {  	_ =	shalt  }
0x6a: {  	_ =	shalt  }
0x6b: {  	_ =	shalt  }
0x6c: {  	_ =	shalt  }
0x6d: {  	_ =	shalt  }
0x6e: {  	_ =	shalt  }
0x6f: {  	_ =	shalt  }
0x70: {  	_ =	shalt  }
0x71: {  	_ =	shalt  }
0x72: {  	_ =	shalt  }
0x73: {  	_ =	shalt  }
0x74: {  	_ =	shalt  }
0x75: {  	_ =	shalt  }
0x76: {  	_ =	shalt  }
0x77: {  	_ =	shalt  }
0x78: {  	_ =	shalt  }
0x79: {  	_ =	shalt  }
0x7a: {  	_ =	shalt  }
0x7b: {  	_ =	shalt  }
0x7c: {  	_ =	shalt  }
0x7d: {  	_ =	shalt  }
0x7e: {  	_ =	shalt  }
0x7f: {  	_ =	shalt  }
0x80: {  	_ =	shalt  }
0x81: {  	_ =	shalt  }
0x82: {  	_ =	shalt  }
0x83: {  	_ =	shalt  }
0x84: {  	_ =	shalt  }
0x85: {  	_ =	shalt  }
0x86: {  	_ =	shalt  }
0x87: {  	_ =	shalt  }
.Lfunc_end0:
.L_simem_size_0:
called_computation.1_lowered:
.L_overlay_start_0:
0x88: {  	s2 =	sld [smem:$0x3FD9]  }
0x89: {  	s3 =	sld [smem:$0x3FFE];
	_ =	sdelay $0x1  }
0x8a: {  	s1 =	srdreg.scid  }
0x8b: {  	s0 =	sand.u32 $0x1, s1  }
0x8c: {  	s16 =	sshll.u32 s0, $0xA;
	s2 =	sadd.s32 s3, s2  }
0x8d: {  	s2 =	sadd.s32 s2, s16  }
0x8e: {  	[smem:$0x3FB9] =	sst s2  }
0x8f: {  	_ = 	snop  }
0x90: {  	(tm) =	ssettm $0x1  }
0x91: {  	s17 =	sld [smem:$0x3FFB];
	_ =	sdelay $0x3  }
0x92: {  	_ =	strace s17  }
0x93: {  	s2 =	sld [smem:$0x3FFC];
	_ =	sdelay $0x3  }
0x94: {  	_ =	strace s2  }
0x95: {  	s2 =	sld [smem:$0x3FFD];
	_ =	sdelay $0x3  }
0x96: {  	_ =	strace s2  }
0x97: {  	_ =	strace $0x8FFFFFFF  }
0x98: {  	s18 =	sld [smem:$0x3FDB];
	_ =	sdelay $0x1  }
0x99: {  	s19 =	simm.s32 $_scs_section_size  }
0x9a: {  	s4 =	simm.s32 $_size__tile_overlayer_lowered;
	s5 =	simm.s32 $_tile_overlayer_lowered  }
0x9b: {  	s22 =	simm.s32 $0x1BFF;
	s21 =	sshll.u32 s5, $0x1;
	s2 =	sadd.s32 s19, s18  }
0x9c: {  	s6 =	simm.s32 $0x0;
	s20 =	sshll.u32 s4, $0x1;
	s4 =	sadd.s32 s21, s2  }
0x9d: {  	[timem:s6], [sflag:s22] =	dma.local [hbm:s4], s20  }
0x9e: {  	_ =	swait.ge [sflag:s22], s20  }
0x9f: {  	s3 =	ssub.s32 $0x0, s20;
	[sflag:s22] =	ssyncset.done $0x0  }
0xa0: {  	[sflag:s22] =	ssyncadd.s32 s3;
	_ =	sdelay $0x1  }
0xa1: {  	s23 =	simm.s32 $0x1B8B  }
0xa2: {  	_ =	swait.ge [sflag:s23], $0x1  }
0xa3: {  	[sflag:s23] =	ssyncset.done $0x0  }
0xa4: {  	s25 =	simm.s32 $0x1B8E;
	s24 =	sld [smem:$0x3FFE];
	[sflag:s23] =	ssyncadd.s32 $0xFFFFFFFF  }
0xa5: {  	s26 =	simm.s32 $execute0_lowered;
	[smem:$0x3FD2] =	sst s25  }
0xa6: {  	s4 =	sshll.u32 s26, $0x1;
	_ =	strace $0x80000049;
	[dreg:$0x1] =	wrdreg $0xFFFFFFFF  }
0xa7: {  	s28 =	simm.s32 $_size_execute0_lowered;
	s2 =	sadd.s32 s2, s4;
	[dreg:$0x0] =	wrdreg $0x0  }
0xa8: {  	s4 =	sshll.u32 s28, $0x1;
	[dreg:$0x2] =	wrdreg s2  }
0xa9: {  	[dreg:$0x3] =	wrdreg s4  }
0xaa: {  	[dreg:$0x4] =	wrdreg $0xC0  }
0xab: {  	_ =	task [dreg:s6], $0x5FFFF  }
0xac: {  	[dreg:$0x1] =	wrdreg $0xFFFFFFFF  }
0xad: {  	[dreg:$0x0] =	wrdreg $0x60  }
0xae: {  	[dreg:$0x2] =	wrdreg s24  }
0xaf: {  	[dreg:$0x3] =	wrdreg $0x90000  }
0xb0: {  	[dreg:$0x4] =	wrdreg $0x12E000  }
0xb1: {  	[dreg:$0x5] =	wrdreg $0x9  }
0xb2: {  	_ =	task.clear_ibuf [dreg:s6], $0x6FFFF;
	_ =	strace $0x90000049  }
0xb3: {  	s29 =	simm.s32 $0x9;
	_ =	strace $0x8000004B  }
0xb4: {  	_ =	swait.ge [sflag:s29], $0x1  }
0xb5: {  	[sflag:s29] =	ssyncadd.s32 $0xFFFFFFFF  }
0xb6: {  	_ =	strace $0x9000004B  }
0xb7: {  	_ =	sfence  }
0xb8: {  	s30 =	sld [smem:$0x0];
	_ =	sdelay $0x2  }
0xb9: {  	s31 =	sshll.u32 s1, $0xD;
	s1 =	sshrl.u32 s1, $0x2  }
0xba: {  	s3 =	sand.u32 $0x4000, s31;
	s1 =	sadd.s32 s1, s30  }
0xbb: {  	s0 =	sor.u32 s3, s0;
	s1 =	sshll.u32 s1, $0x11  }
0xbc: {  	s0 =	sor.u32 s1, s0  }
0xbd: {  	s0 =	sadd.s32 $0x8F2B, s0  }
0xbe: {  	[sflag:s0] =	ssyncadd.remote.s32 $0x1  }
0xbf: {  	_ =	sfence.sel $0xFFFF  }
0xc0: {  	[dreg:$0x0] =	wrdreg $0xFFFFFFFF;
	(pc) =	sbr.abs _section_cstart, $3  }
0xc1: {  	[dreg:$0x1] =	wrdreg $0xFFFFFFFF  }
0xc2: {  	_ =	task.clear_ibuf [dreg:s6], $0x2FFFF;
	_ =	strace $0x9FFFFFFF  }
0xc3: {  	(tm) =	ssettm $0x7FFFFFFF  }
tec
execute0_lowered:
.L_overlay_start_1:
0x0: {  	(tag) =	ssettag $0x1  }
0x1: {  	s7 =	rddreg [dreg:$0x0]  }
0x2: {  	s0 =	srdreg.scid;
	s2 =	rddreg [dreg:$0x1]  }
0x3: {  	s3 =	rddreg [dreg:$0x2];
	s4 =	simm.s32 $0x0;
	s14 =	simm.s32 $0x2800  }
0x4: {  	s18 =	simm.s32 $0x80;
	s19 =	simm.s32 $0x5000;
	s20 =	simm.s32 $0x7000  }
0x5: {  	s21 =	simm.s32 $0x1;
	s22 =	simm.s32 $0x2;
	s23 =	simm.s32 $0x3  }
0x6: {  	s24 =	simm.s32 $0x4;
	s8 =	sand.u32 $0x1, s0;
	s0 =	stileid.u32  }
0x7: {  	s25 =	simm.s32 $0x0;
	[smem:$0x7FF] =	sst s4;
	s10 =	smul.u32 $0x9E00, s0  }
0x8: {  	s6 =	sadd.s32 $0x4EE00, s7;
	s1 =	sshll.u32 s8, $0x4;
	s11 =	smul.u32 $0x9E000, s8  }
0x9: {  	s8 =	ssub.s32 $0x2, s8;
	s15 =	sshll.u32 s0, $0x6;
	s5 =	sor.u32 s0, s1  }
0xa: {  	s1 =	rddreg [dreg:$0x3];
	_ =	strace $0x8000004A;
	s13 =	sshrl.u32 s8, $0x1  }
0xb: {  	s15 =	sor.u32 $0x1C05, s15;
	s9 =	smul.u32 $0x500, s5;
	s5 =	sadd.s32 $0x62800, s7  }
0xc: {  	s12 =	sshrl.u32 s10, $0x3;
	s11 =	sadd.s32 s10, s11;
	s13 =	ssub.s32 s8, s13  }
0xd: {  	s16 =	sadd.s32 s10, s2;
	s17 =	sadd.s32 s10, s3;
	s12 =	sadd.s32 s12, s7  }
0xe: {  	s11 =	sshrl.u32 s11, $0x3;
	s16 =	sshrl.u32 s16, $0x3;
	s9 =	sadd.s32 s9, s7  }
0xf: {  	s17 =	sshrl.u32 s17, $0x3;
	s11 =	sadd.s32 s11, s7;
	s7 =	sadd.s32 $0x44E00, s9  }
0x10: {  	s8 =	sadd.s32 $0x4E00, s9;
	s9 =	sadd.s32 $0x76200, s12;
	s10 =	sadd.s32 $0xEC800, s11  }
0x11: {  	s11 =	sadd.s32 $0xC5000, s11;
	s12 =	smax.u32 s13, $0x1;
	s13 =	simm.s32 $0x5  }
.LBB2_1:
0x12: {  	[tilespmem:s4], [sflag:$0x5] =	stream.linear.gather [hbm4b:s7+s4], $0x2800, $0x38;
	[tilespmem:$0x1CC00] =	vst v63  }
0x13: {  	_ =	swait.ge [sflag:s13], $0x2800  }
0x14: {  	[sflag:s13] =	ssyncset.done $0x0  }
0x15: {  	[sflag:s13] =	ssyncadd.s32 $0xFFFFD800  }
0x16: {  	[tilespmem:s14], [sflag:$0x5] =	stream.linear.gather [hbm4b:s8+s4], $0x2800, $0x38;
	[tilespmem:$0x1CC00] =	vst v63  }
0x17: {  	_ =	swait.ge [sflag:s13], $0x2800  }
0x18: {  	[sflag:s13] =	ssyncset.done $0x0  }
0x19: {  	[sflag:s13] =	ssyncadd.s32 $0xFFFFD800  }
0x1a: {  	[spmem:s16], [sflag:s15] =	dma.local [hbm:s9], $0x13C0  }
0x1b: {  	_ =	swait.ge [sflag:s13], $0x13C0  }
0x1c: {  	[sflag:s13] =	ssyncset.done $0x0  }
0x1d: {  	[sflag:s13] =	ssyncadd.s32 $0xFFFFEC40  }
0x1e: {  	[spmem:s17], [sflag:s15] =	dma.local [hbm:s9], $0x13C0  }
0x1f: {  	_ =	swait.ge [sflag:s13], $0x13C0  }
0x20: {  	[sflag:s13] =	ssyncset.done $0x0  }
0x21: {  	[sflag:s13] =	ssyncadd.s32 $0xFFFFEC40  }
0x22: {  	s26 =	simm.s32 $0x0;
	[bflag:$0x0] =	sbarrier.arrive $0xFFFF  }
0x23: {  	[tilespmem:s19], [sflag:$0x1] =	stream.indirect.gather [hbm4b:s5+s18], $0x40, s26, s18, $0xb8;
	[tilespmem:$0x1CC00] =	vst v63  }
0x24: {  	_ = 	snop  }
0x25: {  	[tilespmem:s20], [sflag:$0x2] =	stream.indirect.gather [hbm4b:s6+s18], $0x40, s26, s18, $0xb8;
	[tilespmem:$0x1CC00] =	vst v63  }
0x26: {  	_ =	swait.ge [sflag:s21], $0x2000  }
0x27: {  	[sflag:s21] =	ssyncset.done $0x0  }
0x28: {  	s31 =	simm.s32 $0x2800;
	[sflag:s21] =	ssyncadd.s32 $0xFFFFE000  }
0x29: {  	[spmem:s2] =	stream.indirect.scatter.add.f32 [tilespmem:s19], [sflag:$0x3], $0x40, s31, s18, $0xb8;
	[tilespmem:$0x1CC00] =	vst v63  }
0x2a: {  	_ =	swait.ge [sflag:s22], $0x2000  }
0x2b: {  	[sflag:s22] =	ssyncset.done $0x0  }
0x2c: {  	[sflag:s22] =	ssyncadd.s32 $0xFFFFE000  }
0x2d: {  	[spmem:s3] =	stream.indirect.scatter.add.f32 [tilespmem:s20], [sflag:$0x4], $0x40, s31, s18, $0xb8;
	[tilespmem:$0x1CC00] =	vst v63  }
0x2e: {  	_ =	swait.ge [sflag:s23], $0x2000  }
0x2f: {  	[sflag:s23] =	ssyncset.done $0x0  }
0x30: {  	[sflag:s23] =	ssyncadd.s32 $0xFFFFE000  }
0x31: {  	_ =	swait.ge [sflag:s24], $0x2000  }
0x32: {  	s28 =	simm.s32 $0x400;
	s26 =	simm.s32 $0x200;
	[sflag:s24] =	ssyncset.done $0x0  }
.LBB2_2:
0x33: {  	s29 =	sshra.s32 s26, $0x2  }
0x34: {  	[sflag:s24] =	ssyncadd.s32 $0xFFFFE000;
	s26 =	smov.u32 s28;
	s30 =	sadd.s32 $0x200, s28  }
0x35: {  	[tilespmem:s19], [sflag:$0x1] =	stream.indirect.gather [hbm4b:s5+s18], $0x40, s29, s18, $0xb8;
	[tilespmem:$0x1CC00] =	vst v63  }
0x36: {  	p0 =	sne.s32 s28, $0x9E00  }
0x37: {  	[tilespmem:s20], [sflag:$0x2] =	stream.indirect.gather [hbm4b:s6+s18], $0x40, s29, s18, $0xb8;
	[tilespmem:$0x1CC00] =	vst v63  }
0x38: {  	_ =	swait.ge [sflag:s21], $0x2000  }
0x39: {  	[sflag:s21] =	ssyncset.done $0x0  }
0x3a: {  	s28 =	sadd.s32 $0x2800, s29;
	[sflag:s21] =	ssyncadd.s32 $0xFFFFE000  }
0x3b: {  	[spmem:s2] =	stream.indirect.scatter.add.f32 [tilespmem:s19], [sflag:$0x3], $0x40, s28, s18, $0xb8;
	[tilespmem:$0x1CC00] =	vst v63  }
0x3c: {  	_ =	swait.ge [sflag:s22], $0x2000  }
0x3d: {  	[sflag:s22] =	ssyncset.done $0x0  }
0x3e: {  	[sflag:s22] =	ssyncadd.s32 $0xFFFFE000  }
0x3f: {  	[spmem:s3] =	stream.indirect.scatter.add.f32 [tilespmem:s20], [sflag:$0x4], $0x40, s28, s18, $0xb8;
	[tilespmem:$0x1CC00] =	vst v63  }
.Ltmp0:
0x40: {  	_ =	swait.ge [sflag:s23], $0x2000;
	(pc) =	sbr.rel @p0 .LBB2_2-.Ltmp0, $4  }
0x41: {  	[sflag:s23] =	ssyncset.done $0x0  }
0x42: {  	[sflag:s23] =	ssyncadd.s32 $0xFFFFE000  }
0x43: {  	_ =	swait.ge [sflag:s24], $0x2000  }
0x44: {  	s28 =	smov.u32 s30;
	[sflag:s24] =	ssyncset.done $0x0  }
0x45: {  	s26 =	sshra.s32 s26, $0x2;
	[sflag:s24] =	ssyncadd.s32 $0xFFFFE000  }
0x46: {  	[tilespmem:s19], [sflag:$0x1] =	stream.indirect.gather [hbm4b:s5+s18], $0x40, s26, s18, $0xb8;
	[tilespmem:$0x1CC00] =	vst v63  }
0x47: {  	_ = 	snop  }
0x48: {  	[tilespmem:s20], [sflag:$0x2] =	stream.indirect.gather [hbm4b:s6+s18], $0x40, s26, s18, $0xb8;
	[tilespmem:$0x1CC00] =	vst v63  }
0x49: {  	_ =	swait.ge [sflag:s21], $0x2000  }
0x4a: {  	[sflag:s21] =	ssyncset.done $0x0  }
0x4b: {  	s26 =	sadd.s32 $0x2800, s26;
	[sflag:s21] =	ssyncadd.s32 $0xFFFFE000  }
0x4c: {  	[spmem:s2] =	stream.indirect.scatter.add.f32 [tilespmem:s19], [sflag:$0x3], $0x40, s26, s18, $0xb8;
	[tilespmem:$0x1CC00] =	vst v63  }
0x4d: {  	_ =	swait.ge [sflag:s22], $0x2000  }
0x4e: {  	[sflag:s22] =	ssyncset.done $0x0  }
0x4f: {  	[sflag:s22] =	ssyncadd.s32 $0xFFFFE000  }
0x50: {  	[spmem:s3] =	stream.indirect.scatter.add.f32 [tilespmem:s20], [sflag:$0x4], $0x40, s26, s18, $0xb8;
	[tilespmem:$0x1CC00] =	vst v63  }
0x51: {  	_ =	swait.ge [sflag:s23], $0x2000  }
0x52: {  	[sflag:s23] =	ssyncset.done $0x0  }
0x53: {  	[sflag:s23] =	ssyncadd.s32 $0xFFFFE000  }
0x54: {  	_ =	swait.ge [sflag:s24], $0x2000  }
0x55: {  	[sflag:s24] =	ssyncset.done $0x0  }
0x56: {  	[sflag:s24] =	ssyncadd.s32 $0xFFFFE000  }
0x57: {  	[bflag:$0x0] =	sbarrier.arrive $0xFFFF  }
0x58: {  	[hbm:s10], [sflag:s15] =	dma.local [spmem:s16], $0x13C0  }
0x59: {  	s25 =	sadd.s32 $0x1, s25;
	_ =	swait.ge [sflag:s13], $0x13C0  }
0x5a: {  	p0 =	sne.s32 s25, s12;
	[sflag:s13] =	ssyncset.done $0x0  }
.Ltmp1:
0x5b: {  	[sflag:s13] =	ssyncadd.s32 $0xFFFFEC40;
	(pc) =	sbr.rel @p0 .LBB2_1-.Ltmp1, $4  }
0x5c: {  	[hbm:s11], [sflag:s15] =	dma.local [spmem:s17], $0x13C0  }
0x5d: {  	_ =	swait.ge [sflag:s13], $0x13C0  }
0x5e: {  	[sflag:s13] =	ssyncset.done $0x0  }
0x5f: {  	[sflag:s13] =	ssyncadd.s32 $0xFFFFEC40  }
0x60: {  	_ =	sfence.sel $0x180000  }
0x61: {  	[bflag:$0x0] =	sbarrier.arrive $0xFFFF  }
0x62: {  	p0 =	sne.s32 s0, $0x0;
	_ =	strace $0x9000004A  }
0x63: {  	s0 =	sadd.s32 @!p0 $0x100000, s1;
	[bflag:$0x2] =	sbarrier.arrive $0xFFFF  }
0x64: {  	[sflag:s0] =	ssyncadd.tile.s32 @!p0 $0x1;
	_ =	shalt  }
.Lfunc_end2:
_tile_overlayer_lowered:
.L_overlay_start_2:
0x65: {  	(tag) =	ssettag $0x2  }
0x66: {  	s0 =	rddreg [dreg:$0x0];
	s2 =	stileid.u32  }
0x67: {  	s1 =	rddreg [dreg:$0x1];
	p0 =	sne.s32 s2, $0x0  }
0x68: {  	s3 =	rddreg [dreg:$0x2];
	[bflag:$0x3] =	sbarrier.arrive $0xFFFF;
	s2 =	simm.s32 @!p0 $0x1C05  }
0x69: {  	[timem:s3], [sflag:s2] =	dma.local @!p0 [hbm:s0], s1  }
0x6a: {  	s0 =	simm.s32 @!p0 $0x5  }
0x6b: {  	_ =	swait.ge @!p0 [sflag:s0], s1  }
0x6c: {  	s1 =	ssub.s32 @!p0 $0x0, s1;
	[sflag:s0] =	ssyncset.done @!p0 $0x0  }
0x6d: {  	[sflag:s0] =	ssyncadd.s32 @!p0 s1  }
0x6e: {  	[bflag:$0x3] =	sbarrier.arrive $0xFFFF  }
0x6f: {  	_ =	shalt  }

// kernel: kernel.18.cloned.1.call-start
scs
__scs_entry_jumppad:
0x0: {  	(pc) =	sbr.rel $0x88, $3  }
0x1: {  	(tag) =	ssettag $0x0;
	lr =	simm.s32 $0x1  }
0x2: {  	[smem:$0x3F92] =	sst lr;
	_ =	strace $0xD0000000  }
0x3: {  	_ = 	snop  }
0x4: {  	_ = 	snop  }
0x5: {  	_ = 	snop  }
0x6: {  	_ = 	snop  }
0x7: {  	_ = 	snop  }
__scs_overlays_trampoline_lowered:
0x8: {  	[smem:$0x3FA1] =	sst s0  }
0x9: {  	[smem:$0x3FA2] =	sst s1  }
0xa: {  	[smem:$0x3FA3] =	sst s2  }
0xb: {  	[smem:$0x3FA4] =	sst s3  }
0xc: {  	[smem:$0x3FA5] =	sst s4  }
0xd: {  	[smem:$0x3FA6] =	sst s5  }
0xe: {  	[smem:$0x3FA7] =	sst s6  }
0xf: {  	[smem:$0x3FA8] =	sst s7  }
0x10: {  	[smem:$0x3FA9] =	sst s8  }
0x11: {  	[smem:$0x3FAA] =	sst s9;
	s0 =	simm.s32 @!p0 $0x0  }
0x12: {  	s1 =	sld [smem:$0x3F90];
	s0 =	simm.s32 @p0 $0x1  }
0x13: {  	[smem:$0x3FAB] =	sst s0;
	s0 =	simm.s32 @!p1 $0x0  }
0x14: {  	s2 =	sld [smem:$0x3F8F];
	s0 =	simm.s32 @p1 $0x1  }
0x15: {  	[smem:$0x3FAC] =	sst s0;
	s0 =	simm.s32 @!p2 $0x0  }
0x16: {  	s3 =	sld [smem:$0x3FDB];
	s0 =	simm.s32 @p2 $0x1  }
0x17: {  	s4 =	simm.s32 $0x1BF5;
	[smem:$0x3FAE] =	sst s0  }
0x18: {  	s0 =	sld [smem:$0x3F91];
	_ =	swait.ge [sflag:s4], $0x0  }
0x19: {  	s7 =	sld [smem:$0x3F92]  }
0x1a: {  	s8 =	sadd.s32 $0xFFFFE003, lr  }
0x1b: {  	s9 =	sadd.s32 $0xFFFFFEF7, lr;
	s5 =	simm.s32 $0xFFFFFFFF;
	p2 =	slt.u32 s8, $0xFFFFF086  }
0x1c: {  	p1 =	slt.u32 s9, $0xF7A;
	s5 =	simm.s32 @!p2 $0x0  }
0x1d: {  	s5 =	simm.s32 @p1 $0x1;
	p0 =	seq.s32 s7, s2  }
0x1e: {  	s7 =	smul.u32 @!p0 $0xF7A, s2;
	p2 =	seq.s32 @!p0 s5, $0x0  }
0x1f: {  	s9 =	smul.u32 $0xF7A, s1;
	s8 =	simm.s32 @!p0 $0x1BF5;
	p2 =	por !p2, p0  }
0x20: {  	[sflag:s8] =	ssyncset.s32 @!p0 $0xFFFFF086;
	s6 =	sadd.s32 @!p0 s3, s7;
	s7 =	simm.s32 @!p0 $0x108  }
0x21: {  	s3 =	sadd.s32 s3, s9;
	s6 =	sadd.s32 @!p0 $0x88, s6;
	s7 =	simm.s32 @p2 $0x1082  }
0x22: {  	[simem:s7], [sflag:s8] =	dma.local @!p0 [hbm:s6], $0xF7A  }
0x23: {  	s9 =	sor.u32 $0xD0000000, s2;
	s6 =	simm.s32 $0x108;
	_ =	swait.ge @!p0 [sflag:s8], $0x0  }
0x24: {  	s3 =	sadd.s32 $0x88, s3;
	s6 =	simm.s32 @!p1 $0x1082;
	[sflag:s4] =	ssyncset.s32 $0xFFFFF086  }
0x25: {  	[simem:s6], [sflag:s4] =	dma.local [hbm:s3], $0xF7A  }
0x26: {  	[smem:$0x3F92] =	sst s1;
	(tag) =	ssettag s2;
	_ =	strace s9  }
0x27: {  	s1 =	sld [smem:$0x3FA2]  }
0x28: {  	s2 =	sld [smem:$0x3FA3]  }
0x29: {  	s4 =	sld [smem:$0x3FA5]  }
0x2a: {  	p0 =	seq.s32 s5, $0x0;
	s5 =	sld [smem:$0x3FA6]  }
0x2b: {  	s6 =	sld [smem:$0x3FA7]  }
0x2c: {  	s7 =	sld [smem:$0x3FA8]  }
0x2d: {  	s3 =	simm.s32 $0x108;
	s8 =	sld [smem:$0x3FA9]  }
0x2e: {  	s3 =	simm.s32 @!p0 $0x1082;
	s9 =	sld [smem:$0x3FAA]  }
0x2f: {  	lr =	sadd.s32 s0, s3;
	s0 =	sld [smem:$0x3FA1]  }
0x30: {  	s3 =	sld [smem:$0x3FA4]  }
0x31: {  	[smem:$0x3FAD] =	sst s10  }
0x32: {  	s10 =	sld [smem:$0x3FAB];
	_ =	sdelay $0x3  }
0x33: {  	p0 =	seq.s32 s10, $0x1;
	s10 =	sld [smem:$0x3FAD];
	_ =	sdelay $0x3  }
0x34: {  	[smem:$0x3FAD] =	sst s10  }
0x35: {  	s10 =	sld [smem:$0x3FAC];
	_ =	sdelay $0x3  }
0x36: {  	p1 =	seq.s32 s10, $0x1;
	s10 =	sld [smem:$0x3FAD];
	_ =	sdelay $0x3  }
0x37: {  	[smem:$0x3FAD] =	sst s10  }
0x38: {  	s10 =	sld [smem:$0x3FAE]  }
0x39: {  	_ = 	snop;
	(pc) =	sbr.ind lr, $3  }
0x3a: {  	_ = 	snop  }
0x3b: {  	_ = 	snop  }
0x3c: {  	p2 =	seq.s32 s10, $0x1;
	s10 =	sld [smem:$0x3FAD]  }
0x3d: {  	_ =	shalt  }
0x3e: {  	_ =	shalt  }
0x3f: {  	_ =	shalt  }
0x40: {  	_ =	shalt  }
0x41: {  	_ =	shalt  }
0x42: {  	_ =	shalt  }
0x43: {  	_ =	shalt  }
0x44: {  	_ =	shalt  }
0x45: {  	_ =	shalt  }
0x46: {  	_ =	shalt  }
0x47: {  	_ =	shalt  }
0x48: {  	_ =	shalt  }
0x49: {  	_ =	shalt  }
0x4a: {  	_ =	shalt  }
0x4b: {  	_ =	shalt  }
0x4c: {  	_ =	shalt  }
0x4d: {  	_ =	shalt  }
0x4e: {  	_ =	shalt  }
0x4f: {  	_ =	shalt  }
0x50: {  	_ =	shalt  }
0x51: {  	_ =	shalt  }
0x52: {  	_ =	shalt  }
0x53: {  	_ =	shalt  }
0x54: {  	_ =	shalt  }
0x55: {  	_ =	shalt  }
0x56: {  	_ =	shalt  }
0x57: {  	_ =	shalt  }
0x58: {  	_ =	shalt  }
0x59: {  	_ =	shalt  }
0x5a: {  	_ =	shalt  }
0x5b: {  	_ =	shalt  }
0x5c: {  	_ =	shalt  }
0x5d: {  	_ =	shalt  }
0x5e: {  	_ =	shalt  }
0x5f: {  	_ =	shalt  }
0x60: {  	_ =	shalt  }
0x61: {  	_ =	shalt  }
0x62: {  	_ =	shalt  }
0x63: {  	_ =	shalt  }
0x64: {  	_ =	shalt  }
0x65: {  	_ =	shalt  }
0x66: {  	_ =	shalt  }
0x67: {  	_ =	shalt  }
0x68: {  	_ =	shalt  }
0x69: {  	_ =	shalt  }
0x6a: {  	_ =	shalt  }
0x6b: {  	_ =	shalt  }
0x6c: {  	_ =	shalt  }
0x6d: {  	_ =	shalt  }
0x6e: {  	_ =	shalt  }
0x6f: {  	_ =	shalt  }
0x70: {  	_ =	shalt  }
0x71: {  	_ =	shalt  }
0x72: {  	_ =	shalt  }
0x73: {  	_ =	shalt  }
0x74: {  	_ =	shalt  }
0x75: {  	_ =	shalt  }
0x76: {  	_ =	shalt  }
0x77: {  	_ =	shalt  }
0x78: {  	_ =	shalt  }
0x79: {  	_ =	shalt  }
0x7a: {  	_ =	shalt  }
0x7b: {  	_ =	shalt  }
0x7c: {  	_ =	shalt  }
0x7d: {  	_ =	shalt  }
0x7e: {  	_ =	shalt  }
0x7f: {  	_ =	shalt  }
0x80: {  	_ =	shalt  }
0x81: {  	_ =	shalt  }
0x82: {  	_ =	shalt  }
0x83: {  	_ =	shalt  }
0x84: {  	_ =	shalt  }
0x85: {  	_ =	shalt  }
0x86: {  	_ =	shalt  }
0x87: {  	_ =	shalt  }
.Lfunc_end0:
.L_simem_size_0:
called_computation.2_lowered:
.L_overlay_start_0:
0x88: {  	s2 =	sld [smem:$0x3FD9]  }
0x89: {  	s3 =	sld [smem:$0x3FFE];
	_ =	sdelay $0x1  }
0x8a: {  	s1 =	srdreg.scid  }
0x8b: {  	s0 =	sand.u32 $0x1, s1  }
0x8c: {  	s16 =	sshll.u32 s0, $0xA;
	s2 =	sadd.s32 s3, s2  }
0x8d: {  	s2 =	sadd.s32 s2, s16  }
0x8e: {  	[smem:$0x3FB9] =	sst s2  }
0x8f: {  	_ = 	snop  }
0x90: {  	(tm) =	ssettm $0x1  }
0x91: {  	s17 =	sld [smem:$0x3FFB];
	_ =	sdelay $0x3  }
0x92: {  	_ =	strace s17  }
0x93: {  	s2 =	sld [smem:$0x3FFC];
	_ =	sdelay $0x3  }
0x94: {  	_ =	strace s2  }
0x95: {  	s2 =	sld [smem:$0x3FFD];
	_ =	sdelay $0x3  }
0x96: {  	_ =	strace s2  }
0x97: {  	_ =	strace $0x8FFFFFFF  }
0x98: {  	s18 =	sld [smem:$0x3FDB];
	_ =	sdelay $0x1  }
0x99: {  	s19 =	simm.s32 $_scs_section_size  }
0x9a: {  	s4 =	simm.s32 $_size__tile_overlayer_lowered;
	s5 =	simm.s32 $_tile_overlayer_lowered  }
0x9b: {  	s22 =	simm.s32 $0x1BFF;
	s21 =	sshll.u32 s5, $0x1;
	s2 =	sadd.s32 s19, s18  }
0x9c: {  	s6 =	simm.s32 $0x0;
	s20 =	sshll.u32 s4, $0x1;
	s4 =	sadd.s32 s21, s2  }
0x9d: {  	[timem:s6], [sflag:s22] =	dma.local [hbm:s4], s20  }
0x9e: {  	_ =	swait.ge [sflag:s22], s20  }
0x9f: {  	s3 =	ssub.s32 $0x0, s20;
	[sflag:s22] =	ssyncset.done $0x0  }
0xa0: {  	[sflag:s22] =	ssyncadd.s32 s3;
	_ =	sdelay $0x1  }
0xa1: {  	s23 =	simm.s32 $0x1B8B  }
0xa2: {  	_ =	swait.ge [sflag:s23], $0x1  }
0xa3: {  	[sflag:s23] =	ssyncset.done $0x0  }
0xa4: {  	s25 =	simm.s32 $0x1B8E;
	s24 =	sld [smem:$0x3FFE];
	[sflag:s23] =	ssyncadd.s32 $0xFFFFFFFF  }
0xa5: {  	s26 =	simm.s32 $execute0_lowered;
	[smem:$0x3FD2] =	sst s25  }
0xa6: {  	s4 =	sshll.u32 s26, $0x1;
	_ =	strace $0x8000004C;
	[dreg:$0x1] =	wrdreg $0xFFFFFFFF  }
0xa7: {  	s28 =	simm.s32 $_size_execute0_lowered;
	s2 =	sadd.s32 s2, s4;
	[dreg:$0x0] =	wrdreg $0x0  }
0xa8: {  	s4 =	sshll.u32 s28, $0x1;
	[dreg:$0x2] =	wrdreg s2  }
0xa9: {  	[dreg:$0x3] =	wrdreg s4  }
0xaa: {  	[dreg:$0x4] =	wrdreg $0xC0  }
0xab: {  	_ =	task [dreg:s6], $0x5FFFF  }
0xac: {  	[dreg:$0x1] =	wrdreg $0xFFFFFFFF  }
0xad: {  	[dreg:$0x0] =	wrdreg $0x60  }
0xae: {  	[dreg:$0x2] =	wrdreg s24  }
0xaf: {  	[dreg:$0x3] =	wrdreg $0x90000  }
0xb0: {  	[dreg:$0x4] =	wrdreg $0x12E000  }
0xb1: {  	[dreg:$0x5] =	wrdreg $0x9  }
0xb2: {  	_ =	task.clear_ibuf [dreg:s6], $0x6FFFF;
	_ =	strace $0x9000004C  }
0xb3: {  	s29 =	simm.s32 $0x9;
	_ =	strace $0x8000004E  }
0xb4: {  	_ =	swait.ge [sflag:s29], $0x1  }
0xb5: {  	[sflag:s29] =	ssyncadd.s32 $0xFFFFFFFF  }
0xb6: {  	_ =	strace $0x9000004E  }
0xb7: {  	_ =	sfence  }
0xb8: {  	s30 =	sld [smem:$0x0];
	_ =	sdelay $0x2  }
0xb9: {  	s31 =	sshll.u32 s1, $0xD;
	s1 =	sshrl.u32 s1, $0x2  }
0xba: {  	s3 =	sand.u32 $0x4000, s31;
	s1 =	sadd.s32 s1, s30  }
0xbb: {  	s0 =	sor.u32 s3, s0;
	s1 =	sshll.u32 s1, $0x11  }
0xbc: {  	s0 =	sor.u32 s1, s0  }
0xbd: {  	s0 =	sadd.s32 $0x8F2B, s0  }
0xbe: {  	[sflag:s0] =	ssyncadd.remote.s32 $0x1  }
0xbf: {  	_ =	sfence.sel $0xFFFF  }
0xc0: {  	[dreg:$0x0] =	wrdreg $0xFFFFFFFF;
	(pc) =	sbr.abs _section_cstart, $3  }
0xc1: {  	[dreg:$0x1] =	wrdreg $0xFFFFFFFF  }
0xc2: {  	_ =	task.clear_ibuf [dreg:s6], $0x2FFFF;
	_ =	strace $0x9FFFFFFF  }
0xc3: {  	(tm) =	ssettm $0x7FFFFFFF  }
tec
execute0_lowered:
.L_overlay_start_1:
0x0: {  	(tag) =	ssettag $0x1  }
0x1: {  	s7 =	rddreg [dreg:$0x0]  }
0x2: {  	s0 =	srdreg.scid;
	s2 =	rddreg [dreg:$0x1]  }
0x3: {  	s3 =	rddreg [dreg:$0x2];
	s4 =	simm.s32 $0x0;
	s14 =	simm.s32 $0x2800  }
0x4: {  	s18 =	simm.s32 $0x80;
	s19 =	simm.s32 $0x5000;
	s20 =	simm.s32 $0x7000  }
0x5: {  	s21 =	simm.s32 $0x1;
	s22 =	simm.s32 $0x2;
	s23 =	simm.s32 $0x3  }
0x6: {  	s24 =	simm.s32 $0x4;
	s8 =	sand.u32 $0x1, s0;
	s0 =	stileid.u32  }
0x7: {  	s25 =	simm.s32 $0x0;
	[smem:$0x7FF] =	sst s4;
	s10 =	smul.u32 $0x9E00, s0  }
0x8: {  	s6 =	sadd.s32 $0x4EE00, s7;
	s1 =	sshll.u32 s8, $0x4;
	s11 =	smul.u32 $0x9E000, s8  }
0x9: {  	s8 =	ssub.s32 $0x2, s8;
	s15 =	sshll.u32 s0, $0x6;
	s5 =	sor.u32 s0, s1  }
0xa: {  	s1 =	rddreg [dreg:$0x3];
	_ =	strace $0x8000004D;
	s13 =	sshrl.u32 s8, $0x1  }
0xb: {  	s15 =	sor.u32 $0x1C05, s15;
	s9 =	smul.u32 $0x500, s5;
	s5 =	sadd.s32 $0x62800, s7  }
0xc: {  	s12 =	sshrl.u32 s10, $0x3;
	s11 =	sadd.s32 s10, s11;
	s13 =	ssub.s32 s8, s13  }
0xd: {  	s16 =	sadd.s32 s10, s2;
	s17 =	sadd.s32 s10, s3;
	s12 =	sadd.s32 s12, s7  }
0xe: {  	s11 =	sshrl.u32 s11, $0x3;
	s16 =	sshrl.u32 s16, $0x3;
	s9 =	sadd.s32 s9, s7  }
0xf: {  	s17 =	sshrl.u32 s17, $0x3;
	s11 =	sadd.s32 s11, s7;
	s7 =	sadd.s32 $0x44E00, s9  }
0x10: {  	s8 =	sadd.s32 $0x4E00, s9;
	s9 =	sadd.s32 $0x76200, s12;
	s10 =	sadd.s32 $0xB1600, s11  }
0x11: {  	s11 =	sadd.s32 $0x89E00, s11;
	s12 =	smax.u32 s13, $0x1;
	s13 =	simm.s32 $0x5  }
.LBB2_1:
0x12: {  	[tilespmem:s4], [sflag:$0x5] =	stream.linear.gather [hbm4b:s7+s4], $0x2800, $0x38;
	[tilespmem:$0x1CC00] =	vst v63  }
0x13: {  	_ =	swait.ge [sflag:s13], $0x2800  }
0x14: {  	[sflag:s13] =	ssyncset.done $0x0  }
0x15: {  	[sflag:s13] =	ssyncadd.s32 $0xFFFFD800  }
0x16: {  	[tilespmem:s14], [sflag:$0x5] =	stream.linear.gather [hbm4b:s8+s4], $0x2800, $0x38;
	[tilespmem:$0x1CC00] =	vst v63  }
0x17: {  	_ =	swait.ge [sflag:s13], $0x2800  }
0x18: {  	[sflag:s13] =	ssyncset.done $0x0  }
0x19: {  	[sflag:s13] =	ssyncadd.s32 $0xFFFFD800  }
0x1a: {  	[spmem:s16], [sflag:s15] =	dma.local [hbm:s9], $0x13C0  }
0x1b: {  	_ =	swait.ge [sflag:s13], $0x13C0  }
0x1c: {  	[sflag:s13] =	ssyncset.done $0x0  }
0x1d: {  	[sflag:s13] =	ssyncadd.s32 $0xFFFFEC40  }
0x1e: {  	[spmem:s17], [sflag:s15] =	dma.local [hbm:s9], $0x13C0  }
0x1f: {  	_ =	swait.ge [sflag:s13], $0x13C0  }
0x20: {  	[sflag:s13] =	ssyncset.done $0x0  }
0x21: {  	[sflag:s13] =	ssyncadd.s32 $0xFFFFEC40  }
0x22: {  	s26 =	simm.s32 $0x0;
	[bflag:$0x0] =	sbarrier.arrive $0xFFFF  }
0x23: {  	[tilespmem:s19], [sflag:$0x1] =	stream.indirect.gather [hbm4b:s5+s18], $0x40, s26, s18, $0xb8;
	[tilespmem:$0x1CC00] =	vst v63  }
0x24: {  	_ = 	snop  }
0x25: {  	[tilespmem:s20], [sflag:$0x2] =	stream.indirect.gather [hbm4b:s6+s18], $0x40, s26, s18, $0xb8;
	[tilespmem:$0x1CC00] =	vst v63  }
0x26: {  	_ =	swait.ge [sflag:s21], $0x2000  }
0x27: {  	[sflag:s21] =	ssyncset.done $0x0  }
0x28: {  	s31 =	simm.s32 $0x2800;
	[sflag:s21] =	ssyncadd.s32 $0xFFFFE000  }
0x29: {  	[spmem:s2] =	stream.indirect.scatter.add.f32 [tilespmem:s19], [sflag:$0x3], $0x40, s31, s18, $0xb8;
	[tilespmem:$0x1CC00] =	vst v63  }
0x2a: {  	_ =	swait.ge [sflag:s22], $0x2000  }
0x2b: {  	[sflag:s22] =	ssyncset.done $0x0  }
0x2c: {  	[sflag:s22] =	ssyncadd.s32 $0xFFFFE000  }
0x2d: {  	[spmem:s3] =	stream.indirect.scatter.add.f32 [tilespmem:s20], [sflag:$0x4], $0x40, s31, s18, $0xb8;
	[tilespmem:$0x1CC00] =	vst v63  }
0x2e: {  	_ =	swait.ge [sflag:s23], $0x2000  }
0x2f: {  	[sflag:s23] =	ssyncset.done $0x0  }
0x30: {  	[sflag:s23] =	ssyncadd.s32 $0xFFFFE000  }
0x31: {  	_ =	swait.ge [sflag:s24], $0x2000  }
0x32: {  	s28 =	simm.s32 $0x400;
	s26 =	simm.s32 $0x200;
	[sflag:s24] =	ssyncset.done $0x0  }
.LBB2_2:
0x33: {  	s29 =	sshra.s32 s26, $0x2  }
0x34: {  	[sflag:s24] =	ssyncadd.s32 $0xFFFFE000;
	s26 =	smov.u32 s28;
	s30 =	sadd.s32 $0x200, s28  }
0x35: {  	[tilespmem:s19], [sflag:$0x1] =	stream.indirect.gather [hbm4b:s5+s18], $0x40, s29, s18, $0xb8;
	[tilespmem:$0x1CC00] =	vst v63  }
0x36: {  	p0 =	sne.s32 s28, $0x9E00  }
0x37: {  	[tilespmem:s20], [sflag:$0x2] =	stream.indirect.gather [hbm4b:s6+s18], $0x40, s29, s18, $0xb8;
	[tilespmem:$0x1CC00] =	vst v63  }
0x38: {  	_ =	swait.ge [sflag:s21], $0x2000  }
0x39: {  	[sflag:s21] =	ssyncset.done $0x0  }
0x3a: {  	s28 =	sadd.s32 $0x2800, s29;
	[sflag:s21] =	ssyncadd.s32 $0xFFFFE000  }
0x3b: {  	[spmem:s2] =	stream.indirect.scatter.add.f32 [tilespmem:s19], [sflag:$0x3], $0x40, s28, s18, $0xb8;
	[tilespmem:$0x1CC00] =	vst v63  }
0x3c: {  	_ =	swait.ge [sflag:s22], $0x2000  }
0x3d: {  	[sflag:s22] =	ssyncset.done $0x0  }
0x3e: {  	[sflag:s22] =	ssyncadd.s32 $0xFFFFE000  }
0x3f: {  	[spmem:s3] =	stream.indirect.scatter.add.f32 [tilespmem:s20], [sflag:$0x4], $0x40, s28, s18, $0xb8;
	[tilespmem:$0x1CC00] =	vst v63  }
.Ltmp0:
0x40: {  	_ =	swait.ge [sflag:s23], $0x2000;
	(pc) =	sbr.rel @p0 .LBB2_2-.Ltmp0, $4  }
0x41: {  	[sflag:s23] =	ssyncset.done $0x0  }
0x42: {  	[sflag:s23] =	ssyncadd.s32 $0xFFFFE000  }
0x43: {  	_ =	swait.ge [sflag:s24], $0x2000  }
0x44: {  	s28 =	smov.u32 s30;
	[sflag:s24] =	ssyncset.done $0x0  }
0x45: {  	s26 =	sshra.s32 s26, $0x2;
	[sflag:s24] =	ssyncadd.s32 $0xFFFFE000  }
0x46: {  	[tilespmem:s19], [sflag:$0x1] =	stream.indirect.gather [hbm4b:s5+s18], $0x40, s26, s18, $0xb8;
	[tilespmem:$0x1CC00] =	vst v63  }
0x47: {  	_ = 	snop  }
0x48: {  	[tilespmem:s20], [sflag:$0x2] =	stream.indirect.gather [hbm4b:s6+s18], $0x40, s26, s18, $0xb8;
	[tilespmem:$0x1CC00] =	vst v63  }
0x49: {  	_ =	swait.ge [sflag:s21], $0x2000  }
0x4a: {  	[sflag:s21] =	ssyncset.done $0x0  }
0x4b: {  	s26 =	sadd.s32 $0x2800, s26;
	[sflag:s21] =	ssyncadd.s32 $0xFFFFE000  }
0x4c: {  	[spmem:s2] =	stream.indirect.scatter.add.f32 [tilespmem:s19], [sflag:$0x3], $0x40, s26, s18, $0xb8;
	[tilespmem:$0x1CC00] =	vst v63  }
0x4d: {  	_ =	swait.ge [sflag:s22], $0x2000  }
0x4e: {  	[sflag:s22] =	ssyncset.done $0x0  }
0x4f: {  	[sflag:s22] =	ssyncadd.s32 $0xFFFFE000  }
0x50: {  	[spmem:s3] =	stream.indirect.scatter.add.f32 [tilespmem:s20], [sflag:$0x4], $0x40, s26, s18, $0xb8;
	[tilespmem:$0x1CC00] =	vst v63  }
0x51: {  	_ =	swait.ge [sflag:s23], $0x2000  }
0x52: {  	[sflag:s23] =	ssyncset.done $0x0  }
0x53: {  	[sflag:s23] =	ssyncadd.s32 $0xFFFFE000  }
0x54: {  	_ =	swait.ge [sflag:s24], $0x2000  }
0x55: {  	[sflag:s24] =	ssyncset.done $0x0  }
0x56: {  	[sflag:s24] =	ssyncadd.s32 $0xFFFFE000  }
0x57: {  	[bflag:$0x0] =	sbarrier.arrive $0xFFFF  }
0x58: {  	[hbm:s10], [sflag:s15] =	dma.local [spmem:s16], $0x13C0  }
0x59: {  	s25 =	sadd.s32 $0x1, s25;
	_ =	swait.ge [sflag:s13], $0x13C0  }
0x5a: {  	p0 =	sne.s32 s25, s12;
	[sflag:s13] =	ssyncset.done $0x0  }
.Ltmp1:
0x5b: {  	[sflag:s13] =	ssyncadd.s32 $0xFFFFEC40;
	(pc) =	sbr.rel @p0 .LBB2_1-.Ltmp1, $4  }
0x5c: {  	[hbm:s11], [sflag:s15] =	dma.local [spmem:s17], $0x13C0  }
0x5d: {  	_ =	swait.ge [sflag:s13], $0x13C0  }
0x5e: {  	[sflag:s13] =	ssyncset.done $0x0  }
0x5f: {  	[sflag:s13] =	ssyncadd.s32 $0xFFFFEC40  }
0x60: {  	_ =	sfence.sel $0x180000  }
0x61: {  	[bflag:$0x0] =	sbarrier.arrive $0xFFFF  }
0x62: {  	p0 =	sne.s32 s0, $0x0;
	_ =	strace $0x9000004D  }
0x63: {  	s0 =	sadd.s32 @!p0 $0x100000, s1;
	[bflag:$0x2] =	sbarrier.arrive $0xFFFF  }
0x64: {  	[sflag:s0] =	ssyncadd.tile.s32 @!p0 $0x1;
	_ =	shalt  }
.Lfunc_end2:
_tile_overlayer_lowered:
.L_overlay_start_2:
0x65: {  	(tag) =	ssettag $0x2  }
0x66: {  	s0 =	rddreg [dreg:$0x0];
	s2 =	stileid.u32  }
0x67: {  	s1 =	rddreg [dreg:$0x1];
	p0 =	sne.s32 s2, $0x0  }
0x68: {  	s3 =	rddreg [dreg:$0x2];
	[bflag:$0x3] =	sbarrier.arrive $0xFFFF;
	s2 =	simm.s32 @!p0 $0x1C05  }
0x69: {  	[timem:s3], [sflag:s2] =	dma.local @!p0 [hbm:s0], s1  }
0x6a: {  	s0 =	simm.s32 @!p0 $0x5  }
0x6b: {  	_ =	swait.ge @!p0 [sflag:s0], s1  }
0x6c: {  	s1 =	ssub.s32 @!p0 $0x0, s1;
	[sflag:s0] =	ssyncset.done @!p0 $0x0  }
0x6d: {  	[sflag:s0] =	ssyncadd.s32 @!p0 s1  }
0x6e: {  	[bflag:$0x3] =	sbarrier.arrive $0xFFFF  }
0x6f: {  	_ =	shalt  }

// kernel: kernel.21.cloned.1.call-start
scs
__scs_entry_jumppad:
0x0: {  	(pc) =	sbr.rel $0x88, $3  }
0x1: {  	(tag) =	ssettag $0x0;
	lr =	simm.s32 $0x1  }
0x2: {  	[smem:$0x3F92] =	sst lr;
	_ =	strace $0xD0000000  }
0x3: {  	_ = 	snop  }
0x4: {  	_ = 	snop  }
0x5: {  	_ = 	snop  }
0x6: {  	_ = 	snop  }
0x7: {  	_ = 	snop  }
__scs_overlays_trampoline_lowered:
0x8: {  	[smem:$0x3FA1] =	sst s0  }
0x9: {  	[smem:$0x3FA2] =	sst s1  }
0xa: {  	[smem:$0x3FA3] =	sst s2  }
0xb: {  	[smem:$0x3FA4] =	sst s3  }
0xc: {  	[smem:$0x3FA5] =	sst s4  }
0xd: {  	[smem:$0x3FA6] =	sst s5  }
0xe: {  	[smem:$0x3FA7] =	sst s6  }
0xf: {  	[smem:$0x3FA8] =	sst s7  }
0x10: {  	[smem:$0x3FA9] =	sst s8  }
0x11: {  	[smem:$0x3FAA] =	sst s9;
	s0 =	simm.s32 @!p0 $0x0  }
0x12: {  	s1 =	sld [smem:$0x3F90];
	s0 =	simm.s32 @p0 $0x1  }
0x13: {  	[smem:$0x3FAB] =	sst s0;
	s0 =	simm.s32 @!p1 $0x0  }
0x14: {  	s2 =	sld [smem:$0x3F8F];
	s0 =	simm.s32 @p1 $0x1  }
0x15: {  	[smem:$0x3FAC] =	sst s0;
	s0 =	simm.s32 @!p2 $0x0  }
0x16: {  	s3 =	sld [smem:$0x3FDB];
	s0 =	simm.s32 @p2 $0x1  }
0x17: {  	s4 =	simm.s32 $0x1BF5;
	[smem:$0x3FAE] =	sst s0  }
0x18: {  	s0 =	sld [smem:$0x3F91];
	_ =	swait.ge [sflag:s4], $0x0  }
0x19: {  	s7 =	sld [smem:$0x3F92]  }
0x1a: {  	s8 =	sadd.s32 $0xFFFFE003, lr  }
0x1b: {  	s9 =	sadd.s32 $0xFFFFFEF7, lr;
	s5 =	simm.s32 $0xFFFFFFFF;
	p2 =	slt.u32 s8, $0xFFFFF086  }
0x1c: {  	p1 =	slt.u32 s9, $0xF7A;
	s5 =	simm.s32 @!p2 $0x0  }
0x1d: {  	s5 =	simm.s32 @p1 $0x1;
	p0 =	seq.s32 s7, s2  }
0x1e: {  	s7 =	smul.u32 @!p0 $0xF7A, s2;
	p2 =	seq.s32 @!p0 s5, $0x0  }
0x1f: {  	s9 =	smul.u32 $0xF7A, s1;
	s8 =	simm.s32 @!p0 $0x1BF5;
	p2 =	por !p2, p0  }
0x20: {  	[sflag:s8] =	ssyncset.s32 @!p0 $0xFFFFF086;
	s6 =	sadd.s32 @!p0 s3, s7;
	s7 =	simm.s32 @!p0 $0x108  }
0x21: {  	s3 =	sadd.s32 s3, s9;
	s6 =	sadd.s32 @!p0 $0x88, s6;
	s7 =	simm.s32 @p2 $0x1082  }
0x22: {  	[simem:s7], [sflag:s8] =	dma.local @!p0 [hbm:s6], $0xF7A  }
0x23: {  	s9 =	sor.u32 $0xD0000000, s2;
	s6 =	simm.s32 $0x108;
	_ =	swait.ge @!p0 [sflag:s8], $0x0  }
0x24: {  	s3 =	sadd.s32 $0x88, s3;
	s6 =	simm.s32 @!p1 $0x1082;
	[sflag:s4] =	ssyncset.s32 $0xFFFFF086  }
0x25: {  	[simem:s6], [sflag:s4] =	dma.local [hbm:s3], $0xF7A  }
0x26: {  	[smem:$0x3F92] =	sst s1;
	(tag) =	ssettag s2;
	_ =	strace s9  }
0x27: {  	s1 =	sld [smem:$0x3FA2]  }
0x28: {  	s2 =	sld [smem:$0x3FA3]  }
0x29: {  	s4 =	sld [smem:$0x3FA5]  }
0x2a: {  	p0 =	seq.s32 s5, $0x0;
	s5 =	sld [smem:$0x3FA6]  }
0x2b: {  	s6 =	sld [smem:$0x3FA7]  }
0x2c: {  	s7 =	sld [smem:$0x3FA8]  }
0x2d: {  	s3 =	simm.s32 $0x108;
	s8 =	sld [smem:$0x3FA9]  }
0x2e: {  	s3 =	simm.s32 @!p0 $0x1082;
	s9 =	sld [smem:$0x3FAA]  }
0x2f: {  	lr =	sadd.s32 s0, s3;
	s0 =	sld [smem:$0x3FA1]  }
0x30: {  	s3 =	sld [smem:$0x3FA4]  }
0x31: {  	[smem:$0x3FAD] =	sst s10  }
0x32: {  	s10 =	sld [smem:$0x3FAB];
	_ =	sdelay $0x3  }
0x33: {  	p0 =	seq.s32 s10, $0x1;
	s10 =	sld [smem:$0x3FAD];
	_ =	sdelay $0x3  }
0x34: {  	[smem:$0x3FAD] =	sst s10  }
0x35: {  	s10 =	sld [smem:$0x3FAC];
	_ =	sdelay $0x3  }
0x36: {  	p1 =	seq.s32 s10, $0x1;
	s10 =	sld [smem:$0x3FAD];
	_ =	sdelay $0x3  }
0x37: {  	[smem:$0x3FAD] =	sst s10  }
0x38: {  	s10 =	sld [smem:$0x3FAE]  }
0x39: {  	_ = 	snop;
	(pc) =	sbr.ind lr, $3  }
0x3a: {  	_ = 	snop  }
0x3b: {  	_ = 	snop  }
0x3c: {  	p2 =	seq.s32 s10, $0x1;
	s10 =	sld [smem:$0x3FAD]  }
0x3d: {  	_ =	shalt  }
0x3e: {  	_ =	shalt  }
0x3f: {  	_ =	shalt  }
0x40: {  	_ =	shalt  }
0x41: {  	_ =	shalt  }
0x42: {  	_ =	shalt  }
0x43: {  	_ =	shalt  }
0x44: {  	_ =	shalt  }
0x45: {  	_ =	shalt  }
0x46: {  	_ =	shalt  }
0x47: {  	_ =	shalt  }
0x48: {  	_ =	shalt  }
0x49: {  	_ =	shalt  }
0x4a: {  	_ =	shalt  }
0x4b: {  	_ =	shalt  }
0x4c: {  	_ =	shalt  }
0x4d: {  	_ =	shalt  }
0x4e: {  	_ =	shalt  }
0x4f: {  	_ =	shalt  }
0x50: {  	_ =	shalt  }
0x51: {  	_ =	shalt  }
0x52: {  	_ =	shalt  }
0x53: {  	_ =	shalt  }
0x54: {  	_ =	shalt  }
0x55: {  	_ =	shalt  }
0x56: {  	_ =	shalt  }
0x57: {  	_ =	shalt  }
0x58: {  	_ =	shalt  }
0x59: {  	_ =	shalt  }
0x5a: {  	_ =	shalt  }
0x5b: {  	_ =	shalt  }
0x5c: {  	_ =	shalt  }
0x5d: {  	_ =	shalt  }
0x5e: {  	_ =	shalt  }
0x5f: {  	_ =	shalt  }
0x60: {  	_ =	shalt  }
0x61: {  	_ =	shalt  }
0x62: {  	_ =	shalt  }
0x63: {  	_ =	shalt  }
0x64: {  	_ =	shalt  }
0x65: {  	_ =	shalt  }
0x66: {  	_ =	shalt  }
0x67: {  	_ =	shalt  }
0x68: {  	_ =	shalt  }
0x69: {  	_ =	shalt  }
0x6a: {  	_ =	shalt  }
0x6b: {  	_ =	shalt  }
0x6c: {  	_ =	shalt  }
0x6d: {  	_ =	shalt  }
0x6e: {  	_ =	shalt  }
0x6f: {  	_ =	shalt  }
0x70: {  	_ =	shalt  }
0x71: {  	_ =	shalt  }
0x72: {  	_ =	shalt  }
0x73: {  	_ =	shalt  }
0x74: {  	_ =	shalt  }
0x75: {  	_ =	shalt  }
0x76: {  	_ =	shalt  }
0x77: {  	_ =	shalt  }
0x78: {  	_ =	shalt  }
0x79: {  	_ =	shalt  }
0x7a: {  	_ =	shalt  }
0x7b: {  	_ =	shalt  }
0x7c: {  	_ =	shalt  }
0x7d: {  	_ =	shalt  }
0x7e: {  	_ =	shalt  }
0x7f: {  	_ =	shalt  }
0x80: {  	_ =	shalt  }
0x81: {  	_ =	shalt  }
0x82: {  	_ =	shalt  }
0x83: {  	_ =	shalt  }
0x84: {  	_ =	shalt  }
0x85: {  	_ =	shalt  }
0x86: {  	_ =	shalt  }
0x87: {  	_ =	shalt  }
.Lfunc_end0:
.L_simem_size_0:
called_computation.3_lowered:
.L_overlay_start_0:
0x88: {  	s2 =	sld [smem:$0x3FD9]  }
0x89: {  	s3 =	sld [smem:$0x3FFE];
	_ =	sdelay $0x1  }
0x8a: {  	s1 =	srdreg.scid  }
0x8b: {  	s0 =	sand.u32 $0x1, s1  }
0x8c: {  	s16 =	sshll.u32 s0, $0xA;
	s2 =	sadd.s32 s3, s2  }
0x8d: {  	s2 =	sadd.s32 s2, s16  }
0x8e: {  	[smem:$0x3FB9] =	sst s2  }
0x8f: {  	_ = 	snop  }
0x90: {  	(tm) =	ssettm $0x1  }
0x91: {  	s17 =	sld [smem:$0x3FFB];
	_ =	sdelay $0x3  }
0x92: {  	_ =	strace s17  }
0x93: {  	s2 =	sld [smem:$0x3FFC];
	_ =	sdelay $0x3  }
0x94: {  	_ =	strace s2  }
0x95: {  	s2 =	sld [smem:$0x3FFD];
	_ =	sdelay $0x3  }
0x96: {  	_ =	strace s2  }
0x97: {  	_ =	strace $0x8FFFFFFF  }
0x98: {  	s18 =	sld [smem:$0x3FDB];
	_ =	sdelay $0x1  }
0x99: {  	s19 =	simm.s32 $_scs_section_size  }
0x9a: {  	s4 =	simm.s32 $_size__tile_overlayer_lowered;
	s5 =	simm.s32 $_tile_overlayer_lowered  }
0x9b: {  	s22 =	simm.s32 $0x1BFF;
	s21 =	sshll.u32 s5, $0x1;
	s2 =	sadd.s32 s19, s18  }
0x9c: {  	s6 =	simm.s32 $0x0;
	s20 =	sshll.u32 s4, $0x1;
	s4 =	sadd.s32 s21, s2  }
0x9d: {  	[timem:s6], [sflag:s22] =	dma.local [hbm:s4], s20  }
0x9e: {  	_ =	swait.ge [sflag:s22], s20  }
0x9f: {  	s3 =	ssub.s32 $0x0, s20;
	[sflag:s22] =	ssyncset.done $0x0  }
0xa0: {  	[sflag:s22] =	ssyncadd.s32 s3;
	_ =	sdelay $0x1  }
0xa1: {  	s23 =	simm.s32 $0x1B8B  }
0xa2: {  	_ =	swait.ge [sflag:s23], $0x1  }
0xa3: {  	[sflag:s23] =	ssyncset.done $0x0  }
0xa4: {  	s25 =	simm.s32 $0x1B8E;
	s24 =	sld [smem:$0x3FFE];
	[sflag:s23] =	ssyncadd.s32 $0xFFFFFFFF  }
0xa5: {  	s26 =	simm.s32 $execute0_lowered;
	[smem:$0x3FD2] =	sst s25  }
0xa6: {  	s4 =	sshll.u32 s26, $0x1;
	_ =	strace $0x8000004F;
	[dreg:$0x1] =	wrdreg $0xFFFFFFFF  }
0xa7: {  	s28 =	simm.s32 $_size_execute0_lowered;
	s2 =	sadd.s32 s2, s4;
	[dreg:$0x0] =	wrdreg $0x0  }
0xa8: {  	s4 =	sshll.u32 s28, $0x1;
	[dreg:$0x2] =	wrdreg s2  }
0xa9: {  	[dreg:$0x3] =	wrdreg s4  }
0xaa: {  	[dreg:$0x4] =	wrdreg $0xC0  }
0xab: {  	_ =	task [dreg:s6], $0x5FFFF  }
0xac: {  	[dreg:$0x1] =	wrdreg $0xFFFFFFFF  }
0xad: {  	[dreg:$0x0] =	wrdreg $0x60  }
0xae: {  	[dreg:$0x2] =	wrdreg s24  }
0xaf: {  	[dreg:$0x3] =	wrdreg $0x90000  }
0xb0: {  	[dreg:$0x4] =	wrdreg $0x12E000  }
0xb1: {  	[dreg:$0x5] =	wrdreg $0x9  }
0xb2: {  	_ =	task.clear_ibuf [dreg:s6], $0x6FFFF;
	_ =	strace $0x9000004F  }
0xb3: {  	s29 =	simm.s32 $0x9;
	_ =	strace $0x80000051  }
0xb4: {  	_ =	swait.ge [sflag:s29], $0x1  }
0xb5: {  	[sflag:s29] =	ssyncadd.s32 $0xFFFFFFFF  }
0xb6: {  	_ =	strace $0x90000051  }
0xb7: {  	_ =	sfence  }
0xb8: {  	s30 =	sld [smem:$0x0];
	_ =	sdelay $0x2  }
0xb9: {  	s31 =	sshll.u32 s1, $0xD;
	s1 =	sshrl.u32 s1, $0x2  }
0xba: {  	s3 =	sand.u32 $0x4000, s31;
	s1 =	sadd.s32 s1, s30  }
0xbb: {  	s0 =	sor.u32 s3, s0;
	s1 =	sshll.u32 s1, $0x11  }
0xbc: {  	s0 =	sor.u32 s1, s0  }
0xbd: {  	s0 =	sadd.s32 $0x8F2B, s0  }
0xbe: {  	[sflag:s0] =	ssyncadd.remote.s32 $0x1  }
0xbf: {  	_ =	sfence.sel $0xFFFF  }
0xc0: {  	[dreg:$0x0] =	wrdreg $0xFFFFFFFF;
	(pc) =	sbr.abs _section_cstart, $3  }
0xc1: {  	[dreg:$0x1] =	wrdreg $0xFFFFFFFF  }
0xc2: {  	_ =	task.clear_ibuf [dreg:s6], $0x2FFFF;
	_ =	strace $0x9FFFFFFF  }
0xc3: {  	(tm) =	ssettm $0x7FFFFFFF  }
tec
execute0_lowered:
.L_overlay_start_1:
0x0: {  	(tag) =	ssettag $0x1  }
0x1: {  	s7 =	rddreg [dreg:$0x0]  }
0x2: {  	s0 =	srdreg.scid;
	s2 =	rddreg [dreg:$0x1]  }
0x3: {  	s3 =	rddreg [dreg:$0x2];
	s4 =	simm.s32 $0x0;
	s14 =	simm.s32 $0x2800  }
0x4: {  	s18 =	simm.s32 $0x80;
	s19 =	simm.s32 $0x5000;
	s20 =	simm.s32 $0x7000  }
0x5: {  	s21 =	simm.s32 $0x1;
	s22 =	simm.s32 $0x2;
	s23 =	simm.s32 $0x3  }
0x6: {  	s24 =	simm.s32 $0x4;
	s8 =	sand.u32 $0x1, s0;
	s0 =	stileid.u32  }
0x7: {  	s25 =	simm.s32 $0x0;
	[smem:$0x7FF] =	sst s4;
	s10 =	smul.u32 $0x9E00, s0  }
0x8: {  	s6 =	sadd.s32 $0x4EE00, s7;
	s1 =	sshll.u32 s8, $0x4;
	s11 =	smul.u32 $0x9E000, s8  }
0x9: {  	s8 =	ssub.s32 $0x2, s8;
	s15 =	sshll.u32 s0, $0x6;
	s5 =	sor.u32 s0, s1  }
0xa: {  	s1 =	rddreg [dreg:$0x3];
	_ =	strace $0x80000050;
	s13 =	sshrl.u32 s8, $0x1  }
0xb: {  	s15 =	sor.u32 $0x1C05, s15;
	s9 =	smul.u32 $0x500, s5;
	s5 =	sadd.s32 $0x62800, s7  }
0xc: {  	s12 =	sshrl.u32 s10, $0x3;
	s11 =	sadd.s32 s10, s11;
	s13 =	ssub.s32 s8, s13  }
0xd: {  	s16 =	sadd.s32 s10, s2;
	s17 =	sadd.s32 s10, s3;
	s12 =	sadd.s32 s12, s7  }
0xe: {  	s11 =	sshrl.u32 s11, $0x3;
	s16 =	sshrl.u32 s16, $0x3;
	s9 =	sadd.s32 s9, s7  }
0xf: {  	s17 =	sshrl.u32 s17, $0x3;
	s11 =	sadd.s32 s11, s7;
	s7 =	sadd.s32 $0x44E00, s9  }
0x10: {  	s8 =	sadd.s32 $0x4E00, s9;
	s9 =	sadd.s32 $0x76200, s12;
	s10 =	sadd.s32 $0xB1600, s11  }
0x11: {  	s11 =	sadd.s32 $0x89E00, s11;
	s12 =	smax.u32 s13, $0x1;
	s13 =	simm.s32 $0x5  }
.LBB2_1:
0x12: {  	[tilespmem:s4], [sflag:$0x5] =	stream.linear.gather [hbm4b:s7+s4], $0x2800, $0x38;
	[tilespmem:$0x1CC00] =	vst v63  }
0x13: {  	_ =	swait.ge [sflag:s13], $0x2800  }
0x14: {  	[sflag:s13] =	ssyncset.done $0x0  }
0x15: {  	[sflag:s13] =	ssyncadd.s32 $0xFFFFD800  }
0x16: {  	[tilespmem:s14], [sflag:$0x5] =	stream.linear.gather [hbm4b:s8+s4], $0x2800, $0x38;
	[tilespmem:$0x1CC00] =	vst v63  }
0x17: {  	_ =	swait.ge [sflag:s13], $0x2800  }
0x18: {  	[sflag:s13] =	ssyncset.done $0x0  }
0x19: {  	[sflag:s13] =	ssyncadd.s32 $0xFFFFD800  }
0x1a: {  	[spmem:s16], [sflag:s15] =	dma.local [hbm:s9], $0x13C0  }
0x1b: {  	_ =	swait.ge [sflag:s13], $0x13C0  }
0x1c: {  	[sflag:s13] =	ssyncset.done $0x0  }
0x1d: {  	[sflag:s13] =	ssyncadd.s32 $0xFFFFEC40  }
0x1e: {  	[spmem:s17], [sflag:s15] =	dma.local [hbm:s9], $0x13C0  }
0x1f: {  	_ =	swait.ge [sflag:s13], $0x13C0  }
0x20: {  	[sflag:s13] =	ssyncset.done $0x0  }
0x21: {  	[sflag:s13] =	ssyncadd.s32 $0xFFFFEC40  }
0x22: {  	s26 =	simm.s32 $0x0;
	[bflag:$0x0] =	sbarrier.arrive $0xFFFF  }
0x23: {  	[tilespmem:s19], [sflag:$0x1] =	stream.indirect.gather [hbm4b:s5+s18], $0x40, s26, s18, $0xb8;
	[tilespmem:$0x1CC00] =	vst v63  }
0x24: {  	_ = 	snop  }
0x25: {  	[tilespmem:s20], [sflag:$0x2] =	stream.indirect.gather [hbm4b:s6+s18], $0x40, s26, s18, $0xb8;
	[tilespmem:$0x1CC00] =	vst v63  }
0x26: {  	_ =	swait.ge [sflag:s21], $0x2000  }
0x27: {  	[sflag:s21] =	ssyncset.done $0x0  }
0x28: {  	s31 =	simm.s32 $0x2800;
	[sflag:s21] =	ssyncadd.s32 $0xFFFFE000  }
0x29: {  	[spmem:s2] =	stream.indirect.scatter.add.f32 [tilespmem:s19], [sflag:$0x3], $0x40, s31, s18, $0xb8;
	[tilespmem:$0x1CC00] =	vst v63  }
0x2a: {  	_ =	swait.ge [sflag:s22], $0x2000  }
0x2b: {  	[sflag:s22] =	ssyncset.done $0x0  }
0x2c: {  	[sflag:s22] =	ssyncadd.s32 $0xFFFFE000  }
0x2d: {  	[spmem:s3] =	stream.indirect.scatter.add.f32 [tilespmem:s20], [sflag:$0x4], $0x40, s31, s18, $0xb8;
	[tilespmem:$0x1CC00] =	vst v63  }
0x2e: {  	_ =	swait.ge [sflag:s23], $0x2000  }
0x2f: {  	[sflag:s23] =	ssyncset.done $0x0  }
0x30: {  	[sflag:s23] =	ssyncadd.s32 $0xFFFFE000  }
0x31: {  	_ =	swait.ge [sflag:s24], $0x2000  }
0x32: {  	s28 =	simm.s32 $0x400;
	s26 =	simm.s32 $0x200;
	[sflag:s24] =	ssyncset.done $0x0  }
.LBB2_2:
0x33: {  	s29 =	sshra.s32 s26, $0x2  }
0x34: {  	[sflag:s24] =	ssyncadd.s32 $0xFFFFE000;
	s26 =	smov.u32 s28;
	s30 =	sadd.s32 $0x200, s28  }
0x35: {  	[tilespmem:s19], [sflag:$0x1] =	stream.indirect.gather [hbm4b:s5+s18], $0x40, s29, s18, $0xb8;
	[tilespmem:$0x1CC00] =	vst v63  }
0x36: {  	p0 =	sne.s32 s28, $0x9E00  }
0x37: {  	[tilespmem:s20], [sflag:$0x2] =	stream.indirect.gather [hbm4b:s6+s18], $0x40, s29, s18, $0xb8;
	[tilespmem:$0x1CC00] =	vst v63  }
0x38: {  	_ =	swait.ge [sflag:s21], $0x2000  }
0x39: {  	[sflag:s21] =	ssyncset.done $0x0  }
0x3a: {  	s28 =	sadd.s32 $0x2800, s29;
	[sflag:s21] =	ssyncadd.s32 $0xFFFFE000  }
0x3b: {  	[spmem:s2] =	stream.indirect.scatter.add.f32 [tilespmem:s19], [sflag:$0x3], $0x40, s28, s18, $0xb8;
	[tilespmem:$0x1CC00] =	vst v63  }
0x3c: {  	_ =	swait.ge [sflag:s22], $0x2000  }
0x3d: {  	[sflag:s22] =	ssyncset.done $0x0  }
0x3e: {  	[sflag:s22] =	ssyncadd.s32 $0xFFFFE000  }
0x3f: {  	[spmem:s3] =	stream.indirect.scatter.add.f32 [tilespmem:s20], [sflag:$0x4], $0x40, s28, s18, $0xb8;
	[tilespmem:$0x1CC00] =	vst v63  }
.Ltmp0:
0x40: {  	_ =	swait.ge [sflag:s23], $0x2000;
	(pc) =	sbr.rel @p0 .LBB2_2-.Ltmp0, $4  }
0x41: {  	[sflag:s23] =	ssyncset.done $0x0  }
0x42: {  	[sflag:s23] =	ssyncadd.s32 $0xFFFFE000  }
0x43: {  	_ =	swait.ge [sflag:s24], $0x2000  }
0x44: {  	s28 =	smov.u32 s30;
	[sflag:s24] =	ssyncset.done $0x0  }
0x45: {  	s26 =	sshra.s32 s26, $0x2;
	[sflag:s24] =	ssyncadd.s32 $0xFFFFE000  }
0x46: {  	[tilespmem:s19], [sflag:$0x1] =	stream.indirect.gather [hbm4b:s5+s18], $0x40, s26, s18, $0xb8;
	[tilespmem:$0x1CC00] =	vst v63  }
0x47: {  	_ = 	snop  }
0x48: {  	[tilespmem:s20], [sflag:$0x2] =	stream.indirect.gather [hbm4b:s6+s18], $0x40, s26, s18, $0xb8;
	[tilespmem:$0x1CC00] =	vst v63  }
0x49: {  	_ =	swait.ge [sflag:s21], $0x2000  }
0x4a: {  	[sflag:s21] =	ssyncset.done $0x0  }
0x4b: {  	s26 =	sadd.s32 $0x2800, s26;
	[sflag:s21] =	ssyncadd.s32 $0xFFFFE000  }
0x4c: {  	[spmem:s2] =	stream.indirect.scatter.add.f32 [tilespmem:s19], [sflag:$0x3], $0x40, s26, s18, $0xb8;
	[tilespmem:$0x1CC00] =	vst v63  }
0x4d: {  	_ =	swait.ge [sflag:s22], $0x2000  }
0x4e: {  	[sflag:s22] =	ssyncset.done $0x0  }
0x4f: {  	[sflag:s22] =	ssyncadd.s32 $0xFFFFE000  }
0x50: {  	[spmem:s3] =	stream.indirect.scatter.add.f32 [tilespmem:s20], [sflag:$0x4], $0x40, s26, s18, $0xb8;
	[tilespmem:$0x1CC00] =	vst v63  }
0x51: {  	_ =	swait.ge [sflag:s23], $0x2000  }
0x52: {  	[sflag:s23] =	ssyncset.done $0x0  }
0x53: {  	[sflag:s23] =	ssyncadd.s32 $0xFFFFE000  }
0x54: {  	_ =	swait.ge [sflag:s24], $0x2000  }
0x55: {  	[sflag:s24] =	ssyncset.done $0x0  }
0x56: {  	[sflag:s24] =	ssyncadd.s32 $0xFFFFE000  }
0x57: {  	[bflag:$0x0] =	sbarrier.arrive $0xFFFF  }
0x58: {  	[hbm:s10], [sflag:s15] =	dma.local [spmem:s16], $0x13C0  }
0x59: {  	s25 =	sadd.s32 $0x1, s25;
	_ =	swait.ge [sflag:s13], $0x13C0  }
0x5a: {  	p0 =	sne.s32 s25, s12;
	[sflag:s13] =	ssyncset.done $0x0  }
.Ltmp1:
0x5b: {  	[sflag:s13] =	ssyncadd.s32 $0xFFFFEC40;
	(pc) =	sbr.rel @p0 .LBB2_1-.Ltmp1, $4  }
0x5c: {  	[hbm:s11], [sflag:s15] =	dma.local [spmem:s17], $0x13C0  }
0x5d: {  	_ =	swait.ge [sflag:s13], $0x13C0  }
0x5e: {  	[sflag:s13] =	ssyncset.done $0x0  }
0x5f: {  	[sflag:s13] =	ssyncadd.s32 $0xFFFFEC40  }
0x60: {  	_ =	sfence.sel $0x180000  }
0x61: {  	[bflag:$0x0] =	sbarrier.arrive $0xFFFF  }
0x62: {  	p0 =	sne.s32 s0, $0x0;
	_ =	strace $0x90000050  }
0x63: {  	s0 =	sadd.s32 @!p0 $0x100000, s1;
	[bflag:$0x2] =	sbarrier.arrive $0xFFFF  }
0x64: {  	[sflag:s0] =	ssyncadd.tile.s32 @!p0 $0x1;
	_ =	shalt  }
.Lfunc_end2:
_tile_overlayer_lowered:
.L_overlay_start_2:
0x65: {  	(tag) =	ssettag $0x2  }
0x66: {  	s0 =	rddreg [dreg:$0x0];
	s2 =	stileid.u32  }
0x67: {  	s1 =	rddreg [dreg:$0x1];
	p0 =	sne.s32 s2, $0x0  }
0x68: {  	s3 =	rddreg [dreg:$0x2];
	[bflag:$0x3] =	sbarrier.arrive $0xFFFF;
	s2 =	simm.s32 @!p0 $0x1C05  }
0x69: {  	[timem:s3], [sflag:s2] =	dma.local @!p0 [hbm:s0], s1  }
0x6a: {  	s0 =	simm.s32 @!p0 $0x5  }
0x6b: {  	_ =	swait.ge @!p0 [sflag:s0], s1  }
0x6c: {  	s1 =	ssub.s32 @!p0 $0x0, s1;
	[sflag:s0] =	ssyncset.done @!p0 $0x0  }
0x6d: {  	[sflag:s0] =	ssyncadd.s32 @!p0 s1  }
0x6e: {  	[bflag:$0x3] =	sbarrier.arrive $0xFFFF  }
0x6f: {  	_ =	shalt  }

// kernel: kernel.24.cloned.1.call-start
scs
__scs_entry_jumppad:
0x0: {  	(pc) =	sbr.rel $0x88, $3  }
0x1: {  	(tag) =	ssettag $0x0;
	lr =	simm.s32 $0x1  }
0x2: {  	[smem:$0x3F92] =	sst lr;
	_ =	strace $0xD0000000  }
0x3: {  	_ = 	snop  }
0x4: {  	_ = 	snop  }
0x5: {  	_ = 	snop  }
0x6: {  	_ = 	snop  }
0x7: {  	_ = 	snop  }
__scs_overlays_trampoline_lowered:
0x8: {  	[smem:$0x3FA1] =	sst s0  }
0x9: {  	[smem:$0x3FA2] =	sst s1  }
0xa: {  	[smem:$0x3FA3] =	sst s2  }
0xb: {  	[smem:$0x3FA4] =	sst s3  }
0xc: {  	[smem:$0x3FA5] =	sst s4  }
0xd: {  	[smem:$0x3FA6] =	sst s5  }
0xe: {  	[smem:$0x3FA7] =	sst s6  }
0xf: {  	[smem:$0x3FA8] =	sst s7  }
0x10: {  	[smem:$0x3FA9] =	sst s8  }
0x11: {  	[smem:$0x3FAA] =	sst s9;
	s0 =	simm.s32 @!p0 $0x0  }
0x12: {  	s1 =	sld [smem:$0x3F90];
	s0 =	simm.s32 @p0 $0x1  }
0x13: {  	[smem:$0x3FAB] =	sst s0;
	s0 =	simm.s32 @!p1 $0x0  }
0x14: {  	s2 =	sld [smem:$0x3F8F];
	s0 =	simm.s32 @p1 $0x1  }
0x15: {  	[smem:$0x3FAC] =	sst s0;
	s0 =	simm.s32 @!p2 $0x0  }
0x16: {  	s3 =	sld [smem:$0x3FDB];
	s0 =	simm.s32 @p2 $0x1  }
0x17: {  	s4 =	simm.s32 $0x1BF5;
	[smem:$0x3FAE] =	sst s0  }
0x18: {  	s0 =	sld [smem:$0x3F91];
	_ =	swait.ge [sflag:s4], $0x0  }
0x19: {  	s7 =	sld [smem:$0x3F92]  }
0x1a: {  	s8 =	sadd.s32 $0xFFFFE003, lr  }
0x1b: {  	s9 =	sadd.s32 $0xFFFFFEF7, lr;
	s5 =	simm.s32 $0xFFFFFFFF;
	p2 =	slt.u32 s8, $0xFFFFF086  }
0x1c: {  	p1 =	slt.u32 s9, $0xF7A;
	s5 =	simm.s32 @!p2 $0x0  }
0x1d: {  	s5 =	simm.s32 @p1 $0x1;
	p0 =	seq.s32 s7, s2  }
0x1e: {  	s7 =	smul.u32 @!p0 $0xF7A, s2;
	p2 =	seq.s32 @!p0 s5, $0x0  }
0x1f: {  	s9 =	smul.u32 $0xF7A, s1;
	s8 =	simm.s32 @!p0 $0x1BF5;
	p2 =	por !p2, p0  }
0x20: {  	[sflag:s8] =	ssyncset.s32 @!p0 $0xFFFFF086;
	s6 =	sadd.s32 @!p0 s3, s7;
	s7 =	simm.s32 @!p0 $0x108  }
0x21: {  	s3 =	sadd.s32 s3, s9;
	s6 =	sadd.s32 @!p0 $0x88, s6;
	s7 =	simm.s32 @p2 $0x1082  }
0x22: {  	[simem:s7], [sflag:s8] =	dma.local @!p0 [hbm:s6], $0xF7A  }
0x23: {  	s9 =	sor.u32 $0xD0000000, s2;
	s6 =	simm.s32 $0x108;
	_ =	swait.ge @!p0 [sflag:s8], $0x0  }
0x24: {  	s3 =	sadd.s32 $0x88, s3;
	s6 =	simm.s32 @!p1 $0x1082;
	[sflag:s4] =	ssyncset.s32 $0xFFFFF086  }
0x25: {  	[simem:s6], [sflag:s4] =	dma.local [hbm:s3], $0xF7A  }
0x26: {  	[smem:$0x3F92] =	sst s1;
	(tag) =	ssettag s2;
	_ =	strace s9  }
0x27: {  	s1 =	sld [smem:$0x3FA2]  }
0x28: {  	s2 =	sld [smem:$0x3FA3]  }
0x29: {  	s4 =	sld [smem:$0x3FA5]  }
0x2a: {  	p0 =	seq.s32 s5, $0x0;
	s5 =	sld [smem:$0x3FA6]  }
0x2b: {  	s6 =	sld [smem:$0x3FA7]  }
0x2c: {  	s7 =	sld [smem:$0x3FA8]  }
0x2d: {  	s3 =	simm.s32 $0x108;
	s8 =	sld [smem:$0x3FA9]  }
0x2e: {  	s3 =	simm.s32 @!p0 $0x1082;
	s9 =	sld [smem:$0x3FAA]  }
0x2f: {  	lr =	sadd.s32 s0, s3;
	s0 =	sld [smem:$0x3FA1]  }
0x30: {  	s3 =	sld [smem:$0x3FA4]  }
0x31: {  	[smem:$0x3FAD] =	sst s10  }
0x32: {  	s10 =	sld [smem:$0x3FAB];
	_ =	sdelay $0x3  }
0x33: {  	p0 =	seq.s32 s10, $0x1;
	s10 =	sld [smem:$0x3FAD];
	_ =	sdelay $0x3  }
0x34: {  	[smem:$0x3FAD] =	sst s10  }
0x35: {  	s10 =	sld [smem:$0x3FAC];
	_ =	sdelay $0x3  }
0x36: {  	p1 =	seq.s32 s10, $0x1;
	s10 =	sld [smem:$0x3FAD];
	_ =	sdelay $0x3  }
0x37: {  	[smem:$0x3FAD] =	sst s10  }
0x38: {  	s10 =	sld [smem:$0x3FAE]  }
0x39: {  	_ = 	snop;
	(pc) =	sbr.ind lr, $3  }
0x3a: {  	_ = 	snop  }
0x3b: {  	_ = 	snop  }
0x3c: {  	p2 =	seq.s32 s10, $0x1;
	s10 =	sld [smem:$0x3FAD]  }
0x3d: {  	_ =	shalt  }
0x3e: {  	_ =	shalt  }
0x3f: {  	_ =	shalt  }
0x40: {  	_ =	shalt  }
0x41: {  	_ =	shalt  }
0x42: {  	_ =	shalt  }
0x43: {  	_ =	shalt  }
0x44: {  	_ =	shalt  }
0x45: {  	_ =	shalt  }
0x46: {  	_ =	shalt  }
0x47: {  	_ =	shalt  }
0x48: {  	_ =	shalt  }
0x49: {  	_ =	shalt  }
0x4a: {  	_ =	shalt  }
0x4b: {  	_ =	shalt  }
0x4c: {  	_ =	shalt  }
0x4d: {  	_ =	shalt  }
0x4e: {  	_ =	shalt  }
0x4f: {  	_ =	shalt  }
0x50: {  	_ =	shalt  }
0x51: {  	_ =	shalt  }
0x52: {  	_ =	shalt  }
0x53: {  	_ =	shalt  }
0x54: {  	_ =	shalt  }
0x55: {  	_ =	shalt  }
0x56: {  	_ =	shalt  }
0x57: {  	_ =	shalt  }
0x58: {  	_ =	shalt  }
0x59: {  	_ =	shalt  }
0x5a: {  	_ =	shalt  }
0x5b: {  	_ =	shalt  }
0x5c: {  	_ =	shalt  }
0x5d: {  	_ =	shalt  }
0x5e: {  	_ =	shalt  }
0x5f: {  	_ =	shalt  }
0x60: {  	_ =	shalt  }
0x61: {  	_ =	shalt  }
0x62: {  	_ =	shalt  }
0x63: {  	_ =	shalt  }
0x64: {  	_ =	shalt  }
0x65: {  	_ =	shalt  }
0x66: {  	_ =	shalt  }
0x67: {  	_ =	shalt  }
0x68: {  	_ =	shalt  }
0x69: {  	_ =	shalt  }
0x6a: {  	_ =	shalt  }
0x6b: {  	_ =	shalt  }
0x6c: {  	_ =	shalt  }
0x6d: {  	_ =	shalt  }
0x6e: {  	_ =	shalt  }
0x6f: {  	_ =	shalt  }
0x70: {  	_ =	shalt  }
0x71: {  	_ =	shalt  }
0x72: {  	_ =	shalt  }
0x73: {  	_ =	shalt  }
0x74: {  	_ =	shalt  }
0x75: {  	_ =	shalt  }
0x76: {  	_ =	shalt  }
0x77: {  	_ =	shalt  }
0x78: {  	_ =	shalt  }
0x79: {  	_ =	shalt  }
0x7a: {  	_ =	shalt  }
0x7b: {  	_ =	shalt  }
0x7c: {  	_ =	shalt  }
0x7d: {  	_ =	shalt  }
0x7e: {  	_ =	shalt  }
0x7f: {  	_ =	shalt  }
0x80: {  	_ =	shalt  }
0x81: {  	_ =	shalt  }
0x82: {  	_ =	shalt  }
0x83: {  	_ =	shalt  }
0x84: {  	_ =	shalt  }
0x85: {  	_ =	shalt  }
0x86: {  	_ =	shalt  }
0x87: {  	_ =	shalt  }
.Lfunc_end0:
.L_simem_size_0:
called_computation.4_lowered:
.L_overlay_start_0:
0x88: {  	s2 =	sld [smem:$0x3FD9]  }
0x89: {  	s3 =	sld [smem:$0x3FFE];
	_ =	sdelay $0x1  }
0x8a: {  	s1 =	srdreg.scid  }
0x8b: {  	s0 =	sand.u32 $0x1, s1  }
0x8c: {  	s16 =	sshll.u32 s0, $0xA;
	s2 =	sadd.s32 s3, s2  }
0x8d: {  	s2 =	sadd.s32 s2, s16  }
0x8e: {  	[smem:$0x3FB9] =	sst s2  }
0x8f: {  	_ = 	snop  }
0x90: {  	(tm) =	ssettm $0x1  }
0x91: {  	s17 =	sld [smem:$0x3FFB];
	_ =	sdelay $0x3  }
0x92: {  	_ =	strace s17  }
0x93: {  	s2 =	sld [smem:$0x3FFC];
	_ =	sdelay $0x3  }
0x94: {  	_ =	strace s2  }
0x95: {  	s2 =	sld [smem:$0x3FFD];
	_ =	sdelay $0x3  }
0x96: {  	_ =	strace s2  }
0x97: {  	_ =	strace $0x8FFFFFFF  }
0x98: {  	s18 =	sld [smem:$0x3FDB];
	_ =	sdelay $0x1  }
0x99: {  	s19 =	simm.s32 $_scs_section_size  }
0x9a: {  	s4 =	simm.s32 $_size__tile_overlayer_lowered;
	s5 =	simm.s32 $_tile_overlayer_lowered  }
0x9b: {  	s22 =	simm.s32 $0x1BFF;
	s21 =	sshll.u32 s5, $0x1;
	s2 =	sadd.s32 s19, s18  }
0x9c: {  	s6 =	simm.s32 $0x0;
	s20 =	sshll.u32 s4, $0x1;
	s4 =	sadd.s32 s21, s2  }
0x9d: {  	[timem:s6], [sflag:s22] =	dma.local [hbm:s4], s20  }
0x9e: {  	_ =	swait.ge [sflag:s22], s20  }
0x9f: {  	s3 =	ssub.s32 $0x0, s20;
	[sflag:s22] =	ssyncset.done $0x0  }
0xa0: {  	[sflag:s22] =	ssyncadd.s32 s3;
	_ =	sdelay $0x1  }
0xa1: {  	s23 =	simm.s32 $0x1B8B  }
0xa2: {  	_ =	swait.ge [sflag:s23], $0x1  }
0xa3: {  	[sflag:s23] =	ssyncset.done $0x0  }
0xa4: {  	s25 =	simm.s32 $0x1B8E;
	s24 =	sld [smem:$0x3FFE];
	[sflag:s23] =	ssyncadd.s32 $0xFFFFFFFF  }
0xa5: {  	s26 =	simm.s32 $execute0_lowered;
	[smem:$0x3FD2] =	sst s25  }
0xa6: {  	s4 =	sshll.u32 s26, $0x1;
	_ =	strace $0x80000052;
	[dreg:$0x1] =	wrdreg $0xFFFFFFFF  }
0xa7: {  	s28 =	simm.s32 $_size_execute0_lowered;
	s2 =	sadd.s32 s2, s4;
	[dreg:$0x0] =	wrdreg $0x0  }
0xa8: {  	s4 =	sshll.u32 s28, $0x1;
	[dreg:$0x2] =	wrdreg s2  }
0xa9: {  	[dreg:$0x3] =	wrdreg s4  }
0xaa: {  	[dreg:$0x4] =	wrdreg $0xC0  }
0xab: {  	_ =	task [dreg:s6], $0x5FFFF  }
0xac: {  	[dreg:$0x1] =	wrdreg $0xFFFFFFFF  }
0xad: {  	[dreg:$0x0] =	wrdreg $0x60  }
0xae: {  	[dreg:$0x2] =	wrdreg s24  }
0xaf: {  	[dreg:$0x3] =	wrdreg $0x90000  }
0xb0: {  	[dreg:$0x4] =	wrdreg $0x12E000  }
0xb1: {  	[dreg:$0x5] =	wrdreg $0x9  }
0xb2: {  	_ =	task.clear_ibuf [dreg:s6], $0x6FFFF;
	_ =	strace $0x90000052  }
0xb3: {  	s29 =	simm.s32 $0x9;
	_ =	strace $0x80000054  }
0xb4: {  	_ =	swait.ge [sflag:s29], $0x1  }
0xb5: {  	[sflag:s29] =	ssyncadd.s32 $0xFFFFFFFF  }
0xb6: {  	_ =	strace $0x90000054  }
0xb7: {  	_ =	sfence  }
0xb8: {  	s30 =	sld [smem:$0x0];
	_ =	sdelay $0x2  }
0xb9: {  	s31 =	sshll.u32 s1, $0xD;
	s1 =	sshrl.u32 s1, $0x2  }
0xba: {  	s3 =	sand.u32 $0x4000, s31;
	s1 =	sadd.s32 s1, s30  }
0xbb: {  	s0 =	sor.u32 s3, s0;
	s1 =	sshll.u32 s1, $0x11  }
0xbc: {  	s0 =	sor.u32 s1, s0  }
0xbd: {  	s0 =	sadd.s32 $0x8F2B, s0  }
0xbe: {  	[sflag:s0] =	ssyncadd.remote.s32 $0x1  }
0xbf: {  	_ =	sfence.sel $0xFFFF  }
0xc0: {  	[dreg:$0x0] =	wrdreg $0xFFFFFFFF;
	(pc) =	sbr.abs _section_cstart, $3  }
0xc1: {  	[dreg:$0x1] =	wrdreg $0xFFFFFFFF  }
0xc2: {  	_ =	task.clear_ibuf [dreg:s6], $0x2FFFF;
	_ =	strace $0x9FFFFFFF  }
0xc3: {  	(tm) =	ssettm $0x7FFFFFFF  }
tec
execute0_lowered:
.L_overlay_start_1:
0x0: {  	(tag) =	ssettag $0x1  }
0x1: {  	s7 =	rddreg [dreg:$0x0]  }
0x2: {  	s0 =	srdreg.scid;
	s2 =	rddreg [dreg:$0x1]  }
0x3: {  	s3 =	rddreg [dreg:$0x2];
	s4 =	simm.s32 $0x0;
	s14 =	simm.s32 $0x2800  }
0x4: {  	s18 =	simm.s32 $0x80;
	s19 =	simm.s32 $0x5000;
	s20 =	simm.s32 $0x7000  }
0x5: {  	s21 =	simm.s32 $0x1;
	s22 =	simm.s32 $0x2;
	s23 =	simm.s32 $0x3  }
0x6: {  	s24 =	simm.s32 $0x4;
	s8 =	sand.u32 $0x1, s0;
	s0 =	stileid.u32  }
0x7: {  	s25 =	simm.s32 $0x0;
	[smem:$0x7FF] =	sst s4;
	s10 =	smul.u32 $0x9E00, s0  }
0x8: {  	s6 =	sadd.s32 $0x4EE00, s7;
	s1 =	sshll.u32 s8, $0x4;
	s11 =	smul.u32 $0x9E000, s8  }
0x9: {  	s8 =	ssub.s32 $0x2, s8;
	s15 =	sshll.u32 s0, $0x6;
	s5 =	sor.u32 s0, s1  }
0xa: {  	s1 =	rddreg [dreg:$0x3];
	_ =	strace $0x80000053;
	s13 =	sshrl.u32 s8, $0x1  }
0xb: {  	s15 =	sor.u32 $0x1C05, s15;
	s9 =	smul.u32 $0x500, s5;
	s5 =	sadd.s32 $0x62800, s7  }
0xc: {  	s12 =	sshrl.u32 s10, $0x3;
	s11 =	sadd.s32 s10, s11;
	s13 =	ssub.s32 s8, s13  }
0xd: {  	s16 =	sadd.s32 s10, s2;
	s17 =	sadd.s32 s10, s3;
	s12 =	sadd.s32 s12, s7  }
0xe: {  	s11 =	sshrl.u32 s11, $0x3;
	s16 =	sshrl.u32 s16, $0x3;
	s9 =	sadd.s32 s9, s7  }
0xf: {  	s17 =	sshrl.u32 s17, $0x3;
	s11 =	sadd.s32 s11, s7;
	s7 =	sadd.s32 $0x44E00, s9  }
0x10: {  	s8 =	sadd.s32 $0x4E00, s9;
	s9 =	sadd.s32 $0x76200, s12;
	s10 =	sadd.s32 $0xB1600, s11  }
0x11: {  	s11 =	sadd.s32 $0x89E00, s11;
	s12 =	smax.u32 s13, $0x1;
	s13 =	simm.s32 $0x5  }
.LBB2_1:
0x12: {  	[tilespmem:s4], [sflag:$0x5] =	stream.linear.gather [hbm4b:s7+s4], $0x2800, $0x38;
	[tilespmem:$0x1CC00] =	vst v63  }
0x13: {  	_ =	swait.ge [sflag:s13], $0x2800  }
0x14: {  	[sflag:s13] =	ssyncset.done $0x0  }
0x15: {  	[sflag:s13] =	ssyncadd.s32 $0xFFFFD800  }
0x16: {  	[tilespmem:s14], [sflag:$0x5] =	stream.linear.gather [hbm4b:s8+s4], $0x2800, $0x38;
	[tilespmem:$0x1CC00] =	vst v63  }
0x17: {  	_ =	swait.ge [sflag:s13], $0x2800  }
0x18: {  	[sflag:s13] =	ssyncset.done $0x0  }
0x19: {  	[sflag:s13] =	ssyncadd.s32 $0xFFFFD800  }
0x1a: {  	[spmem:s16], [sflag:s15] =	dma.local [hbm:s9], $0x13C0  }
0x1b: {  	_ =	swait.ge [sflag:s13], $0x13C0  }
0x1c: {  	[sflag:s13] =	ssyncset.done $0x0  }
0x1d: {  	[sflag:s13] =	ssyncadd.s32 $0xFFFFEC40  }
0x1e: {  	[spmem:s17], [sflag:s15] =	dma.local [hbm:s9], $0x13C0  }
0x1f: {  	_ =	swait.ge [sflag:s13], $0x13C0  }
0x20: {  	[sflag:s13] =	ssyncset.done $0x0  }
0x21: {  	[sflag:s13] =	ssyncadd.s32 $0xFFFFEC40  }
0x22: {  	s26 =	simm.s32 $0x0;
	[bflag:$0x0] =	sbarrier.arrive $0xFFFF  }
0x23: {  	[tilespmem:s19], [sflag:$0x1] =	stream.indirect.gather [hbm4b:s5+s18], $0x40, s26, s18, $0xb8;
	[tilespmem:$0x1CC00] =	vst v63  }
0x24: {  	_ = 	snop  }
0x25: {  	[tilespmem:s20], [sflag:$0x2] =	stream.indirect.gather [hbm4b:s6+s18], $0x40, s26, s18, $0xb8;
	[tilespmem:$0x1CC00] =	vst v63  }
0x26: {  	_ =	swait.ge [sflag:s21], $0x2000  }
0x27: {  	[sflag:s21] =	ssyncset.done $0x0  }
0x28: {  	s31 =	simm.s32 $0x2800;
	[sflag:s21] =	ssyncadd.s32 $0xFFFFE000  }
0x29: {  	[spmem:s2] =	stream.indirect.scatter.add.f32 [tilespmem:s19], [sflag:$0x3], $0x40, s31, s18, $0xb8;
	[tilespmem:$0x1CC00] =	vst v63  }
0x2a: {  	_ =	swait.ge [sflag:s22], $0x2000  }
0x2b: {  	[sflag:s22] =	ssyncset.done $0x0  }
0x2c: {  	[sflag:s22] =	ssyncadd.s32 $0xFFFFE000  }
0x2d: {  	[spmem:s3] =	stream.indirect.scatter.add.f32 [tilespmem:s20], [sflag:$0x4], $0x40, s31, s18, $0xb8;
	[tilespmem:$0x1CC00] =	vst v63  }
0x2e: {  	_ =	swait.ge [sflag:s23], $0x2000  }
0x2f: {  	[sflag:s23] =	ssyncset.done $0x0  }
0x30: {  	[sflag:s23] =	ssyncadd.s32 $0xFFFFE000  }
0x31: {  	_ =	swait.ge [sflag:s24], $0x2000  }
0x32: {  	s28 =	simm.s32 $0x400;
	s26 =	simm.s32 $0x200;
	[sflag:s24] =	ssyncset.done $0x0  }
.LBB2_2:
0x33: {  	s29 =	sshra.s32 s26, $0x2  }
0x34: {  	[sflag:s24] =	ssyncadd.s32 $0xFFFFE000;
	s26 =	smov.u32 s28;
	s30 =	sadd.s32 $0x200, s28  }
0x35: {  	[tilespmem:s19], [sflag:$0x1] =	stream.indirect.gather [hbm4b:s5+s18], $0x40, s29, s18, $0xb8;
	[tilespmem:$0x1CC00] =	vst v63  }
0x36: {  	p0 =	sne.s32 s28, $0x9E00  }
0x37: {  	[tilespmem:s20], [sflag:$0x2] =	stream.indirect.gather [hbm4b:s6+s18], $0x40, s29, s18, $0xb8;
	[tilespmem:$0x1CC00] =	vst v63  }
0x38: {  	_ =	swait.ge [sflag:s21], $0x2000  }
0x39: {  	[sflag:s21] =	ssyncset.done $0x0  }
0x3a: {  	s28 =	sadd.s32 $0x2800, s29;
	[sflag:s21] =	ssyncadd.s32 $0xFFFFE000  }
0x3b: {  	[spmem:s2] =	stream.indirect.scatter.add.f32 [tilespmem:s19], [sflag:$0x3], $0x40, s28, s18, $0xb8;
	[tilespmem:$0x1CC00] =	vst v63  }
0x3c: {  	_ =	swait.ge [sflag:s22], $0x2000  }
0x3d: {  	[sflag:s22] =	ssyncset.done $0x0  }
0x3e: {  	[sflag:s22] =	ssyncadd.s32 $0xFFFFE000  }
0x3f: {  	[spmem:s3] =	stream.indirect.scatter.add.f32 [tilespmem:s20], [sflag:$0x4], $0x40, s28, s18, $0xb8;
	[tilespmem:$0x1CC00] =	vst v63  }
.Ltmp0:
0x40: {  	_ =	swait.ge [sflag:s23], $0x2000;
	(pc) =	sbr.rel @p0 .LBB2_2-.Ltmp0, $4  }
0x41: {  	[sflag:s23] =	ssyncset.done $0x0  }
0x42: {  	[sflag:s23] =	ssyncadd.s32 $0xFFFFE000  }
0x43: {  	_ =	swait.ge [sflag:s24], $0x2000  }
0x44: {  	s28 =	smov.u32 s30;
	[sflag:s24] =	ssyncset.done $0x0  }
0x45: {  	s26 =	sshra.s32 s26, $0x2;
	[sflag:s24] =	ssyncadd.s32 $0xFFFFE000  }
0x46: {  	[tilespmem:s19], [sflag:$0x1] =	stream.indirect.gather [hbm4b:s5+s18], $0x40, s26, s18, $0xb8;
	[tilespmem:$0x1CC00] =	vst v63  }
0x47: {  	_ = 	snop  }
0x48: {  	[tilespmem:s20], [sflag:$0x2] =	stream.indirect.gather [hbm4b:s6+s18], $0x40, s26, s18, $0xb8;
	[tilespmem:$0x1CC00] =	vst v63  }
0x49: {  	_ =	swait.ge [sflag:s21], $0x2000  }
0x4a: {  	[sflag:s21] =	ssyncset.done $0x0  }
0x4b: {  	s26 =	sadd.s32 $0x2800, s26;
	[sflag:s21] =	ssyncadd.s32 $0xFFFFE000  }
0x4c: {  	[spmem:s2] =	stream.indirect.scatter.add.f32 [tilespmem:s19], [sflag:$0x3], $0x40, s26, s18, $0xb8;
	[tilespmem:$0x1CC00] =	vst v63  }
0x4d: {  	_ =	swait.ge [sflag:s22], $0x2000  }
0x4e: {  	[sflag:s22] =	ssyncset.done $0x0  }
0x4f: {  	[sflag:s22] =	ssyncadd.s32 $0xFFFFE000  }
0x50: {  	[spmem:s3] =	stream.indirect.scatter.add.f32 [tilespmem:s20], [sflag:$0x4], $0x40, s26, s18, $0xb8;
	[tilespmem:$0x1CC00] =	vst v63  }
0x51: {  	_ =	swait.ge [sflag:s23], $0x2000  }
0x52: {  	[sflag:s23] =	ssyncset.done $0x0  }
0x53: {  	[sflag:s23] =	ssyncadd.s32 $0xFFFFE000  }
0x54: {  	_ =	swait.ge [sflag:s24], $0x2000  }
0x55: {  	[sflag:s24] =	ssyncset.done $0x0  }
0x56: {  	[sflag:s24] =	ssyncadd.s32 $0xFFFFE000  }
0x57: {  	[bflag:$0x0] =	sbarrier.arrive $0xFFFF  }
0x58: {  	[hbm:s10], [sflag:s15] =	dma.local [spmem:s16], $0x13C0  }
0x59: {  	s25 =	sadd.s32 $0x1, s25;
	_ =	swait.ge [sflag:s13], $0x13C0  }
0x5a: {  	p0 =	sne.s32 s25, s12;
	[sflag:s13] =	ssyncset.done $0x0  }
.Ltmp1:
0x5b: {  	[sflag:s13] =	ssyncadd.s32 $0xFFFFEC40;
	(pc) =	sbr.rel @p0 .LBB2_1-.Ltmp1, $4  }
0x5c: {  	[hbm:s11], [sflag:s15] =	dma.local [spmem:s17], $0x13C0  }
0x5d: {  	_ =	swait.ge [sflag:s13], $0x13C0  }
0x5e: {  	[sflag:s13] =	ssyncset.done $0x0  }
0x5f: {  	[sflag:s13] =	ssyncadd.s32 $0xFFFFEC40  }
0x60: {  	_ =	sfence.sel $0x180000  }
0x61: {  	[bflag:$0x0] =	sbarrier.arrive $0xFFFF  }
0x62: {  	p0 =	sne.s32 s0, $0x0;
	_ =	strace $0x90000053  }
0x63: {  	s0 =	sadd.s32 @!p0 $0x100000, s1;
	[bflag:$0x2] =	sbarrier.arrive $0xFFFF  }
0x64: {  	[sflag:s0] =	ssyncadd.tile.s32 @!p0 $0x1;
	_ =	shalt  }
.Lfunc_end2:
_tile_overlayer_lowered:
.L_overlay_start_2:
0x65: {  	(tag) =	ssettag $0x2  }
0x66: {  	s0 =	rddreg [dreg:$0x0];
	s2 =	stileid.u32  }
0x67: {  	s1 =	rddreg [dreg:$0x1];
	p0 =	sne.s32 s2, $0x0  }
0x68: {  	s3 =	rddreg [dreg:$0x2];
	[bflag:$0x3] =	sbarrier.arrive $0xFFFF;
	s2 =	simm.s32 @!p0 $0x1C05  }
0x69: {  	[timem:s3], [sflag:s2] =	dma.local @!p0 [hbm:s0], s1  }
0x6a: {  	s0 =	simm.s32 @!p0 $0x5  }
0x6b: {  	_ =	swait.ge @!p0 [sflag:s0], s1  }
0x6c: {  	s1 =	ssub.s32 @!p0 $0x0, s1;
	[sflag:s0] =	ssyncset.done @!p0 $0x0  }
0x6d: {  	[sflag:s0] =	ssyncadd.s32 @!p0 s1  }
0x6e: {  	[bflag:$0x3] =	sbarrier.arrive $0xFFFF  }
0x6f: {  	_ =	shalt  }

</sc_bundles>
